<compile_context>
chip_gen: v7x
topology: tpu7x:2x2x1
jax: 0.10.2.dev20260603
libtpu: 0.0.44.dev20260713+nightly
codegen_flags: <defaults>
</compile_context>

<pallas_src>
import functools

import jax
import jax.numpy as jnp
from jax import lax
from jax.experimental import pallas as pl
from jax.experimental.pallas import tpu as pltpu
from jax.experimental.pallas import tpu_sc as plsc

N_NODES = 10000
N_PAD = 10240
E_EDGES = 160000
E_PAD = 163840
N_TILES = 32
CHUNKS = 40
CHUNK = 128
N_CHUNKS = 1280
CH0 = 50
CH1 = 30
CH_MAX = max(CH0, CH1)
N_CHUNKS_PAD = N_CHUNKS + CH_MAX
ROWS_PER_TILE = N_PAD // 16
NEG_INF = -3.0e38


def _stage1_body(x_ref, wl_ref, wr_ref, t1_ref, xr_ref):
    xb = x_ref[...]
    t1_ref[...] = jnp.dot(xb, wl_ref[...], preferred_element_type=jnp.float32)
    xr_ref[...] = jnp.dot(xb, wr_ref[...], preferred_element_type=jnp.float32)


def _stage1(x, wl, wr):
    return pl.pallas_call(
        _stage1_body,
        grid=(N_NODES // 400,),
        in_specs=[
            pl.BlockSpec((400, 256), lambda i: (i, 0)),
            pl.BlockSpec((256, 16), lambda i: (0, 0)),
            pl.BlockSpec((256, 16), lambda i: (0, 0)),
        ],
        out_specs=[
            pl.BlockSpec((400, 16), lambda i: (i, 0)),
            pl.BlockSpec((400, 16), lambda i: (i, 0)),
        ],
        out_shape=[
            jax.ShapeDtypeStruct((N_PAD, 16), jnp.float32),
            jax.ShapeDtypeStruct((N_PAD, 16), jnp.float32),
        ],
    )(x, wl, wr)


@functools.lru_cache(maxsize=None)
def _make_sc_agg(width):
    mesh = plsc.VectorSubcoreMesh(core_axis_name="c", subcore_axis_name="s")

    @functools.partial(
        pl.kernel,
        mesh=mesh,
        out_type=jax.ShapeDtypeStruct((2, N_PAD, width), jnp.float32),
        scratch_types=[
            pltpu.VMEM((CH_MAX, 2, CHUNK), jnp.int32),
            [pltpu.VMEM((CHUNK, width), jnp.float32) for _ in range(2)],
            pltpu.VMEM_SHARED((N_PAD, width), jnp.float32),
            [pltpu.SemaphoreType.DMA for _ in range(2)],
        ],
        compiler_params=pltpu.CompilerParams(use_tc_tiling_on_sc=False),
    )
    def sc_agg(table_hbm, edge_hbm, zero_hbm, out_hbm,
               idx_v, rows, acc_sh, gsem):
        c = lax.axis_index("c")
        s = lax.axis_index("s")
        row0 = s * ROWS_PER_TILE
        pltpu.sync_copy(zero_hbm.at[pl.ds(row0, ROWS_PER_TILE)],
                        acc_sh.at[pl.ds(row0, ROWS_PER_TILE)])
        cstart = jnp.where(c == 0, s * CH0, 16 * CH0 + s * CH1)
        pltpu.sync_copy(edge_hbm.at[pl.ds(cstart, CH_MAX)], idx_v)
        plsc.subcore_barrier()

        for b in range(2):
            pltpu.async_copy(table_hbm.at[idx_v.at[b, 0]], rows[b], gsem[b])

        def run(nch):
            def body(i, carry):
                for b in range(2):
                    j = 2 * i + b
                    pltpu.make_async_copy(table_hbm.at[idx_v.at[0, 0]],
                                          rows[b], gsem[b]).wait()
                    pltpu.sync_copy(rows[b], acc_sh.at[idx_v.at[j, 1]],
                                    add=True)

                    @pl.when(j + 2 < nch)
                    def _prefetch():
                        pltpu.async_copy(table_hbm.at[idx_v.at[j + 2, 0]],
                                         rows[b], gsem[b])
                return carry

            lax.fori_loop(0, nch // 2, body, 0)

        @pl.when(c == 0)
        def _run0():
            run(CH0)

        @pl.when(c == 1)
        def _run1():
            run(CH1)

        plsc.subcore_barrier()
        pltpu.sync_copy(acc_sh.at[pl.ds(row0, ROWS_PER_TILE)],
                        out_hbm.at[c, pl.ds(row0, ROWS_PER_TILE)])

    return sc_agg


def _sc_agg(table, edge4, zero, width):
    return _make_sc_agg(width)(table, edge4, zero)


@functools.lru_cache(maxsize=None)
def _make_sc_agg_deg():
    mesh = plsc.VectorSubcoreMesh(core_axis_name="c", subcore_axis_name="s")
    width = 16

    @functools.partial(
        pl.kernel,
        mesh=mesh,
        out_type=[
            jax.ShapeDtypeStruct((2, N_PAD, width), jnp.float32),
            jax.ShapeDtypeStruct((2, N_PAD), jnp.float32),
        ],
        scratch_types=[
            pltpu.VMEM((CH_MAX, 2, CHUNK), jnp.int32),
            [pltpu.VMEM((CHUNK, width), jnp.float32) for _ in range(2)],
            pltpu.VMEM((N_PAD,), jnp.float32),
            pltpu.VMEM((16, ROWS_PER_TILE), jnp.float32),
            pltpu.VMEM((ROWS_PER_TILE,), jnp.float32),
            pltpu.VMEM_SHARED((N_PAD, width), jnp.float32),
            pltpu.VMEM_SHARED((16, N_PAD), jnp.float32),
            [pltpu.SemaphoreType.DMA for _ in range(2)],
            [pltpu.SemaphoreType.DMA for _ in range(2)],
        ],
        compiler_params=pltpu.CompilerParams(use_tc_tiling_on_sc=False,
                                             needs_layout_passes=False),
    )
    def sc_agg_deg(table_hbm, edge_hbm, zero_hbm, out_hbm, deg_hbm,
                   idx_v, rows, deg_v, red_v, dsum_v, acc_sh, deg_sh,
                   gsem, ssem):
        c = lax.axis_index("c")
        s = lax.axis_index("s")
        row0 = s * ROWS_PER_TILE
        pltpu.sync_copy(zero_hbm.at[pl.ds(row0, ROWS_PER_TILE)],
                        acc_sh.at[pl.ds(row0, ROWS_PER_TILE)])
        cstart = jnp.where(c == 0, s * CH0, 16 * CH0 + s * CH1)
        pltpu.sync_copy(edge_hbm.at[pl.ds(cstart, CH_MAX)], idx_v)
        zeros16 = jnp.zeros((16,), jnp.float32)
        ones16 = jnp.ones((16,), jnp.float32)

        def zbody(i, carry):
            deg_v[pl.ds(i * 16, 16)] = zeros16
            return carry

        lax.fori_loop(0, N_PAD // 16, zbody, 0)
        plsc.subcore_barrier()

        for b in range(2):
            pltpu.async_copy(table_hbm.at[idx_v.at[b, 0]], rows[b], gsem[b])

        def run(nch):
            def body(i, carry):
                for b in range(2):
                    j = 2 * i + b
                    pltpu.make_async_copy(table_hbm.at[idx_v.at[0, 0]],
                                          rows[b], gsem[b]).wait()
                    pltpu.async_copy(rows[b], acc_sh.at[idx_v.at[j, 1]],
                                     ssem[b], add=True)
                    for k in range(8):
                        idx16 = idx_v[j, 1, pl.ds(k * 16, 16)]
                        plsc.addupdate_scatter(deg_v, [idx16], ones16)

                    @pl.when(j + 2 < nch)
                    def _prefetch():
                        pltpu.make_async_copy(rows[b],
                                              acc_sh.at[idx_v.at[0, 1]],
                                              ssem[b]).wait()
                        pltpu.async_copy(table_hbm.at[idx_v.at[j + 2, 0]],
                                         rows[b], gsem[b])
                return carry

            lax.fori_loop(0, nch // 2, body, 0)

        @pl.when(c == 0)
        def _run0():
            run(CH0)

        @pl.when(c == 1)
        def _run1():
            run(CH1)

        for b in range(2):
            pltpu.make_async_copy(rows[b], acc_sh.at[idx_v.at[0, 1]],
                                  ssem[b]).wait()
        pltpu.sync_copy(deg_v, deg_sh.at[s])
        plsc.subcore_barrier()
        pltpu.sync_copy(acc_sh.at[pl.ds(row0, ROWS_PER_TILE)],
                        out_hbm.at[c, pl.ds(row0, ROWS_PER_TILE)])
        pltpu.sync_copy(deg_sh.at[pl.ds(0, 16), pl.ds(row0, ROWS_PER_TILE)],
                        red_v)

        def rbody(i, carry):
            t = red_v[0, pl.ds(i * 16, 16)]
            for k in range(1, 16):
                t = t + red_v[k, pl.ds(i * 16, 16)]
            dsum_v[pl.ds(i * 16, 16)] = t
            return carry

        lax.fori_loop(0, ROWS_PER_TILE // 16, rbody, 0)
        pltpu.sync_copy(dsum_v, deg_hbm.at[c, pl.ds(row0, ROWS_PER_TILE)])

    return sc_agg_deg


def _stage2_body(a0_ref, a1_ref, deg_ref, xr_ref, w2l_ref, w2r_ref, b1_ref,
                 g1_ref, be1_ref, b2_ref, t2_ref, r2_ref, inv_ref):
    i = pl.program_id(0)
    agg = a0_ref[...] + a1_ref[...]
    dd = deg_ref[...].T
    deg = dd[:, 0:1] + dd[:, 1:2]
    invd = 1.0 / jnp.maximum(deg, 1.0)
    pre = agg * invd + b1_ref[...] + xr_ref[...]
    h = jnp.maximum(pre, 0.0)
    mu = jnp.mean(h, axis=1, keepdims=True)
    var = jnp.mean((h - mu) ** 2, axis=1, keepdims=True)
    hn = (h - mu) * lax.rsqrt(var + 1e-5) * g1_ref[...] + be1_ref[...]
    rows = i * 256 + lax.broadcasted_iota(jnp.int32, (256, 1), 0)
    valid = rows < N_NODES
    hl = jnp.dot(hn, w2l_ref[...], preferred_element_type=jnp.float32)
    t2_ref[...] = jnp.where(valid, hl, 0.0)
    r2_ref[...] = jnp.dot(hn, w2r_ref[...],
                          preferred_element_type=jnp.float32) + b2_ref[...]
    inv_ref[...] = invd


def _stage2(acc0, acc1, deg, xr, w2l, w2r, b1, g1, be1, b2):
    row = lambda i: (i, 0)
    full = lambda i: (0, 0)
    return pl.pallas_call(
        _stage2_body,
        grid=(N_PAD // 256,),
        in_specs=[
            pl.BlockSpec((256, 16), row),
            pl.BlockSpec((256, 16), row),
            pl.BlockSpec((2, 256), lambda i: (0, i)),
            pl.BlockSpec((256, 16), row),
            pl.BlockSpec((16, 16), full),
            pl.BlockSpec((16, 16), full),
            pl.BlockSpec((1, 16), full),
            pl.BlockSpec((1, 16), full),
            pl.BlockSpec((1, 16), full),
            pl.BlockSpec((1, 16), full),
        ],
        out_specs=[
            pl.BlockSpec((256, 16), row),
            pl.BlockSpec((256, 16), row),
            pl.BlockSpec((256, 1), row),
        ],
        out_shape=[
            jax.ShapeDtypeStruct((N_PAD, 16), jnp.float32),
            jax.ShapeDtypeStruct((N_PAD, 16), jnp.float32),
            jax.ShapeDtypeStruct((N_PAD, 1), jnp.float32),
        ],
    )(acc0, acc1, deg, xr, w2l, w2r, b1, g1, be1, b2)


def _stage3_body(a0_ref, a1_ref, r2_ref, inv_ref, batch_ref,
                 wf1_ref, bf1_ref, g2_ref, be2_ref, wf2_ref, bf2_ref,
                 out_ref, pool_ref):
    i = pl.program_id(0)
    nblk = pl.num_programs(0)
    h2n = jnp.maximum(
        (a0_ref[...] + a1_ref[...]) * inv_ref[...] + r2_ref[...],
        0.0)
    h2 = h2n.T
    b = batch_ref[...]

    @pl.when(i == 0)
    def _init():
        pool_ref[...] = jnp.full((16, 64), NEG_INF, jnp.float32)

    cols = []
    for g in range(64):
        cand = jnp.where(b == g, h2, NEG_INF)
        cols.append(jnp.max(cand, axis=1, keepdims=True))
    blk = jnp.concatenate(cols, axis=1)
    pool_ref[...] = jnp.maximum(pool_ref[...], blk)

    @pl.when(i == nblk - 1)
    def _head():
        pooled = pool_ref[...].T
        z = jnp.dot(pooled, wf1_ref[...],
                    preferred_element_type=jnp.float32) + bf1_ref[...]
        mu = jnp.mean(z, axis=1, keepdims=True)
        var = jnp.mean((z - mu) ** 2, axis=1, keepdims=True)
        z = (z - mu) * lax.rsqrt(var + 1e-5) * g2_ref[...] + be2_ref[...]
        z = jnp.maximum(z, 0.0)
        z = jnp.dot(z, wf2_ref[...],
                    preferred_element_type=jnp.float32) + bf2_ref[...]
        m = jnp.max(z, axis=1, keepdims=True)
        lse = m + jnp.log(jnp.sum(jnp.exp(z - m), axis=1, keepdims=True))
        out_ref[...] = z - lse


def _stage3(a0, a1, r2, inv, batch_t, wf1, bf1, g2, be2, wf2, bf2):
    row = lambda i: (i, 0)
    rowt = lambda i: (0, i)
    full = lambda i: (0, 0)
    out, _ = pl.pallas_call(
        _stage3_body,
        grid=(N_PAD // 1024,),
        in_specs=[
            pl.BlockSpec((1024, 16), row),
            pl.BlockSpec((1024, 16), row),
            pl.BlockSpec((1024, 16), row),
            pl.BlockSpec((1024, 1), row),
            pl.BlockSpec((1, 1024), rowt),
            pl.BlockSpec((16, 32), full),
            pl.BlockSpec((1, 32), full),
            pl.BlockSpec((1, 32), full),
            pl.BlockSpec((1, 32), full),
            pl.BlockSpec((32, 2), full),
            pl.BlockSpec((1, 2), full),
        ],
        out_specs=[
            pl.BlockSpec((64, 2), full),
            pl.BlockSpec((16, 64), full),
        ],
        out_shape=[
            jax.ShapeDtypeStruct((64, 2), jnp.float32),
            jax.ShapeDtypeStruct((16, 64), jnp.float32),
        ],
    )(a0, a1, r2, inv, batch_t, wf1, bf1, g2, be2, wf2, bf2)
    return out


def kernel(x, edge_index, edge_attr, batch, W1l, W1r, b1, g1, be1,
           W2l, W2r, b2, Wf1, bf1, g2, be2, Wf2, bf2):
    edge4 = jnp.full((2, N_CHUNKS_PAD * CHUNK), N_NODES,
                     jnp.int32).at[:, :E_EDGES].set(
        edge_index.astype(jnp.int32)).reshape(
            2, N_CHUNKS_PAD, CHUNK).transpose(1, 0, 2)
    batch_t = jnp.full((1, N_PAD), 64, jnp.int32).at[0, :N_NODES].set(
        batch.astype(jnp.int32))
    zero16 = jnp.zeros((N_PAD, 16), jnp.float32)

    table1, xr = _stage1(x, W1l, W1r)
    acc1, degp = _make_sc_agg_deg()(table1, edge4, zero16)
    table2, rest2, invdeg = _stage2(
        acc1[0], acc1[1], degp, xr, W2l, W2r,
        b1.reshape(1, 16), g1.reshape(1, 16), be1.reshape(1, 16),
        b2.reshape(1, 16))
    acc2 = _sc_agg(table2, edge4, zero16, 16)
    return _stage3(acc2[0], acc2[1], rest2, invdeg, batch_t,
                   Wf1, bf1.reshape(1, 32), g2.reshape(1, 32),
                   be2.reshape(1, 32), Wf2, bf2.reshape(1, 2))

# --- scband reference (transcript-rebuilt; emitter-appended) ---
"""Pipeline reference for scband-graph-sage-23467701305630 (READ-ONLY COPY).

The authoritative reference and input builder live on the scoring server;
editing this copy changes nothing except your own understanding.
"""

import jax, jax.numpy as jnp
import numpy as np


def _layer_norm(x, g, b, eps=1e-5):
    m = jnp.mean(x, axis=-1, keepdims=True)
    v = jnp.var(x, axis=-1, keepdims=True)
    return (x - m) / jnp.sqrt(v + eps) * g + b


def _sage_conv(x, edge_index, Wl, Wr, b, n_nodes):
    # mean-aggregate neighbor features (PyG SAGEConv default), then
    # out = lin_l(mean_agg) + lin_r(x)
    src = edge_index[0]
    dst = edge_index[1]
    msgs = x[src]
    agg = jax.ops.segment_sum(msgs, dst, num_segments=n_nodes)
    deg = jax.ops.segment_sum(jnp.ones((edge_index.shape[1],), x.dtype), dst, num_segments=n_nodes)
    mean = agg / jnp.maximum(deg, 1.0)[:, None]
    return mean @ Wl + b + x @ Wr


def setup_inputs(seed: int = 0):
    key = jax.random.key(seed)
    ks = jax.random.split(key, 12)
    N, E, D, Dedge, G = 10000, 160000, 256, 16, 64
    inp = {}
    inp["x"] = jax.random.normal(ks[0], (N, D), dtype=jnp.float32)
    inp["edge_index"] = jax.random.randint(ks[1], (2, E), 0, N)
    inp["edge_attr"] = jax.random.normal(ks[2], (E, Dedge), dtype=jnp.float32)
    inp["batch"] = jnp.sort(jax.random.randint(ks[3], (N,), 0, G))

    def p(k, shape, scale=0.05):
        return jax.random.normal(k, shape, dtype=jnp.float32) * scale

    inp["W1l"] = p(ks[4], (D, 16))
    inp["W1r"] = p(ks[5], (D, 16))
    inp["b1"] = jnp.zeros((16,), jnp.float32)
    inp["g1"] = jnp.ones((16,), jnp.float32)
    inp["be1"] = jnp.zeros((16,), jnp.float32)
    inp["W2l"] = p(ks[6], (16, 16))
    inp["W2r"] = p(ks[7], (16, 16))
    inp["b2"] = jnp.zeros((16,), jnp.float32)
    inp["Wf1"] = p(ks[8], (16, 32))
    inp["bf1"] = jnp.zeros((32,), jnp.float32)
    inp["g2"] = jnp.ones((32,), jnp.float32)
    inp["be2"] = jnp.zeros((32,), jnp.float32)
    inp["Wf2"] = p(ks[9], (32, 2))
    inp["bf2"] = jnp.zeros((2,), jnp.float32)
    return inp


def reference(x, edge_index, edge_attr, batch, W1l, W1r, b1, g1, be1, W2l, W2r, b2, Wf1, bf1, g2, be2, Wf2, bf2):
    N = x.shape[0]
    G = 64
    # conv1 -> relu -> layernorm (edge_attr is accepted but unused, matching PyG SAGEConv semantics)
    h = _sage_conv(x, edge_index, W1l, W1r, b1, N)
    h = jax.nn.relu(h)
    h = _layer_norm(h, g1, be1)
    # conv2 -> relu
    h = _sage_conv(h, edge_index, W2l, W2r, b2, N)
    h = jax.nn.relu(h)
    # global_max_pool over batch segments
    pooled = jax.ops.segment_max(h, batch, num_segments=G)
    z = pooled @ Wf1 + bf1
    z = _layer_norm(z, g2, be2)
    z = jax.nn.relu(z)
    # dropout is identity at inference
    z = z @ Wf2 + bf2
    return jax.nn.log_softmax(z, axis=1)

if __name__ == "__main__":
    import jax
    _d = setup_inputs()
    print(jax.jit(kernel)(*tuple(_d.values())))

</pallas_src>

<mosaic_0001>
#map = affine_map<(d0, d1) -> (0, 0)>
#map1 = affine_map<(d0, d1) -> (0, 0, 0)>
module attributes {stable_mosaic.version = 14 : i64} {
  func.func @sc_agg_deg(%arg0: i32, %arg1: i32, %arg2: memref<10240x16xf32, #tpu.memory_space<hbm>>, %arg3: memref<1330x2x128xi32, #tpu.memory_space<hbm>>, %arg4: memref<10240x16xf32, #tpu.memory_space<hbm>>, %arg5: memref<2x10240x16xf32, #tpu.memory_space<hbm>>, %arg6: memref<2x10240xf32, #tpu.memory_space<hbm>>, %arg7: memref<50x2x128xi32, #tpu.memory_space<vmem>>, %arg8: memref<128x16xf32, #tpu.memory_space<vmem>>, %arg9: memref<128x16xf32, #tpu.memory_space<vmem>>, %arg10: memref<10240xf32, #tpu.memory_space<vmem>>, %arg11: memref<16x640xf32, #tpu.memory_space<vmem>>, %arg12: memref<640xf32, #tpu.memory_space<vmem>>, %arg13: memref<10240x16xf32, #tpu.memory_space<vmem_shared>>, %arg14: memref<16x10240xf32, #tpu.memory_space<vmem_shared>>, %arg15: memref<!tpu.dma_semaphore, #tpu.memory_space<semaphore_mem>>, %arg16: memref<!tpu.dma_semaphore, #tpu.memory_space<semaphore_mem>>, %arg17: memref<!tpu.dma_semaphore, #tpu.memory_space<semaphore_mem>>, %arg18: memref<!tpu.dma_semaphore, #tpu.memory_space<semaphore_mem>>) attributes {dimension_semantics = [#tpu.dimension_semantics<core_parallel>, #tpu.dimension_semantics<subcore_parallel>], iteration_bounds = array<i64: 2, 16>, scalar_prefetch = 0 : i64, scratch_operands = 12 : i64, tpu.core_type = #tpu.core_type<sc_vector_subcore>, window_params = [{transform_indices = #map}, {transform_indices = #map1}, {transform_indices = #map}, {transform_indices = #map1}, {transform_indices = #map}]} {
    %mul3A = arith.constant 640 : i32
    %mul3A_0 = arith.muli %arg1, %mul3A : i32
    "tpu.region"() ({
      %run_scoped3A = tpu.sem_alloc : memref<!tpu.dma_semaphore, #tpu.memory_space<semaphore_mem>>
      %dma_start3A_60 = arith.constant 0 : i32
      %dma_start3A_61 = tpu.memref_slice %arg13[%mul3A_0, %dma_start3A_60] : memref<10240x16xf32, #tpu.memory_space<vmem_shared>> -> memref<640x16xf32, #tpu.memory_space<vmem_shared>>
      %dma_start3A_62 = arith.constant 0 : i32
      %dma_start3A_63 = tpu.memref_slice %arg4[%mul3A_0, %dma_start3A_62] : memref<10240x16xf32, #tpu.memory_space<hbm>> -> memref<640x16xf32, #tpu.memory_space<hbm>>
      tpu.enqueue_dma source(%dma_start3A_63 : memref<640x16xf32, #tpu.memory_space<hbm>>) target(%dma_start3A_61 : memref<640x16xf32, #tpu.memory_space<vmem_shared>>) target_semaphore(%run_scoped3A : memref<!tpu.dma_semaphore, #tpu.memory_space<semaphore_mem>>)
      %dma_wait3A_64 = arith.constant 0 : i32
      %dma_wait3A_65 = tpu.memref_slice %arg13[%mul3A_0, %dma_wait3A_64] : memref<10240x16xf32, #tpu.memory_space<vmem_shared>> -> memref<640x16xf32, #tpu.memory_space<vmem_shared>>
      %dma_wait3A_66 = arith.constant 0 : i32
      %dma_wait3A_67 = tpu.memref_slice %arg4[%mul3A_0, %dma_wait3A_66] : memref<10240x16xf32, #tpu.memory_space<hbm>> -> memref<640x16xf32, #tpu.memory_space<hbm>>
      tpu.wait_dma2 semaphore(%run_scoped3A : memref<!tpu.dma_semaphore, #tpu.memory_space<semaphore_mem>>) src(%dma_wait3A_67 : memref<640x16xf32, #tpu.memory_space<hbm>>) dst(%dma_wait3A_65 : memref<640x16xf32, #tpu.memory_space<vmem_shared>>)
      tpu.yield
    }) : () -> ()
    %eq3A = arith.constant 0 : i32
    %eq3A_1 = arith.cmpi eq, %arg0, %eq3A : i32
    %mul3A_2 = arith.constant 50 : i32
    %mul3A_3 = arith.muli %arg1, %mul3A_2 : i32
    %mul3A_4 = arith.constant 30 : i32
    %mul3A_5 = arith.muli %arg1, %mul3A_4 : i32
    %add3A = arith.constant 800 : i32
    %add3A_6 = arith.addi %add3A, %mul3A_5 : i32
    %select_n3A = arith.select %eq3A_1, %mul3A_3, %add3A_6 : i32
    "tpu.region"() ({
      %run_scoped3A = tpu.sem_alloc : memref<!tpu.dma_semaphore, #tpu.memory_space<semaphore_mem>>
      %dma_start3A_60 = arith.constant 0 : i32
      %dma_start3A_61 = arith.constant 0 : i32
      %dma_start3A_62 = tpu.memref_slice %arg3[%select_n3A, %dma_start3A_60, %dma_start3A_61] : memref<1330x2x128xi32, #tpu.memory_space<hbm>> -> memref<50x2x128xi32, #tpu.memory_space<hbm>>
      %dma_start3A_63 = arith.constant 0 : i32
      %dma_start3A_64 = arith.constant 0 : i32
      %dma_start3A_65 = tpu.memref_slice %arg3[%select_n3A, %dma_start3A_63, %dma_start3A_64] : memref<1330x2x128xi32, #tpu.memory_space<hbm>> -> memref<50x2x128xi32, #tpu.memory_space<hbm>>
      tpu.enqueue_dma source(%dma_start3A_65 : memref<50x2x128xi32, #tpu.memory_space<hbm>>) target(%arg7 : memref<50x2x128xi32, #tpu.memory_space<vmem>>) target_semaphore(%run_scoped3A : memref<!tpu.dma_semaphore, #tpu.memory_space<semaphore_mem>>)
      %dma_wait3A_66 = arith.constant 0 : i32
      %dma_wait3A_67 = arith.constant 0 : i32
      %dma_wait3A_68 = tpu.memref_slice %arg3[%select_n3A, %dma_wait3A_66, %dma_wait3A_67] : memref<1330x2x128xi32, #tpu.memory_space<hbm>> -> memref<50x2x128xi32, #tpu.memory_space<hbm>>
      %dma_wait3A_69 = arith.constant 0 : i32
      %dma_wait3A_70 = arith.constant 0 : i32
      %dma_wait3A_71 = tpu.memref_slice %arg3[%select_n3A, %dma_wait3A_69, %dma_wait3A_70] : memref<1330x2x128xi32, #tpu.memory_space<hbm>> -> memref<50x2x128xi32, #tpu.memory_space<hbm>>
      tpu.wait_dma2 semaphore(%run_scoped3A : memref<!tpu.dma_semaphore, #tpu.memory_space<semaphore_mem>>) src(%dma_wait3A_71 : memref<50x2x128xi32, #tpu.memory_space<hbm>>) dst(%arg7 : memref<50x2x128xi32, #tpu.memory_space<vmem>>)
      tpu.yield
    }) : () -> ()
    %broadcast_in_dim3A = arith.constant 0.000000e+00 : f32
    %broadcast_in_dim3A_7 = vector.broadcast %broadcast_in_dim3A : f32 to vector<16xf32>
    %broadcast_in_dim3A_8 = arith.constant 1.000000e+00 : f32
    %broadcast_in_dim3A_9 = vector.broadcast %broadcast_in_dim3A_8 : f32 to vector<16xf32>
    %scan3A = arith.constant 0 : i32
    %scan3A_10 = arith.constant 0 : i32
    %scan3A_11 = arith.constant 640 : i32
    %scan3A_12 = arith.addi %scan3A_10, %scan3A_11 : i32
    %scan3A_13 = arith.constant 1 : i32
    scf.for %scan3A_60 = %scan3A_10 to %scan3A_12 step %scan3A_13  : i32 {
      %mul3A_61 = arith.constant 16 : i32
      %mul3A_62 = arith.muli %scan3A_60, %mul3A_61 : i32
      %swap3A = arith.index_cast %mul3A_62 : i32 to index
      %swap3A_63 = tpu.vector_load %arg10[%swap3A] {strides = array<i32>} : memref<10240xf32, #tpu.memory_space<vmem>>, vector<16xf32>,
      tpu.vector_store %arg10[%swap3A], %broadcast_in_dim3A_7 {strides = array<i32>} : memref<10240xf32, #tpu.memory_space<vmem>>, vector<16xf32>,
    }
    %scan3A_14 = arith.constant 640 : i32
    %barrier3A = arith.constant 0 : index
    tpu.barrier barrier_id(%barrier3A)
    %dma_start3A = arith.constant 0 : i32
    %dma_start3A_15 = arith.constant 0 : i32
    %dma_start3A_16 = arith.constant 0 : i32
    %dma_start3A_17 = tpu.memref_slice %arg7[%dma_start3A, %dma_start3A_15, %dma_start3A_16] : memref<50x2x128xi32, #tpu.memory_space<vmem>> -> memref<1x1x128xi32, #tpu.memory_space<vmem>>
    %dma_start3A_18 = tpu.memref_squeeze %dma_start3A_17 : memref<1x1x128xi32, #tpu.memory_space<vmem>> -> memref<128xi32, #tpu.memory_space<vmem>>
    %dma_start3A_19 = arith.constant 0 : i32
    %dma_start3A_20 = arith.constant 0 : i32
    %dma_start3A_21 = tpu.memref_slice %arg2[%dma_start3A_19, %dma_start3A_20] : memref<10240x16xf32, #tpu.memory_space<hbm>> -> memref<10240x16xf32, #tpu.memory_space<hbm>>
    tpu.enqueue_indirect_dma source(%dma_start3A_21 : memref<10240x16xf32, #tpu.memory_space<hbm>>) target(%arg8 : memref<128x16xf32, #tpu.memory_space<vmem>>) offsets(%dma_start3A_18 : memref<128xi32, #tpu.memory_space<vmem>>) semaphore(%arg15 : memref<!tpu.dma_semaphore, #tpu.memory_space<semaphore_mem>>)
    %dma_start3A_22 = arith.constant 1 : i32
    %dma_start3A_23 = arith.constant 0 : i32
    %dma_start3A_24 = arith.constant 0 : i32
    %dma_start3A_25 = tpu.memref_slice %arg7[%dma_start3A_22, %dma_start3A_23, %dma_start3A_24] : memref<50x2x128xi32, #tpu.memory_space<vmem>> -> memref<1x1x128xi32, #tpu.memory_space<vmem>>
    %dma_start3A_26 = tpu.memref_squeeze %dma_start3A_25 : memref<1x1x128xi32, #tpu.memory_space<vmem>> -> memref<128xi32, #tpu.memory_space<vmem>>
    %dma_start3A_27 = arith.constant 0 : i32
    %dma_start3A_28 = arith.constant 0 : i32
    %dma_start3A_29 = tpu.memref_slice %arg2[%dma_start3A_27, %dma_start3A_28] : memref<10240x16xf32, #tpu.memory_space<hbm>> -> memref<10240x16xf32, #tpu.memory_space<hbm>>
    tpu.enqueue_indirect_dma source(%dma_start3A_29 : memref<10240x16xf32, #tpu.memory_space<hbm>>) target(%arg9 : memref<128x16xf32, #tpu.memory_space<vmem>>) offsets(%dma_start3A_26 : memref<128xi32, #tpu.memory_space<vmem>>) semaphore(%arg16 : memref<!tpu.dma_semaphore, #tpu.memory_space<semaphore_mem>>)
    %eq3A_30 = arith.constant 0 : i32
    %eq3A_31 = arith.cmpi eq, %arg0, %eq3A_30 : i32
    %convert_element_type3A = arith.extui %eq3A_31 : i1 to i32
    %cond3A = arith.constant 0 : i32
    %cond3A_32 = arith.cmpi ne, %convert_element_type3A, %cond3A : i32
    scf.if %cond3A_32 {
      %scan3A_60 = arith.constant 0 : i32
      %scan3A_61 = arith.constant 0 : i32
      %scan3A_62 = arith.constant 25 : i32
      %scan3A_63 = arith.addi %scan3A_61, %scan3A_62 : i32
      %scan3A_64 = arith.constant 1 : i32
      scf.for %scan3A_66 = %scan3A_61 to %scan3A_63 step %scan3A_64  : i32 {
        %mul3A_67 = arith.constant 2 : i32
        %mul3A_68 = arith.muli %mul3A_67, %scan3A_66 : i32
        %add3A_69 = arith.constant 0 : i32
        %add3A_70 = arith.addi %mul3A_68, %add3A_69 : i32
        %dma_wait3A_71 = arith.constant 0 : i32
        %dma_wait3A_72 = arith.constant 0 : i32
        %dma_wait3A_73 = arith.constant 0 : i32
        %dma_wait3A_74 = tpu.memref_slice %arg7[%dma_wait3A_71, %dma_wait3A_72, %dma_wait3A_73] : memref<50x2x128xi32, #tpu.memory_space<vmem>> -> memref<1x1x128xi32, #tpu.memory_space<vmem>>
        %dma_wait3A_75 = tpu.memref_squeeze %dma_wait3A_74 : memref<1x1x128xi32, #tpu.memory_space<vmem>> -> memref<128xi32, #tpu.memory_space<vmem>>
        %dma_wait3A_76 = arith.constant 0 : i32
        %dma_wait3A_77 = arith.constant 0 : i32
        %dma_wait3A_78 = tpu.memref_slice %arg2[%dma_wait3A_76, %dma_wait3A_77] : memref<10240x16xf32, #tpu.memory_space<hbm>> -> memref<10240x16xf32, #tpu.memory_space<hbm>>
        tpu.wait_indirect_dma semaphore(%arg15 : memref<!tpu.dma_semaphore, #tpu.memory_space<semaphore_mem>>) src(%dma_wait3A_78 : memref<10240x16xf32, #tpu.memory_space<hbm>>) dst(%arg8 : memref<128x16xf32, #tpu.memory_space<vmem>>)
        %dma_start3A_79 = arith.constant 1 : i32
        %dma_start3A_80 = arith.constant 0 : i32
        %dma_start3A_81 = tpu.memref_slice %arg7[%add3A_70, %dma_start3A_79, %dma_start3A_80] : memref<50x2x128xi32, #tpu.memory_space<vmem>> -> memref<1x1x128xi32, #tpu.memory_space<vmem>>
        %dma_start3A_82 = tpu.memref_squeeze %dma_start3A_81 : memref<1x1x128xi32, #tpu.memory_space<vmem>> -> memref<128xi32, #tpu.memory_space<vmem>>
        %dma_start3A_83 = arith.constant 0 : i32
        %dma_start3A_84 = arith.constant 0 : i32
        %dma_start3A_85 = tpu.memref_slice %arg13[%dma_start3A_83, %dma_start3A_84] : memref<10240x16xf32, #tpu.memory_space<vmem_shared>> -> memref<10240x16xf32, #tpu.memory_space<vmem_shared>>
        tpu.enqueue_indirect_dma source(%arg8 : memref<128x16xf32, #tpu.memory_space<vmem>>) target(%dma_start3A_85 : memref<10240x16xf32, #tpu.memory_space<vmem_shared>>) offsets(%dma_start3A_82 : memref<128xi32, #tpu.memory_space<vmem>>) semaphore(%arg17 : memref<!tpu.dma_semaphore, #tpu.memory_space<semaphore_mem>>) {add = true}
        %get3A = arith.constant 1 : i32
        %get3A_86 = arith.index_cast %add3A_70 : i32 to index
        %get3A_87 = arith.index_cast %get3A : i32 to index
        %get3A_88 = arith.constant 0 : index
        %get3A_89 = tpu.vector_load %arg7[%get3A_86, %get3A_87, %get3A_88] {strides = array<i32>} : memref<50x2x128xi32, #tpu.memory_space<vmem>>, vector<16xi32>,
        tpu.vector_store_idx %arg10[%get3A_89], %broadcast_in_dim3A_9 {add = true} : memref<10240xf32, #tpu.memory_space<vmem>>[vector<16xi32>], vector<16xf32>,
        %get3A_90 = arith.constant 1 : i32
        %get3A_91 = arith.index_cast %add3A_70 : i32 to index
        %get3A_92 = arith.index_cast %get3A_90 : i32 to index
        %get3A_93 = arith.constant 16 : index
        %get3A_94 = tpu.vector_load %arg7[%get3A_91, %get3A_92, %get3A_93] {strides = array<i32>} : memref<50x2x128xi32, #tpu.memory_space<vmem>>, vector<16xi32>,
        tpu.vector_store_idx %arg10[%get3A_94], %broadcast_in_dim3A_9 {add = true} : memref<10240xf32, #tpu.memory_space<vmem>>[vector<16xi32>], vector<16xf32>,
        %get3A_95 = arith.constant 1 : i32
        %get3A_96 = arith.index_cast %add3A_70 : i32 to index
        %get3A_97 = arith.index_cast %get3A_95 : i32 to index
        %get3A_98 = arith.constant 32 : index
        %get3A_99 = tpu.vector_load %arg7[%get3A_96, %get3A_97, %get3A_98] {strides = array<i32>} : memref<50x2x128xi32, #tpu.memory_space<vmem>>, vector<16xi32>,
        tpu.vector_store_idx %arg10[%get3A_99], %broadcast_in_dim3A_9 {add = true} : memref<10240xf32, #tpu.memory_space<vmem>>[vector<16xi32>], vector<16xf32>,
        %get3A_100 = arith.constant 1 : i32
        %get3A_101 = arith.index_cast %add3A_70 : i32 to index
        %get3A_102 = arith.index_cast %get3A_100 : i32 to index
        %get3A_103 = arith.constant 48 : index
        %get3A_104 = tpu.vector_load %arg7[%get3A_101, %get3A_102, %get3A_103] {strides = array<i32>} : memref<50x2x128xi32, #tpu.memory_space<vmem>>, vector<16xi32>,
        tpu.vector_store_idx %arg10[%get3A_104], %broadcast_in_dim3A_9 {add = true} : memref<10240xf32, #tpu.memory_space<vmem>>[vector<16xi32>], vector<16xf32>,
        %get3A_105 = arith.constant 1 : i32
        %get3A_106 = arith.index_cast %add3A_70 : i32 to index
        %get3A_107 = arith.index_cast %get3A_105 : i32 to index
        %get3A_108 = arith.constant 64 : index
        %get3A_109 = tpu.vector_load %arg7[%get3A_106, %get3A_107, %get3A_108] {strides = array<i32>} : memref<50x2x128xi32, #tpu.memory_space<vmem>>, vector<16xi32>,
        tpu.vector_store_idx %arg10[%get3A_109], %broadcast_in_dim3A_9 {add = true} : memref<10240xf32, #tpu.memory_space<vmem>>[vector<16xi32>], vector<16xf32>,
        %get3A_110 = arith.constant 1 : i32
        %get3A_111 = arith.index_cast %add3A_70 : i32 to index
        %get3A_112 = arith.index_cast %get3A_110 : i32 to index
        %get3A_113 = arith.constant 80 : index
        %get3A_114 = tpu.vector_load %arg7[%get3A_111, %get3A_112, %get3A_113] {strides = array<i32>} : memref<50x2x128xi32, #tpu.memory_space<vmem>>, vector<16xi32>,
        tpu.vector_store_idx %arg10[%get3A_114], %broadcast_in_dim3A_9 {add = true} : memref<10240xf32, #tpu.memory_space<vmem>>[vector<16xi32>], vector<16xf32>,
        %get3A_115 = arith.constant 1 : i32
        %get3A_116 = arith.index_cast %add3A_70 : i32 to index
        %get3A_117 = arith.index_cast %get3A_115 : i32 to index
        %get3A_118 = arith.constant 96 : index
        %get3A_119 = tpu.vector_load %arg7[%get3A_116, %get3A_117, %get3A_118] {strides = array<i32>} : memref<50x2x128xi32, #tpu.memory_space<vmem>>, vector<16xi32>,
        tpu.vector_store_idx %arg10[%get3A_119], %broadcast_in_dim3A_9 {add = true} : memref<10240xf32, #tpu.memory_space<vmem>>[vector<16xi32>], vector<16xf32>,
        %get3A_120 = arith.constant 1 : i32
        %get3A_121 = arith.index_cast %add3A_70 : i32 to index
        %get3A_122 = arith.index_cast %get3A_120 : i32 to index
        %get3A_123 = arith.constant 112 : index
        %get3A_124 = tpu.vector_load %arg7[%get3A_121, %get3A_122, %get3A_123] {strides = array<i32>} : memref<50x2x128xi32, #tpu.memory_space<vmem>>, vector<16xi32>,
        tpu.vector_store_idx %arg10[%get3A_124], %broadcast_in_dim3A_9 {add = true} : memref<10240xf32, #tpu.memory_space<vmem>>[vector<16xi32>], vector<16xf32>,
        %add3A_125 = arith.constant 2 : i32
        %add3A_126 = arith.addi %add3A_70, %add3A_125 : i32
        %lt3A = arith.constant 50 : i32
        %lt3A_127 = arith.cmpi slt, %add3A_126, %lt3A : i32
        %convert_element_type3A_128 = arith.extui %lt3A_127 : i1 to i32
        %cond3A_129 = arith.constant 0 : i32
        %cond3A_130 = arith.cmpi ne, %convert_element_type3A_128, %cond3A_129 : i32
        scf.if %cond3A_130 {
          %dma_wait3A_197 = arith.constant 0 : i32
          %dma_wait3A_198 = arith.constant 1 : i32
          %dma_wait3A_199 = arith.constant 0 : i32
          %dma_wait3A_200 = tpu.memref_slice %arg7[%dma_wait3A_197, %dma_wait3A_198, %dma_wait3A_199] : memref<50x2x128xi32, #tpu.memory_space<vmem>> -> memref<1x1x128xi32, #tpu.memory_space<vmem>>
          %dma_wait3A_201 = tpu.memref_squeeze %dma_wait3A_200 : memref<1x1x128xi32, #tpu.memory_space<vmem>> -> memref<128xi32, #tpu.memory_space<vmem>>
          %dma_wait3A_202 = arith.constant 0 : i32
          %dma_wait3A_203 = arith.constant 0 : i32
          %dma_wait3A_204 = tpu.memref_slice %arg13[%dma_wait3A_202, %dma_wait3A_203] : memref<10240x16xf32, #tpu.memory_space<vmem_shared>> -> memref<10240x16xf32, #tpu.memory_space<vmem_shared>>
          tpu.wait_indirect_dma semaphore(%arg17 : memref<!tpu.dma_semaphore, #tpu.memory_space<semaphore_mem>>) src(%arg8 : memref<128x16xf32, #tpu.memory_space<vmem>>) dst(%dma_wait3A_204 : memref<10240x16xf32, #tpu.memory_space<vmem_shared>>)
          %add3A_205 = arith.constant 2 : i32
          %add3A_206 = arith.addi %add3A_70, %add3A_205 : i32
          %dma_start3A_207 = arith.constant 0 : i32
          %dma_start3A_208 = arith.constant 0 : i32
          %dma_start3A_209 = tpu.memref_slice %arg7[%add3A_206, %dma_start3A_207, %dma_start3A_208] : memref<50x2x128xi32, #tpu.memory_space<vmem>> -> memref<1x1x128xi32, #tpu.memory_space<vmem>>
          %dma_start3A_210 = tpu.memref_squeeze %dma_start3A_209 : memref<1x1x128xi32, #tpu.memory_space<vmem>> -> memref<128xi32, #tpu.memory_space<vmem>>
          %dma_start3A_211 = arith.constant 0 : i32
          %dma_start3A_212 = arith.constant 0 : i32
          %dma_start3A_213 = tpu.memref_slice %arg2[%dma_start3A_211, %dma_start3A_212] : memref<10240x16xf32, #tpu.memory_space<hbm>> -> memref<10240x16xf32, #tpu.memory_space<hbm>>
          tpu.enqueue_indirect_dma source(%dma_start3A_213 : memref<10240x16xf32, #tpu.memory_space<hbm>>) target(%arg8 : memref<128x16xf32, #tpu.memory_space<vmem>>) offsets(%dma_start3A_210 : memref<128xi32, #tpu.memory_space<vmem>>) semaphore(%arg15 : memref<!tpu.dma_semaphore, #tpu.memory_space<semaphore_mem>>)
        } else {
        }
        %mul3A_131 = arith.constant 2 : i32
        %mul3A_132 = arith.muli %mul3A_131, %scan3A_66 : i32
        %add3A_133 = arith.constant 1 : i32
        %add3A_134 = arith.addi %mul3A_132, %add3A_133 : i32
        %dma_wait3A_135 = arith.constant 0 : i32
        %dma_wait3A_136 = arith.constant 0 : i32
        %dma_wait3A_137 = arith.constant 0 : i32
        %dma_wait3A_138 = tpu.memref_slice %arg7[%dma_wait3A_135, %dma_wait3A_136, %dma_wait3A_137] : memref<50x2x128xi32, #tpu.memory_space<vmem>> -> memref<1x1x128xi32, #tpu.memory_space<vmem>>
        %dma_wait3A_139 = tpu.memref_squeeze %dma_wait3A_138 : memref<1x1x128xi32, #tpu.memory_space<vmem>> -> memref<128xi32, #tpu.memory_space<vmem>>
        %dma_wait3A_140 = arith.constant 0 : i32
        %dma_wait3A_141 = arith.constant 0 : i32
        %dma_wait3A_142 = tpu.memref_slice %arg2[%dma_wait3A_140, %dma_wait3A_141] : memref<10240x16xf32, #tpu.memory_space<hbm>> -> memref<10240x16xf32, #tpu.memory_space<hbm>>
        tpu.wait_indirect_dma semaphore(%arg16 : memref<!tpu.dma_semaphore, #tpu.memory_space<semaphore_mem>>) src(%dma_wait3A_142 : memref<10240x16xf32, #tpu.memory_space<hbm>>) dst(%arg9 : memref<128x16xf32, #tpu.memory_space<vmem>>)
        %dma_start3A_143 = arith.constant 1 : i32
        %dma_start3A_144 = arith.constant 0 : i32
        %dma_start3A_145 = tpu.memref_slice %arg7[%add3A_134, %dma_start3A_143, %dma_start3A_144] : memref<50x2x128xi32, #tpu.memory_space<vmem>> -> memref<1x1x128xi32, #tpu.memory_space<vmem>>
        %dma_start3A_146 = tpu.memref_squeeze %dma_start3A_145 : memref<1x1x128xi32, #tpu.memory_space<vmem>> -> memref<128xi32, #tpu.memory_space<vmem>>
        %dma_start3A_147 = arith.constant 0 : i32
        %dma_start3A_148 = arith.constant 0 : i32
        %dma_start3A_149 = tpu.memref_slice %arg13[%dma_start3A_147, %dma_start3A_148] : memref<10240x16xf32, #tpu.memory_space<vmem_shared>> -> memref<10240x16xf32, #tpu.memory_space<vmem_shared>>
        tpu.enqueue_indirect_dma source(%arg9 : memref<128x16xf32, #tpu.memory_space<vmem>>) target(%dma_start3A_149 : memref<10240x16xf32, #tpu.memory_space<vmem_shared>>) offsets(%dma_start3A_146 : memref<128xi32, #tpu.memory_space<vmem>>) semaphore(%arg18 : memref<!tpu.dma_semaphore, #tpu.memory_space<semaphore_mem>>) {add = true}
        %get3A_150 = arith.constant 1 : i32
        %get3A_151 = arith.index_cast %add3A_134 : i32 to index
        %get3A_152 = arith.index_cast %get3A_150 : i32 to index
        %get3A_153 = arith.constant 0 : index
        %get3A_154 = tpu.vector_load %arg7[%get3A_151, %get3A_152, %get3A_153] {strides = array<i32>} : memref<50x2x128xi32, #tpu.memory_space<vmem>>, vector<16xi32>,
        tpu.vector_store_idx %arg10[%get3A_154], %broadcast_in_dim3A_9 {add = true} : memref<10240xf32, #tpu.memory_space<vmem>>[vector<16xi32>], vector<16xf32>,
        %get3A_155 = arith.constant 1 : i32
        %get3A_156 = arith.index_cast %add3A_134 : i32 to index
        %get3A_157 = arith.index_cast %get3A_155 : i32 to index
        %get3A_158 = arith.constant 16 : index
        %get3A_159 = tpu.vector_load %arg7[%get3A_156, %get3A_157, %get3A_158] {strides = array<i32>} : memref<50x2x128xi32, #tpu.memory_space<vmem>>, vector<16xi32>,
        tpu.vector_store_idx %arg10[%get3A_159], %broadcast_in_dim3A_9 {add = true} : memref<10240xf32, #tpu.memory_space<vmem>>[vector<16xi32>], vector<16xf32>,
        %get3A_160 = arith.constant 1 : i32
        %get3A_161 = arith.index_cast %add3A_134 : i32 to index
        %get3A_162 = arith.index_cast %get3A_160 : i32 to index
        %get3A_163 = arith.constant 32 : index
        %get3A_164 = tpu.vector_load %arg7[%get3A_161, %get3A_162, %get3A_163] {strides = array<i32>} : memref<50x2x128xi32, #tpu.memory_space<vmem>>, vector<16xi32>,
        tpu.vector_store_idx %arg10[%get3A_164], %broadcast_in_dim3A_9 {add = true} : memref<10240xf32, #tpu.memory_space<vmem>>[vector<16xi32>], vector<16xf32>,
        %get3A_165 = arith.constant 1 : i32
        %get3A_166 = arith.index_cast %add3A_134 : i32 to index
        %get3A_167 = arith.index_cast %get3A_165 : i32 to index
        %get3A_168 = arith.constant 48 : index
        %get3A_169 = tpu.vector_load %arg7[%get3A_166, %get3A_167, %get3A_168] {strides = array<i32>} : memref<50x2x128xi32, #tpu.memory_space<vmem>>, vector<16xi32>,
        tpu.vector_store_idx %arg10[%get3A_169], %broadcast_in_dim3A_9 {add = true} : memref<10240xf32, #tpu.memory_space<vmem>>[vector<16xi32>], vector<16xf32>,
        %get3A_170 = arith.constant 1 : i32
        %get3A_171 = arith.index_cast %add3A_134 : i32 to index
        %get3A_172 = arith.index_cast %get3A_170 : i32 to index
        %get3A_173 = arith.constant 64 : index
        %get3A_174 = tpu.vector_load %arg7[%get3A_171, %get3A_172, %get3A_173] {strides = array<i32>} : memref<50x2x128xi32, #tpu.memory_space<vmem>>, vector<16xi32>,
        tpu.vector_store_idx %arg10[%get3A_174], %broadcast_in_dim3A_9 {add = true} : memref<10240xf32, #tpu.memory_space<vmem>>[vector<16xi32>], vector<16xf32>,
        %get3A_175 = arith.constant 1 : i32
        %get3A_176 = arith.index_cast %add3A_134 : i32 to index
        %get3A_177 = arith.index_cast %get3A_175 : i32 to index
        %get3A_178 = arith.constant 80 : index
        %get3A_179 = tpu.vector_load %arg7[%get3A_176, %get3A_177, %get3A_178] {strides = array<i32>} : memref<50x2x128xi32, #tpu.memory_space<vmem>>, vector<16xi32>,
        tpu.vector_store_idx %arg10[%get3A_179], %broadcast_in_dim3A_9 {add = true} : memref<10240xf32, #tpu.memory_space<vmem>>[vector<16xi32>], vector<16xf32>,
        %get3A_180 = arith.constant 1 : i32
        %get3A_181 = arith.index_cast %add3A_134 : i32 to index
        %get3A_182 = arith.index_cast %get3A_180 : i32 to index
        %get3A_183 = arith.constant 96 : index
        %get3A_184 = tpu.vector_load %arg7[%get3A_181, %get3A_182, %get3A_183] {strides = array<i32>} : memref<50x2x128xi32, #tpu.memory_space<vmem>>, vector<16xi32>,
        tpu.vector_store_idx %arg10[%get3A_184], %broadcast_in_dim3A_9 {add = true} : memref<10240xf32, #tpu.memory_space<vmem>>[vector<16xi32>], vector<16xf32>,
        %get3A_185 = arith.constant 1 : i32
        %get3A_186 = arith.index_cast %add3A_134 : i32 to index
        %get3A_187 = arith.index_cast %get3A_185 : i32 to index
        %get3A_188 = arith.constant 112 : index
        %get3A_189 = tpu.vector_load %arg7[%get3A_186, %get3A_187, %get3A_188] {strides = array<i32>} : memref<50x2x128xi32, #tpu.memory_space<vmem>>, vector<16xi32>,
        tpu.vector_store_idx %arg10[%get3A_189], %broadcast_in_dim3A_9 {add = true} : memref<10240xf32, #tpu.memory_space<vmem>>[vector<16xi32>], vector<16xf32>,
        %add3A_190 = arith.constant 2 : i32
        %add3A_191 = arith.addi %add3A_134, %add3A_190 : i32
        %lt3A_192 = arith.constant 50 : i32
        %lt3A_193 = arith.cmpi slt, %add3A_191, %lt3A_192 : i32
        %convert_element_type3A_194 = arith.extui %lt3A_193 : i1 to i32
        %cond3A_195 = arith.constant 0 : i32
        %cond3A_196 = arith.cmpi ne, %convert_element_type3A_194, %cond3A_195 : i32
        scf.if %cond3A_196 {
          %dma_wait3A_197 = arith.constant 0 : i32
          %dma_wait3A_198 = arith.constant 1 : i32
          %dma_wait3A_199 = arith.constant 0 : i32
          %dma_wait3A_200 = tpu.memref_slice %arg7[%dma_wait3A_197, %dma_wait3A_198, %dma_wait3A_199] : memref<50x2x128xi32, #tpu.memory_space<vmem>> -> memref<1x1x128xi32, #tpu.memory_space<vmem>>
          %dma_wait3A_201 = tpu.memref_squeeze %dma_wait3A_200 : memref<1x1x128xi32, #tpu.memory_space<vmem>> -> memref<128xi32, #tpu.memory_space<vmem>>
          %dma_wait3A_202 = arith.constant 0 : i32
          %dma_wait3A_203 = arith.constant 0 : i32
          %dma_wait3A_204 = tpu.memref_slice %arg13[%dma_wait3A_202, %dma_wait3A_203] : memref<10240x16xf32, #tpu.memory_space<vmem_shared>> -> memref<10240x16xf32, #tpu.memory_space<vmem_shared>>
          tpu.wait_indirect_dma semaphore(%arg18 : memref<!tpu.dma_semaphore, #tpu.memory_space<semaphore_mem>>) src(%arg9 : memref<128x16xf32, #tpu.memory_space<vmem>>) dst(%dma_wait3A_204 : memref<10240x16xf32, #tpu.memory_space<vmem_shared>>)
          %add3A_205 = arith.constant 2 : i32
          %add3A_206 = arith.addi %add3A_134, %add3A_205 : i32
          %dma_start3A_207 = arith.constant 0 : i32
          %dma_start3A_208 = arith.constant 0 : i32
          %dma_start3A_209 = tpu.memref_slice %arg7[%add3A_206, %dma_start3A_207, %dma_start3A_208] : memref<50x2x128xi32, #tpu.memory_space<vmem>> -> memref<1x1x128xi32, #tpu.memory_space<vmem>>
          %dma_start3A_210 = tpu.memref_squeeze %dma_start3A_209 : memref<1x1x128xi32, #tpu.memory_space<vmem>> -> memref<128xi32, #tpu.memory_space<vmem>>
          %dma_start3A_211 = arith.constant 0 : i32
          %dma_start3A_212 = arith.constant 0 : i32
          %dma_start3A_213 = tpu.memref_slice %arg2[%dma_start3A_211, %dma_start3A_212] : memref<10240x16xf32, #tpu.memory_space<hbm>> -> memref<10240x16xf32, #tpu.memory_space<hbm>>
          tpu.enqueue_indirect_dma source(%dma_start3A_213 : memref<10240x16xf32, #tpu.memory_space<hbm>>) target(%arg9 : memref<128x16xf32, #tpu.memory_space<vmem>>) offsets(%dma_start3A_210 : memref<128xi32, #tpu.memory_space<vmem>>) semaphore(%arg16 : memref<!tpu.dma_semaphore, #tpu.memory_space<semaphore_mem>>)
        } else {
        }
      }
      %scan3A_65 = arith.constant 25 : i32
    } else {
    }
    %eq3A_33 = arith.constant 1 : i32
    %eq3A_34 = arith.cmpi eq, %arg0, %eq3A_33 : i32
    %convert_element_type3A_35 = arith.extui %eq3A_34 : i1 to i32
    %cond3A_36 = arith.constant 0 : i32
    %cond3A_37 = arith.cmpi ne, %convert_element_type3A_35, %cond3A_36 : i32
    scf.if %cond3A_37 {
      %scan3A_60 = arith.constant 0 : i32
      %scan3A_61 = arith.constant 0 : i32
      %scan3A_62 = arith.constant 15 : i32
      %scan3A_63 = arith.addi %scan3A_61, %scan3A_62 : i32
      %scan3A_64 = arith.constant 1 : i32
      scf.for %scan3A_66 = %scan3A_61 to %scan3A_63 step %scan3A_64  : i32 {
        %mul3A_67 = arith.constant 2 : i32
        %mul3A_68 = arith.muli %mul3A_67, %scan3A_66 : i32
        %add3A_69 = arith.constant 0 : i32
        %add3A_70 = arith.addi %mul3A_68, %add3A_69 : i32
        %dma_wait3A_71 = arith.constant 0 : i32
        %dma_wait3A_72 = arith.constant 0 : i32
        %dma_wait3A_73 = arith.constant 0 : i32
        %dma_wait3A_74 = tpu.memref_slice %arg7[%dma_wait3A_71, %dma_wait3A_72, %dma_wait3A_73] : memref<50x2x128xi32, #tpu.memory_space<vmem>> -> memref<1x1x128xi32, #tpu.memory_space<vmem>>
        %dma_wait3A_75 = tpu.memref_squeeze %dma_wait3A_74 : memref<1x1x128xi32, #tpu.memory_space<vmem>> -> memref<128xi32, #tpu.memory_space<vmem>>
        %dma_wait3A_76 = arith.constant 0 : i32
        %dma_wait3A_77 = arith.constant 0 : i32
        %dma_wait3A_78 = tpu.memref_slice %arg2[%dma_wait3A_76, %dma_wait3A_77] : memref<10240x16xf32, #tpu.memory_space<hbm>> -> memref<10240x16xf32, #tpu.memory_space<hbm>>
        tpu.wait_indirect_dma semaphore(%arg15 : memref<!tpu.dma_semaphore, #tpu.memory_space<semaphore_mem>>) src(%dma_wait3A_78 : memref<10240x16xf32, #tpu.memory_space<hbm>>) dst(%arg8 : memref<128x16xf32, #tpu.memory_space<vmem>>)
        %dma_start3A_79 = arith.constant 1 : i32
        %dma_start3A_80 = arith.constant 0 : i32
        %dma_start3A_81 = tpu.memref_slice %arg7[%add3A_70, %dma_start3A_79, %dma_start3A_80] : memref<50x2x128xi32, #tpu.memory_space<vmem>> -> memref<1x1x128xi32, #tpu.memory_space<vmem>>
        %dma_start3A_82 = tpu.memref_squeeze %dma_start3A_81 : memref<1x1x128xi32, #tpu.memory_space<vmem>> -> memref<128xi32, #tpu.memory_space<vmem>>
        %dma_start3A_83 = arith.constant 0 : i32
        %dma_start3A_84 = arith.constant 0 : i32
        %dma_start3A_85 = tpu.memref_slice %arg13[%dma_start3A_83, %dma_start3A_84] : memref<10240x16xf32, #tpu.memory_space<vmem_shared>> -> memref<10240x16xf32, #tpu.memory_space<vmem_shared>>
        tpu.enqueue_indirect_dma source(%arg8 : memref<128x16xf32, #tpu.memory_space<vmem>>) target(%dma_start3A_85 : memref<10240x16xf32, #tpu.memory_space<vmem_shared>>) offsets(%dma_start3A_82 : memref<128xi32, #tpu.memory_space<vmem>>) semaphore(%arg17 : memref<!tpu.dma_semaphore, #tpu.memory_space<semaphore_mem>>) {add = true}
        %get3A = arith.constant 1 : i32
        %get3A_86 = arith.index_cast %add3A_70 : i32 to index
        %get3A_87 = arith.index_cast %get3A : i32 to index
        %get3A_88 = arith.constant 0 : index
        %get3A_89 = tpu.vector_load %arg7[%get3A_86, %get3A_87, %get3A_88] {strides = array<i32>} : memref<50x2x128xi32, #tpu.memory_space<vmem>>, vector<16xi32>,
        tpu.vector_store_idx %arg10[%get3A_89], %broadcast_in_dim3A_9 {add = true} : memref<10240xf32, #tpu.memory_space<vmem>>[vector<16xi32>], vector<16xf32>,
        %get3A_90 = arith.constant 1 : i32
        %get3A_91 = arith.index_cast %add3A_70 : i32 to index
        %get3A_92 = arith.index_cast %get3A_90 : i32 to index
        %get3A_93 = arith.constant 16 : index
        %get3A_94 = tpu.vector_load %arg7[%get3A_91, %get3A_92, %get3A_93] {strides = array<i32>} : memref<50x2x128xi32, #tpu.memory_space<vmem>>, vector<16xi32>,
        tpu.vector_store_idx %arg10[%get3A_94], %broadcast_in_dim3A_9 {add = true} : memref<10240xf32, #tpu.memory_space<vmem>>[vector<16xi32>], vector<16xf32>,
        %get3A_95 = arith.constant 1 : i32
        %get3A_96 = arith.index_cast %add3A_70 : i32 to index
        %get3A_97 = arith.index_cast %get3A_95 : i32 to index
        %get3A_98 = arith.constant 32 : index
        %get3A_99 = tpu.vector_load %arg7[%get3A_96, %get3A_97, %get3A_98] {strides = array<i32>} : memref<50x2x128xi32, #tpu.memory_space<vmem>>, vector<16xi32>,
        tpu.vector_store_idx %arg10[%get3A_99], %broadcast_in_dim3A_9 {add = true} : memref<10240xf32, #tpu.memory_space<vmem>>[vector<16xi32>], vector<16xf32>,
        %get3A_100 = arith.constant 1 : i32
        %get3A_101 = arith.index_cast %add3A_70 : i32 to index
        %get3A_102 = arith.index_cast %get3A_100 : i32 to index
        %get3A_103 = arith.constant 48 : index
        %get3A_104 = tpu.vector_load %arg7[%get3A_101, %get3A_102, %get3A_103] {strides = array<i32>} : memref<50x2x128xi32, #tpu.memory_space<vmem>>, vector<16xi32>,
        tpu.vector_store_idx %arg10[%get3A_104], %broadcast_in_dim3A_9 {add = true} : memref<10240xf32, #tpu.memory_space<vmem>>[vector<16xi32>], vector<16xf32>,
        %get3A_105 = arith.constant 1 : i32
        %get3A_106 = arith.index_cast %add3A_70 : i32 to index
        %get3A_107 = arith.index_cast %get3A_105 : i32 to index
        %get3A_108 = arith.constant 64 : index
        %get3A_109 = tpu.vector_load %arg7[%get3A_106, %get3A_107, %get3A_108] {strides = array<i32>} : memref<50x2x128xi32, #tpu.memory_space<vmem>>, vector<16xi32>,
        tpu.vector_store_idx %arg10[%get3A_109], %broadcast_in_dim3A_9 {add = true} : memref<10240xf32, #tpu.memory_space<vmem>>[vector<16xi32>], vector<16xf32>,
        %get3A_110 = arith.constant 1 : i32
        %get3A_111 = arith.index_cast %add3A_70 : i32 to index
        %get3A_112 = arith.index_cast %get3A_110 : i32 to index
        %get3A_113 = arith.constant 80 : index
        %get3A_114 = tpu.vector_load %arg7[%get3A_111, %get3A_112, %get3A_113] {strides = array<i32>} : memref<50x2x128xi32, #tpu.memory_space<vmem>>, vector<16xi32>,
        tpu.vector_store_idx %arg10[%get3A_114], %broadcast_in_dim3A_9 {add = true} : memref<10240xf32, #tpu.memory_space<vmem>>[vector<16xi32>], vector<16xf32>,
        %get3A_115 = arith.constant 1 : i32
        %get3A_116 = arith.index_cast %add3A_70 : i32 to index
        %get3A_117 = arith.index_cast %get3A_115 : i32 to index
        %get3A_118 = arith.constant 96 : index
        %get3A_119 = tpu.vector_load %arg7[%get3A_116, %get3A_117, %get3A_118] {strides = array<i32>} : memref<50x2x128xi32, #tpu.memory_space<vmem>>, vector<16xi32>,
        tpu.vector_store_idx %arg10[%get3A_119], %broadcast_in_dim3A_9 {add = true} : memref<10240xf32, #tpu.memory_space<vmem>>[vector<16xi32>], vector<16xf32>,
        %get3A_120 = arith.constant 1 : i32
        %get3A_121 = arith.index_cast %add3A_70 : i32 to index
        %get3A_122 = arith.index_cast %get3A_120 : i32 to index
        %get3A_123 = arith.constant 112 : index
        %get3A_124 = tpu.vector_load %arg7[%get3A_121, %get3A_122, %get3A_123] {strides = array<i32>} : memref<50x2x128xi32, #tpu.memory_space<vmem>>, vector<16xi32>,
        tpu.vector_store_idx %arg10[%get3A_124], %broadcast_in_dim3A_9 {add = true} : memref<10240xf32, #tpu.memory_space<vmem>>[vector<16xi32>], vector<16xf32>,
        %add3A_125 = arith.constant 2 : i32
        %add3A_126 = arith.addi %add3A_70, %add3A_125 : i32
        %lt3A = arith.constant 30 : i32
        %lt3A_127 = arith.cmpi slt, %add3A_126, %lt3A : i32
        %convert_element_type3A_128 = arith.extui %lt3A_127 : i1 to i32
        %cond3A_129 = arith.constant 0 : i32
        %cond3A_130 = arith.cmpi ne, %convert_element_type3A_128, %cond3A_129 : i32
        scf.if %cond3A_130 {
          %dma_wait3A_197 = arith.constant 0 : i32
          %dma_wait3A_198 = arith.constant 1 : i32
          %dma_wait3A_199 = arith.constant 0 : i32
          %dma_wait3A_200 = tpu.memref_slice %arg7[%dma_wait3A_197, %dma_wait3A_198, %dma_wait3A_199] : memref<50x2x128xi32, #tpu.memory_space<vmem>> -> memref<1x1x128xi32, #tpu.memory_space<vmem>>
          %dma_wait3A_201 = tpu.memref_squeeze %dma_wait3A_200 : memref<1x1x128xi32, #tpu.memory_space<vmem>> -> memref<128xi32, #tpu.memory_space<vmem>>
          %dma_wait3A_202 = arith.constant 0 : i32
          %dma_wait3A_203 = arith.constant 0 : i32
          %dma_wait3A_204 = tpu.memref_slice %arg13[%dma_wait3A_202, %dma_wait3A_203] : memref<10240x16xf32, #tpu.memory_space<vmem_shared>> -> memref<10240x16xf32, #tpu.memory_space<vmem_shared>>
          tpu.wait_indirect_dma semaphore(%arg17 : memref<!tpu.dma_semaphore, #tpu.memory_space<semaphore_mem>>) src(%arg8 : memref<128x16xf32, #tpu.memory_space<vmem>>) dst(%dma_wait3A_204 : memref<10240x16xf32, #tpu.memory_space<vmem_shared>>)
          %add3A_205 = arith.constant 2 : i32
          %add3A_206 = arith.addi %add3A_70, %add3A_205 : i32
          %dma_start3A_207 = arith.constant 0 : i32
          %dma_start3A_208 = arith.constant 0 : i32
          %dma_start3A_209 = tpu.memref_slice %arg7[%add3A_206, %dma_start3A_207, %dma_start3A_208] : memref<50x2x128xi32, #tpu.memory_space<vmem>> -> memref<1x1x128xi32, #tpu.memory_space<vmem>>
          %dma_start3A_210 = tpu.memref_squeeze %dma_start3A_209 : memref<1x1x128xi32, #tpu.memory_space<vmem>> -> memref<128xi32, #tpu.memory_space<vmem>>
          %dma_start3A_211 = arith.constant 0 : i32
          %dma_start3A_212 = arith.constant 0 : i32
          %dma_start3A_213 = tpu.memref_slice %arg2[%dma_start3A_211, %dma_start3A_212] : memref<10240x16xf32, #tpu.memory_space<hbm>> -> memref<10240x16xf32, #tpu.memory_space<hbm>>
          tpu.enqueue_indirect_dma source(%dma_start3A_213 : memref<10240x16xf32, #tpu.memory_space<hbm>>) target(%arg8 : memref<128x16xf32, #tpu.memory_space<vmem>>) offsets(%dma_start3A_210 : memref<128xi32, #tpu.memory_space<vmem>>) semaphore(%arg15 : memref<!tpu.dma_semaphore, #tpu.memory_space<semaphore_mem>>)
        } else {
        }
        %mul3A_131 = arith.constant 2 : i32
        %mul3A_132 = arith.muli %mul3A_131, %scan3A_66 : i32
        %add3A_133 = arith.constant 1 : i32
        %add3A_134 = arith.addi %mul3A_132, %add3A_133 : i32
        %dma_wait3A_135 = arith.constant 0 : i32
        %dma_wait3A_136 = arith.constant 0 : i32
        %dma_wait3A_137 = arith.constant 0 : i32
        %dma_wait3A_138 = tpu.memref_slice %arg7[%dma_wait3A_135, %dma_wait3A_136, %dma_wait3A_137] : memref<50x2x128xi32, #tpu.memory_space<vmem>> -> memref<1x1x128xi32, #tpu.memory_space<vmem>>
        %dma_wait3A_139 = tpu.memref_squeeze %dma_wait3A_138 : memref<1x1x128xi32, #tpu.memory_space<vmem>> -> memref<128xi32, #tpu.memory_space<vmem>>
        %dma_wait3A_140 = arith.constant 0 : i32
        %dma_wait3A_141 = arith.constant 0 : i32
        %dma_wait3A_142 = tpu.memref_slice %arg2[%dma_wait3A_140, %dma_wait3A_141] : memref<10240x16xf32, #tpu.memory_space<hbm>> -> memref<10240x16xf32, #tpu.memory_space<hbm>>
        tpu.wait_indirect_dma semaphore(%arg16 : memref<!tpu.dma_semaphore, #tpu.memory_space<semaphore_mem>>) src(%dma_wait3A_142 : memref<10240x16xf32, #tpu.memory_space<hbm>>) dst(%arg9 : memref<128x16xf32, #tpu.memory_space<vmem>>)
        %dma_start3A_143 = arith.constant 1 : i32
        %dma_start3A_144 = arith.constant 0 : i32
        %dma_start3A_145 = tpu.memref_slice %arg7[%add3A_134, %dma_start3A_143, %dma_start3A_144] : memref<50x2x128xi32, #tpu.memory_space<vmem>> -> memref<1x1x128xi32, #tpu.memory_space<vmem>>
        %dma_start3A_146 = tpu.memref_squeeze %dma_start3A_145 : memref<1x1x128xi32, #tpu.memory_space<vmem>> -> memref<128xi32, #tpu.memory_space<vmem>>
        %dma_start3A_147 = arith.constant 0 : i32
        %dma_start3A_148 = arith.constant 0 : i32
        %dma_start3A_149 = tpu.memref_slice %arg13[%dma_start3A_147, %dma_start3A_148] : memref<10240x16xf32, #tpu.memory_space<vmem_shared>> -> memref<10240x16xf32, #tpu.memory_space<vmem_shared>>
        tpu.enqueue_indirect_dma source(%arg9 : memref<128x16xf32, #tpu.memory_space<vmem>>) target(%dma_start3A_149 : memref<10240x16xf32, #tpu.memory_space<vmem_shared>>) offsets(%dma_start3A_146 : memref<128xi32, #tpu.memory_space<vmem>>) semaphore(%arg18 : memref<!tpu.dma_semaphore, #tpu.memory_space<semaphore_mem>>) {add = true}
        %get3A_150 = arith.constant 1 : i32
        %get3A_151 = arith.index_cast %add3A_134 : i32 to index
        %get3A_152 = arith.index_cast %get3A_150 : i32 to index
        %get3A_153 = arith.constant 0 : index
        %get3A_154 = tpu.vector_load %arg7[%get3A_151, %get3A_152, %get3A_153] {strides = array<i32>} : memref<50x2x128xi32, #tpu.memory_space<vmem>>, vector<16xi32>,
        tpu.vector_store_idx %arg10[%get3A_154], %broadcast_in_dim3A_9 {add = true} : memref<10240xf32, #tpu.memory_space<vmem>>[vector<16xi32>], vector<16xf32>,
        %get3A_155 = arith.constant 1 : i32
        %get3A_156 = arith.index_cast %add3A_134 : i32 to index
        %get3A_157 = arith.index_cast %get3A_155 : i32 to index
        %get3A_158 = arith.constant 16 : index
        %get3A_159 = tpu.vector_load %arg7[%get3A_156, %get3A_157, %get3A_158] {strides = array<i32>} : memref<50x2x128xi32, #tpu.memory_space<vmem>>, vector<16xi32>,
        tpu.vector_store_idx %arg10[%get3A_159], %broadcast_in_dim3A_9 {add = true} : memref<10240xf32, #tpu.memory_space<vmem>>[vector<16xi32>], vector<16xf32>,
        %get3A_160 = arith.constant 1 : i32
        %get3A_161 = arith.index_cast %add3A_134 : i32 to index
        %get3A_162 = arith.index_cast %get3A_160 : i32 to index
        %get3A_163 = arith.constant 32 : index
        %get3A_164 = tpu.vector_load %arg7[%get3A_161, %get3A_162, %get3A_163] {strides = array<i32>} : memref<50x2x128xi32, #tpu.memory_space<vmem>>, vector<16xi32>,
        tpu.vector_store_idx %arg10[%get3A_164], %broadcast_in_dim3A_9 {add = true} : memref<10240xf32, #tpu.memory_space<vmem>>[vector<16xi32>], vector<16xf32>,
        %get3A_165 = arith.constant 1 : i32
        %get3A_166 = arith.index_cast %add3A_134 : i32 to index
        %get3A_167 = arith.index_cast %get3A_165 : i32 to index
        %get3A_168 = arith.constant 48 : index
        %get3A_169 = tpu.vector_load %arg7[%get3A_166, %get3A_167, %get3A_168] {strides = array<i32>} : memref<50x2x128xi32, #tpu.memory_space<vmem>>, vector<16xi32>,
        tpu.vector_store_idx %arg10[%get3A_169], %broadcast_in_dim3A_9 {add = true} : memref<10240xf32, #tpu.memory_space<vmem>>[vector<16xi32>], vector<16xf32>,
        %get3A_170 = arith.constant 1 : i32
        %get3A_171 = arith.index_cast %add3A_134 : i32 to index
        %get3A_172 = arith.index_cast %get3A_170 : i32 to index
        %get3A_173 = arith.constant 64 : index
        %get3A_174 = tpu.vector_load %arg7[%get3A_171, %get3A_172, %get3A_173] {strides = array<i32>} : memref<50x2x128xi32, #tpu.memory_space<vmem>>, vector<16xi32>,
        tpu.vector_store_idx %arg10[%get3A_174], %broadcast_in_dim3A_9 {add = true} : memref<10240xf32, #tpu.memory_space<vmem>>[vector<16xi32>], vector<16xf32>,
        %get3A_175 = arith.constant 1 : i32
        %get3A_176 = arith.index_cast %add3A_134 : i32 to index
        %get3A_177 = arith.index_cast %get3A_175 : i32 to index
        %get3A_178 = arith.constant 80 : index
        %get3A_179 = tpu.vector_load %arg7[%get3A_176, %get3A_177, %get3A_178] {strides = array<i32>} : memref<50x2x128xi32, #tpu.memory_space<vmem>>, vector<16xi32>,
        tpu.vector_store_idx %arg10[%get3A_179], %broadcast_in_dim3A_9 {add = true} : memref<10240xf32, #tpu.memory_space<vmem>>[vector<16xi32>], vector<16xf32>,
        %get3A_180 = arith.constant 1 : i32
        %get3A_181 = arith.index_cast %add3A_134 : i32 to index
        %get3A_182 = arith.index_cast %get3A_180 : i32 to index
        %get3A_183 = arith.constant 96 : index
        %get3A_184 = tpu.vector_load %arg7[%get3A_181, %get3A_182, %get3A_183] {strides = array<i32>} : memref<50x2x128xi32, #tpu.memory_space<vmem>>, vector<16xi32>,
        tpu.vector_store_idx %arg10[%get3A_184], %broadcast_in_dim3A_9 {add = true} : memref<10240xf32, #tpu.memory_space<vmem>>[vector<16xi32>], vector<16xf32>,
        %get3A_185 = arith.constant 1 : i32
        %get3A_186 = arith.index_cast %add3A_134 : i32 to index
        %get3A_187 = arith.index_cast %get3A_185 : i32 to index
        %get3A_188 = arith.constant 112 : index
        %get3A_189 = tpu.vector_load %arg7[%get3A_186, %get3A_187, %get3A_188] {strides = array<i32>} : memref<50x2x128xi32, #tpu.memory_space<vmem>>, vector<16xi32>,
        tpu.vector_store_idx %arg10[%get3A_189], %broadcast_in_dim3A_9 {add = true} : memref<10240xf32, #tpu.memory_space<vmem>>[vector<16xi32>], vector<16xf32>,
        %add3A_190 = arith.constant 2 : i32
        %add3A_191 = arith.addi %add3A_134, %add3A_190 : i32
        %lt3A_192 = arith.constant 30 : i32
        %lt3A_193 = arith.cmpi slt, %add3A_191, %lt3A_192 : i32
        %convert_element_type3A_194 = arith.extui %lt3A_193 : i1 to i32
        %cond3A_195 = arith.constant 0 : i32
        %cond3A_196 = arith.cmpi ne, %convert_element_type3A_194, %cond3A_195 : i32
        scf.if %cond3A_196 {
          %dma_wait3A_197 = arith.constant 0 : i32
          %dma_wait3A_198 = arith.constant 1 : i32
          %dma_wait3A_199 = arith.constant 0 : i32
          %dma_wait3A_200 = tpu.memref_slice %arg7[%dma_wait3A_197, %dma_wait3A_198, %dma_wait3A_199] : memref<50x2x128xi32, #tpu.memory_space<vmem>> -> memref<1x1x128xi32, #tpu.memory_space<vmem>>
          %dma_wait3A_201 = tpu.memref_squeeze %dma_wait3A_200 : memref<1x1x128xi32, #tpu.memory_space<vmem>> -> memref<128xi32, #tpu.memory_space<vmem>>
          %dma_wait3A_202 = arith.constant 0 : i32
          %dma_wait3A_203 = arith.constant 0 : i32
          %dma_wait3A_204 = tpu.memref_slice %arg13[%dma_wait3A_202, %dma_wait3A_203] : memref<10240x16xf32, #tpu.memory_space<vmem_shared>> -> memref<10240x16xf32, #tpu.memory_space<vmem_shared>>
          tpu.wait_indirect_dma semaphore(%arg18 : memref<!tpu.dma_semaphore, #tpu.memory_space<semaphore_mem>>) src(%arg9 : memref<128x16xf32, #tpu.memory_space<vmem>>) dst(%dma_wait3A_204 : memref<10240x16xf32, #tpu.memory_space<vmem_shared>>)
          %add3A_205 = arith.constant 2 : i32
          %add3A_206 = arith.addi %add3A_134, %add3A_205 : i32
          %dma_start3A_207 = arith.constant 0 : i32
          %dma_start3A_208 = arith.constant 0 : i32
          %dma_start3A_209 = tpu.memref_slice %arg7[%add3A_206, %dma_start3A_207, %dma_start3A_208] : memref<50x2x128xi32, #tpu.memory_space<vmem>> -> memref<1x1x128xi32, #tpu.memory_space<vmem>>
          %dma_start3A_210 = tpu.memref_squeeze %dma_start3A_209 : memref<1x1x128xi32, #tpu.memory_space<vmem>> -> memref<128xi32, #tpu.memory_space<vmem>>
          %dma_start3A_211 = arith.constant 0 : i32
          %dma_start3A_212 = arith.constant 0 : i32
          %dma_start3A_213 = tpu.memref_slice %arg2[%dma_start3A_211, %dma_start3A_212] : memref<10240x16xf32, #tpu.memory_space<hbm>> -> memref<10240x16xf32, #tpu.memory_space<hbm>>
          tpu.enqueue_indirect_dma source(%dma_start3A_213 : memref<10240x16xf32, #tpu.memory_space<hbm>>) target(%arg9 : memref<128x16xf32, #tpu.memory_space<vmem>>) offsets(%dma_start3A_210 : memref<128xi32, #tpu.memory_space<vmem>>) semaphore(%arg16 : memref<!tpu.dma_semaphore, #tpu.memory_space<semaphore_mem>>)
        } else {
        }
      }
      %scan3A_65 = arith.constant 15 : i32
    } else {
    }
    %dma_wait3A = arith.constant 0 : i32
    %dma_wait3A_38 = arith.constant 1 : i32
    %dma_wait3A_39 = arith.constant 0 : i32
    %dma_wait3A_40 = tpu.memref_slice %arg7[%dma_wait3A, %dma_wait3A_38, %dma_wait3A_39] : memref<50x2x128xi32, #tpu.memory_space<vmem>> -> memref<1x1x128xi32, #tpu.memory_space<vmem>>
    %dma_wait3A_41 = tpu.memref_squeeze %dma_wait3A_40 : memref<1x1x128xi32, #tpu.memory_space<vmem>> -> memref<128xi32, #tpu.memory_space<vmem>>
    %dma_wait3A_42 = arith.constant 0 : i32
    %dma_wait3A_43 = arith.constant 0 : i32
    %dma_wait3A_44 = tpu.memref_slice %arg13[%dma_wait3A_42, %dma_wait3A_43] : memref<10240x16xf32, #tpu.memory_space<vmem_shared>> -> memref<10240x16xf32, #tpu.memory_space<vmem_shared>>
    tpu.wait_indirect_dma semaphore(%arg17 : memref<!tpu.dma_semaphore, #tpu.memory_space<semaphore_mem>>) src(%arg8 : memref<128x16xf32, #tpu.memory_space<vmem>>) dst(%dma_wait3A_44 : memref<10240x16xf32, #tpu.memory_space<vmem_shared>>)
    %dma_wait3A_45 = arith.constant 0 : i32
    %dma_wait3A_46 = arith.constant 1 : i32
    %dma_wait3A_47 = arith.constant 0 : i32
    %dma_wait3A_48 = tpu.memref_slice %arg7[%dma_wait3A_45, %dma_wait3A_46, %dma_wait3A_47] : memref<50x2x128xi32, #tpu.memory_space<vmem>> -> memref<1x1x128xi32, #tpu.memory_space<vmem>>
    %dma_wait3A_49 = tpu.memref_squeeze %dma_wait3A_48 : memref<1x1x128xi32, #tpu.memory_space<vmem>> -> memref<128xi32, #tpu.memory_space<vmem>>
    %dma_wait3A_50 = arith.constant 0 : i32
    %dma_wait3A_51 = arith.constant 0 : i32
    %dma_wait3A_52 = tpu.memref_slice %arg13[%dma_wait3A_50, %dma_wait3A_51] : memref<10240x16xf32, #tpu.memory_space<vmem_shared>> -> memref<10240x16xf32, #tpu.memory_space<vmem_shared>>
    tpu.wait_indirect_dma semaphore(%arg18 : memref<!tpu.dma_semaphore, #tpu.memory_space<semaphore_mem>>) src(%arg9 : memref<128x16xf32, #tpu.memory_space<vmem>>) dst(%dma_wait3A_52 : memref<10240x16xf32, #tpu.memory_space<vmem_shared>>)
    "tpu.region"() ({
      %run_scoped3A = tpu.sem_alloc : memref<!tpu.dma_semaphore, #tpu.memory_space<semaphore_mem>>
      %dma_start3A_60 = arith.constant 0 : i32
      %dma_start3A_61 = tpu.memref_slice %arg14[%arg1, %dma_start3A_60] : memref<16x10240xf32, #tpu.memory_space<vmem_shared>> -> memref<1x10240xf32, #tpu.memory_space<vmem_shared>>
      %dma_start3A_62 = tpu.memref_squeeze %dma_start3A_61 : memref<1x10240xf32, #tpu.memory_space<vmem_shared>> -> memref<10240xf32, #tpu.memory_space<vmem_shared>>
      %dma_start3A_63 = arith.constant 0 : i32
      %dma_start3A_64 = tpu.memref_slice %arg14[%arg1, %dma_start3A_63] : memref<16x10240xf32, #tpu.memory_space<vmem_shared>> -> memref<1x10240xf32, #tpu.memory_space<vmem_shared>>
      %dma_start3A_65 = tpu.memref_squeeze %dma_start3A_64 : memref<1x10240xf32, #tpu.memory_space<vmem_shared>> -> memref<10240xf32, #tpu.memory_space<vmem_shared>>
      tpu.enqueue_dma source(%arg10 : memref<10240xf32, #tpu.memory_space<vmem>>) target(%dma_start3A_65 : memref<10240xf32, #tpu.memory_space<vmem_shared>>) target_semaphore(%run_scoped3A : memref<!tpu.dma_semaphore, #tpu.memory_space<semaphore_mem>>)
      %dma_wait3A_66 = arith.constant 0 : i32
      %dma_wait3A_67 = tpu.memref_slice %arg14[%arg1, %dma_wait3A_66] : memref<16x10240xf32, #tpu.memory_space<vmem_shared>> -> memref<1x10240xf32, #tpu.memory_space<vmem_shared>>
      %dma_wait3A_68 = tpu.memref_squeeze %dma_wait3A_67 : memref<1x10240xf32, #tpu.memory_space<vmem_shared>> -> memref<10240xf32, #tpu.memory_space<vmem_shared>>
      %dma_wait3A_69 = arith.constant 0 : i32
      %dma_wait3A_70 = tpu.memref_slice %arg14[%arg1, %dma_wait3A_69] : memref<16x10240xf32, #tpu.memory_space<vmem_shared>> -> memref<1x10240xf32, #tpu.memory_space<vmem_shared>>
      %dma_wait3A_71 = tpu.memref_squeeze %dma_wait3A_70 : memref<1x10240xf32, #tpu.memory_space<vmem_shared>> -> memref<10240xf32, #tpu.memory_space<vmem_shared>>
      tpu.wait_dma2 semaphore(%run_scoped3A : memref<!tpu.dma_semaphore, #tpu.memory_space<semaphore_mem>>) src(%arg10 : memref<10240xf32, #tpu.memory_space<vmem>>) dst(%dma_wait3A_71 : memref<10240xf32, #tpu.memory_space<vmem_shared>>)
      tpu.yield
    }) : () -> ()
    %barrier3A_53 = arith.constant 0 : index
    tpu.barrier barrier_id(%barrier3A_53)
    "tpu.region"() ({
      %run_scoped3A = tpu.sem_alloc : memref<!tpu.dma_semaphore, #tpu.memory_space<semaphore_mem>>
      %dma_start3A_60 = arith.constant 0 : i32
      %dma_start3A_61 = tpu.memref_slice %arg5[%arg0, %mul3A_0, %dma_start3A_60] : memref<2x10240x16xf32, #tpu.memory_space<hbm>> -> memref<1x640x16xf32, #tpu.memory_space<hbm>>
      %dma_start3A_62 = tpu.memref_squeeze %dma_start3A_61 : memref<1x640x16xf32, #tpu.memory_space<hbm>> -> memref<640x16xf32, #tpu.memory_space<hbm>>
      %dma_start3A_63 = arith.constant 0 : i32
      %dma_start3A_64 = tpu.memref_slice %arg13[%mul3A_0, %dma_start3A_63] : memref<10240x16xf32, #tpu.memory_space<vmem_shared>> -> memref<640x16xf32, #tpu.memory_space<vmem_shared>>
      tpu.enqueue_dma source(%dma_start3A_64 : memref<640x16xf32, #tpu.memory_space<vmem_shared>>) target(%dma_start3A_62 : memref<640x16xf32, #tpu.memory_space<hbm>>) target_semaphore(%run_scoped3A : memref<!tpu.dma_semaphore, #tpu.memory_space<semaphore_mem>>)
      %dma_wait3A_65 = arith.constant 0 : i32
      %dma_wait3A_66 = tpu.memref_slice %arg5[%arg0, %mul3A_0, %dma_wait3A_65] : memref<2x10240x16xf32, #tpu.memory_space<hbm>> -> memref<1x640x16xf32, #tpu.memory_space<hbm>>
      %dma_wait3A_67 = tpu.memref_squeeze %dma_wait3A_66 : memref<1x640x16xf32, #tpu.memory_space<hbm>> -> memref<640x16xf32, #tpu.memory_space<hbm>>
      %dma_wait3A_68 = arith.constant 0 : i32
      %dma_wait3A_69 = tpu.memref_slice %arg13[%mul3A_0, %dma_wait3A_68] : memref<10240x16xf32, #tpu.memory_space<vmem_shared>> -> memref<640x16xf32, #tpu.memory_space<vmem_shared>>
      tpu.wait_dma2 semaphore(%run_scoped3A : memref<!tpu.dma_semaphore, #tpu.memory_space<semaphore_mem>>) src(%dma_wait3A_69 : memref<640x16xf32, #tpu.memory_space<vmem_shared>>) dst(%dma_wait3A_67 : memref<640x16xf32, #tpu.memory_space<hbm>>)
      tpu.yield
    }) : () -> ()
    "tpu.region"() ({
      %run_scoped3A = tpu.sem_alloc : memref<!tpu.dma_semaphore, #tpu.memory_space<semaphore_mem>>
      %dma_start3A_60 = arith.constant 0 : i32
      %dma_start3A_61 = tpu.memref_slice %arg14[%dma_start3A_60, %mul3A_0] : memref<16x10240xf32, #tpu.memory_space<vmem_shared>> -> memref<16x640xf32, #tpu.memory_space<vmem_shared>>
      %dma_start3A_62 = arith.constant 0 : i32
      %dma_start3A_63 = tpu.memref_slice %arg14[%dma_start3A_62, %mul3A_0] : memref<16x10240xf32, #tpu.memory_space<vmem_shared>> -> memref<16x640xf32, #tpu.memory_space<vmem_shared>>
      tpu.enqueue_dma source(%dma_start3A_63 : memref<16x640xf32, #tpu.memory_space<vmem_shared>>) target(%arg11 : memref<16x640xf32, #tpu.memory_space<vmem>>) target_semaphore(%run_scoped3A : memref<!tpu.dma_semaphore, #tpu.memory_space<semaphore_mem>>)
      %dma_wait3A_64 = arith.constant 0 : i32
      %dma_wait3A_65 = tpu.memref_slice %arg14[%dma_wait3A_64, %mul3A_0] : memref<16x10240xf32, #tpu.memory_space<vmem_shared>> -> memref<16x640xf32, #tpu.memory_space<vmem_shared>>
      %dma_wait3A_66 = arith.constant 0 : i32
      %dma_wait3A_67 = tpu.memref_slice %arg14[%dma_wait3A_66, %mul3A_0] : memref<16x10240xf32, #tpu.memory_space<vmem_shared>> -> memref<16x640xf32, #tpu.memory_space<vmem_shared>>
      tpu.wait_dma2 semaphore(%run_scoped3A : memref<!tpu.dma_semaphore, #tpu.memory_space<semaphore_mem>>) src(%dma_wait3A_67 : memref<16x640xf32, #tpu.memory_space<vmem_shared>>) dst(%arg11 : memref<16x640xf32, #tpu.memory_space<vmem>>)
      tpu.yield
    }) : () -> ()
    %scan3A_54 = arith.constant 0 : i32
    %scan3A_55 = arith.constant 0 : i32
    %scan3A_56 = arith.constant 40 : i32
    %scan3A_57 = arith.addi %scan3A_55, %scan3A_56 : i32
    %scan3A_58 = arith.constant 1 : i32
    scf.for %scan3A_60 = %scan3A_55 to %scan3A_57 step %scan3A_58  : i32 {
      %mul3A_61 = arith.constant 16 : i32
      %mul3A_62 = arith.muli %scan3A_60, %mul3A_61 : i32
      %get3A = arith.constant 0 : i32
      %get3A_63 = arith.index_cast %get3A : i32 to index
      %get3A_64 = arith.index_cast %mul3A_62 : i32 to index
      %get3A_65 = tpu.vector_load %arg11[%get3A_63, %get3A_64] {strides = array<i32>} : memref<16x640xf32, #tpu.memory_space<vmem>>, vector<16xf32>,
      %mul3A_66 = arith.constant 16 : i32
      %mul3A_67 = arith.muli %scan3A_60, %mul3A_66 : i32
      %get3A_68 = arith.constant 1 : i32
      %get3A_69 = arith.index_cast %get3A_68 : i32 to index
      %get3A_70 = arith.index_cast %mul3A_67 : i32 to index
      %get3A_71 = tpu.vector_load %arg11[%get3A_69, %get3A_70] {strides = array<i32>} : memref<16x640xf32, #tpu.memory_space<vmem>>, vector<16xf32>,
      %add3A_72 = arith.addf %get3A_65, %get3A_71 : vector<16xf32>
      %mul3A_73 = arith.constant 16 : i32
      %mul3A_74 = arith.muli %scan3A_60, %mul3A_73 : i32
      %get3A_75 = arith.constant 2 : i32
      %get3A_76 = arith.index_cast %get3A_75 : i32 to index
      %get3A_77 = arith.index_cast %mul3A_74 : i32 to index
      %get3A_78 = tpu.vector_load %arg11[%get3A_76, %get3A_77] {strides = array<i32>} : memref<16x640xf32, #tpu.memory_space<vmem>>, vector<16xf32>,
      %add3A_79 = arith.addf %add3A_72, %get3A_78 : vector<16xf32>
      %mul3A_80 = arith.constant 16 : i32
      %mul3A_81 = arith.muli %scan3A_60, %mul3A_80 : i32
      %get3A_82 = arith.constant 3 : i32
      %get3A_83 = arith.index_cast %get3A_82 : i32 to index
      %get3A_84 = arith.index_cast %mul3A_81 : i32 to index
      %get3A_85 = tpu.vector_load %arg11[%get3A_83, %get3A_84] {strides = array<i32>} : memref<16x640xf32, #tpu.memory_space<vmem>>, vector<16xf32>,
      %add3A_86 = arith.addf %add3A_79, %get3A_85 : vector<16xf32>
      %mul3A_87 = arith.constant 16 : i32
      %mul3A_88 = arith.muli %scan3A_60, %mul3A_87 : i32
      %get3A_89 = arith.constant 4 : i32
      %get3A_90 = arith.index_cast %get3A_89 : i32 to index
      %get3A_91 = arith.index_cast %mul3A_88 : i32 to index
      %get3A_92 = tpu.vector_load %arg11[%get3A_90, %get3A_91] {strides = array<i32>} : memref<16x640xf32, #tpu.memory_space<vmem>>, vector<16xf32>,
      %add3A_93 = arith.addf %add3A_86, %get3A_92 : vector<16xf32>
      %mul3A_94 = arith.constant 16 : i32
      %mul3A_95 = arith.muli %scan3A_60, %mul3A_94 : i32
      %get3A_96 = arith.constant 5 : i32
      %get3A_97 = arith.index_cast %get3A_96 : i32 to index
      %get3A_98 = arith.index_cast %mul3A_95 : i32 to index
      %get3A_99 = tpu.vector_load %arg11[%get3A_97, %get3A_98] {strides = array<i32>} : memref<16x640xf32, #tpu.memory_space<vmem>>, vector<16xf32>,
      %add3A_100 = arith.addf %add3A_93, %get3A_99 : vector<16xf32>
      %mul3A_101 = arith.constant 16 : i32
      %mul3A_102 = arith.muli %scan3A_60, %mul3A_101 : i32
      %get3A_103 = arith.constant 6 : i32
      %get3A_104 = arith.index_cast %get3A_103 : i32 to index
      %get3A_105 = arith.index_cast %mul3A_102 : i32 to index
      %get3A_106 = tpu.vector_load %arg11[%get3A_104, %get3A_105] {strides = array<i32>} : memref<16x640xf32, #tpu.memory_space<vmem>>, vector<16xf32>,
      %add3A_107 = arith.addf %add3A_100, %get3A_106 : vector<16xf32>
      %mul3A_108 = arith.constant 16 : i32
      %mul3A_109 = arith.muli %scan3A_60, %mul3A_108 : i32
      %get3A_110 = arith.constant 7 : i32
      %get3A_111 = arith.index_cast %get3A_110 : i32 to index
      %get3A_112 = arith.index_cast %mul3A_109 : i32 to index
      %get3A_113 = tpu.vector_load %arg11[%get3A_111, %get3A_112] {strides = array<i32>} : memref<16x640xf32, #tpu.memory_space<vmem>>, vector<16xf32>,
      %add3A_114 = arith.addf %add3A_107, %get3A_113 : vector<16xf32>
      %mul3A_115 = arith.constant 16 : i32
      %mul3A_116 = arith.muli %scan3A_60, %mul3A_115 : i32
      %get3A_117 = arith.constant 8 : i32
      %get3A_118 = arith.index_cast %get3A_117 : i32 to index
      %get3A_119 = arith.index_cast %mul3A_116 : i32 to index
      %get3A_120 = tpu.vector_load %arg11[%get3A_118, %get3A_119] {strides = array<i32>} : memref<16x640xf32, #tpu.memory_space<vmem>>, vector<16xf32>,
      %add3A_121 = arith.addf %add3A_114, %get3A_120 : vector<16xf32>
      %mul3A_122 = arith.constant 16 : i32
      %mul3A_123 = arith.muli %scan3A_60, %mul3A_122 : i32
      %get3A_124 = arith.constant 9 : i32
      %get3A_125 = arith.index_cast %get3A_124 : i32 to index
      %get3A_126 = arith.index_cast %mul3A_123 : i32 to index
      %get3A_127 = tpu.vector_load %arg11[%get3A_125, %get3A_126] {strides = array<i32>} : memref<16x640xf32, #tpu.memory_space<vmem>>, vector<16xf32>,
      %add3A_128 = arith.addf %add3A_121, %get3A_127 : vector<16xf32>
      %mul3A_129 = arith.constant 16 : i32
      %mul3A_130 = arith.muli %scan3A_60, %mul3A_129 : i32
      %get3A_131 = arith.constant 10 : i32
      %get3A_132 = arith.index_cast %get3A_131 : i32 to index
      %get3A_133 = arith.index_cast %mul3A_130 : i32 to index
      %get3A_134 = tpu.vector_load %arg11[%get3A_132, %get3A_133] {strides = array<i32>} : memref<16x640xf32, #tpu.memory_space<vmem>>, vector<16xf32>,
      %add3A_135 = arith.addf %add3A_128, %get3A_134 : vector<16xf32>
      %mul3A_136 = arith.constant 16 : i32
      %mul3A_137 = arith.muli %scan3A_60, %mul3A_136 : i32
      %get3A_138 = arith.constant 11 : i32
      %get3A_139 = arith.index_cast %get3A_138 : i32 to index
      %get3A_140 = arith.index_cast %mul3A_137 : i32 to index
      %get3A_141 = tpu.vector_load %arg11[%get3A_139, %get3A_140] {strides = array<i32>} : memref<16x640xf32, #tpu.memory_space<vmem>>, vector<16xf32>,
      %add3A_142 = arith.addf %add3A_135, %get3A_141 : vector<16xf32>
      %mul3A_143 = arith.constant 16 : i32
      %mul3A_144 = arith.muli %scan3A_60, %mul3A_143 : i32
      %get3A_145 = arith.constant 12 : i32
      %get3A_146 = arith.index_cast %get3A_145 : i32 to index
      %get3A_147 = arith.index_cast %mul3A_144 : i32 to index
      %get3A_148 = tpu.vector_load %arg11[%get3A_146, %get3A_147] {strides = array<i32>} : memref<16x640xf32, #tpu.memory_space<vmem>>, vector<16xf32>,
      %add3A_149 = arith.addf %add3A_142, %get3A_148 : vector<16xf32>
      %mul3A_150 = arith.constant 16 : i32
      %mul3A_151 = arith.muli %scan3A_60, %mul3A_150 : i32
      %get3A_152 = arith.constant 13 : i32
      %get3A_153 = arith.index_cast %get3A_152 : i32 to index
      %get3A_154 = arith.index_cast %mul3A_151 : i32 to index
      %get3A_155 = tpu.vector_load %arg11[%get3A_153, %get3A_154] {strides = array<i32>} : memref<16x640xf32, #tpu.memory_space<vmem>>, vector<16xf32>,
      %add3A_156 = arith.addf %add3A_149, %get3A_155 : vector<16xf32>
      %mul3A_157 = arith.constant 16 : i32
      %mul3A_158 = arith.muli %scan3A_60, %mul3A_157 : i32
      %get3A_159 = arith.constant 14 : i32
      %get3A_160 = arith.index_cast %get3A_159 : i32 to index
      %get3A_161 = arith.index_cast %mul3A_158 : i32 to index
      %get3A_162 = tpu.vector_load %arg11[%get3A_160, %get3A_161] {strides = array<i32>} : memref<16x640xf32, #tpu.memory_space<vmem>>, vector<16xf32>,
      %add3A_163 = arith.addf %add3A_156, %get3A_162 : vector<16xf32>
      %mul3A_164 = arith.constant 16 : i32
      %mul3A_165 = arith.muli %scan3A_60, %mul3A_164 : i32
      %get3A_166 = arith.constant 15 : i32
      %get3A_167 = arith.index_cast %get3A_166 : i32 to index
      %get3A_168 = arith.index_cast %mul3A_165 : i32 to index
      %get3A_169 = tpu.vector_load %arg11[%get3A_167, %get3A_168] {strides = array<i32>} : memref<16x640xf32, #tpu.memory_space<vmem>>, vector<16xf32>,
      %add3A_170 = arith.addf %add3A_163, %get3A_169 : vector<16xf32>
      %mul3A_171 = arith.constant 16 : i32
      %mul3A_172 = arith.muli %scan3A_60, %mul3A_171 : i32
      %swap3A = arith.index_cast %mul3A_172 : i32 to index
      %swap3A_173 = tpu.vector_load %arg12[%swap3A] {strides = array<i32>} : memref<640xf32, #tpu.memory_space<vmem>>, vector<16xf32>,
      tpu.vector_store %arg12[%swap3A], %add3A_170 {strides = array<i32>} : memref<640xf32, #tpu.memory_space<vmem>>, vector<16xf32>,
    }
    %scan3A_59 = arith.constant 40 : i32
    "tpu.region"() ({
      %run_scoped3A = tpu.sem_alloc : memref<!tpu.dma_semaphore, #tpu.memory_space<semaphore_mem>>
      %dma_start3A_60 = tpu.memref_slice %arg6[%arg0, %mul3A_0] : memref<2x10240xf32, #tpu.memory_space<hbm>> -> memref<1x640xf32, #tpu.memory_space<hbm>>
      %dma_start3A_61 = tpu.memref_squeeze %dma_start3A_60 : memref<1x640xf32, #tpu.memory_space<hbm>> -> memref<640xf32, #tpu.memory_space<hbm>>
      %dma_start3A_62 = tpu.memref_slice %arg6[%arg0, %mul3A_0] : memref<2x10240xf32, #tpu.memory_space<hbm>> -> memref<1x640xf32, #tpu.memory_space<hbm>>
      %dma_start3A_63 = tpu.memref_squeeze %dma_start3A_62 : memref<1x640xf32, #tpu.memory_space<hbm>> -> memref<640xf32, #tpu.memory_space<hbm>>
      tpu.enqueue_dma source(%arg12 : memref<640xf32, #tpu.memory_space<vmem>>) target(%dma_start3A_63 : memref<640xf32, #tpu.memory_space<hbm>>) target_semaphore(%run_scoped3A : memref<!tpu.dma_semaphore, #tpu.memory_space<semaphore_mem>>)
      %dma_wait3A_64 = tpu.memref_slice %arg6[%arg0, %mul3A_0] : memref<2x10240xf32, #tpu.memory_space<hbm>> -> memref<1x640xf32, #tpu.memory_space<hbm>>
      %dma_wait3A_65 = tpu.memref_squeeze %dma_wait3A_64 : memref<1x640xf32, #tpu.memory_space<hbm>> -> memref<640xf32, #tpu.memory_space<hbm>>
      %dma_wait3A_66 = tpu.memref_slice %arg6[%arg0, %mul3A_0] : memref<2x10240xf32, #tpu.memory_space<hbm>> -> memref<1x640xf32, #tpu.memory_space<hbm>>
      %dma_wait3A_67 = tpu.memref_squeeze %dma_wait3A_66 : memref<1x640xf32, #tpu.memory_space<hbm>> -> memref<640xf32, #tpu.memory_space<hbm>>
      tpu.wait_dma2 semaphore(%run_scoped3A : memref<!tpu.dma_semaphore, #tpu.memory_space<semaphore_mem>>) src(%arg12 : memref<640xf32, #tpu.memory_space<vmem>>) dst(%dma_wait3A_67 : memref<640xf32, #tpu.memory_space<hbm>>)
      tpu.yield
    }) : () -> ()
    return
  }
}

#map = affine_map<(d0, d1) -> (0, 0)>
#map1 = affine_map<(d0, d1) -> (0, 0, 0)>
module attributes {stable_mosaic.version = 14 : i64} {
  func.func @sc_agg(%arg0: i32, %arg1: i32, %arg2: memref<10240x16xf32, #tpu.memory_space<hbm>>, %arg3: memref<1330x2x128xi32, #tpu.memory_space<hbm>>, %arg4: memref<10240x16xf32, #tpu.memory_space<hbm>>, %arg5: memref<2x10240x16xf32, #tpu.memory_space<hbm>>, %arg6: memref<50x2x128xi32, #tpu.memory_space<vmem>>, %arg7: memref<128x16xf32, #tpu.memory_space<vmem>>, %arg8: memref<128x16xf32, #tpu.memory_space<vmem>>, %arg9: memref<10240x16xf32, #tpu.memory_space<vmem_shared>>, %arg10: memref<!tpu.dma_semaphore, #tpu.memory_space<semaphore_mem>>, %arg11: memref<!tpu.dma_semaphore, #tpu.memory_space<semaphore_mem>>) attributes {dimension_semantics = [#tpu.dimension_semantics<core_parallel>, #tpu.dimension_semantics<subcore_parallel>], iteration_bounds = array<i64: 2, 16>, scalar_prefetch = 0 : i64, scratch_operands = 6 : i64, tpu.core_type = #tpu.core_type<sc_vector_subcore>, window_params = [{transform_indices = #map}, {transform_indices = #map1}, {transform_indices = #map}, {transform_indices = #map1}]} {
    %mul3A = arith.constant 640 : i32
    %mul3A_0 = arith.muli %arg1, %mul3A : i32
    "tpu.region"() ({
      %run_scoped3A = tpu.sem_alloc : memref<!tpu.dma_semaphore, #tpu.memory_space<semaphore_mem>>
      %dma_start3A_31 = arith.constant 0 : i32
      %dma_start3A_32 = tpu.memref_slice %arg9[%mul3A_0, %dma_start3A_31] : memref<10240x16xf32, #tpu.memory_space<vmem_shared>> -> memref<640x16xf32, #tpu.memory_space<vmem_shared>>
      %dma_start3A_33 = arith.constant 0 : i32
      %dma_start3A_34 = tpu.memref_slice %arg4[%mul3A_0, %dma_start3A_33] : memref<10240x16xf32, #tpu.memory_space<hbm>> -> memref<640x16xf32, #tpu.memory_space<hbm>>
      tpu.enqueue_dma source(%dma_start3A_34 : memref<640x16xf32, #tpu.memory_space<hbm>>) target(%dma_start3A_32 : memref<640x16xf32, #tpu.memory_space<vmem_shared>>) target_semaphore(%run_scoped3A : memref<!tpu.dma_semaphore, #tpu.memory_space<semaphore_mem>>)
      %dma_wait3A = arith.constant 0 : i32
      %dma_wait3A_35 = tpu.memref_slice %arg9[%mul3A_0, %dma_wait3A] : memref<10240x16xf32, #tpu.memory_space<vmem_shared>> -> memref<640x16xf32, #tpu.memory_space<vmem_shared>>
      %dma_wait3A_36 = arith.constant 0 : i32
      %dma_wait3A_37 = tpu.memref_slice %arg4[%mul3A_0, %dma_wait3A_36] : memref<10240x16xf32, #tpu.memory_space<hbm>> -> memref<640x16xf32, #tpu.memory_space<hbm>>
      tpu.wait_dma2 semaphore(%run_scoped3A : memref<!tpu.dma_semaphore, #tpu.memory_space<semaphore_mem>>) src(%dma_wait3A_37 : memref<640x16xf32, #tpu.memory_space<hbm>>) dst(%dma_wait3A_35 : memref<640x16xf32, #tpu.memory_space<vmem_shared>>)
      tpu.yield
    }) : () -> ()
    %eq3A = arith.constant 0 : i32
    %eq3A_1 = arith.cmpi eq, %arg0, %eq3A : i32
    %mul3A_2 = arith.constant 50 : i32
    %mul3A_3 = arith.muli %arg1, %mul3A_2 : i32
    %mul3A_4 = arith.constant 30 : i32
    %mul3A_5 = arith.muli %arg1, %mul3A_4 : i32
    %add3A = arith.constant 800 : i32
    %add3A_6 = arith.addi %add3A, %mul3A_5 : i32
    %select_n3A = arith.select %eq3A_1, %mul3A_3, %add3A_6 : i32
    "tpu.region"() ({
      %run_scoped3A = tpu.sem_alloc : memref<!tpu.dma_semaphore, #tpu.memory_space<semaphore_mem>>
      %dma_start3A_31 = arith.constant 0 : i32
      %dma_start3A_32 = arith.constant 0 : i32
      %dma_start3A_33 = tpu.memref_slice %arg3[%select_n3A, %dma_start3A_31, %dma_start3A_32] : memref<1330x2x128xi32, #tpu.memory_space<hbm>> -> memref<50x2x128xi32, #tpu.memory_space<hbm>>
      %dma_start3A_34 = arith.constant 0 : i32
      %dma_start3A_35 = arith.constant 0 : i32
      %dma_start3A_36 = tpu.memref_slice %arg3[%select_n3A, %dma_start3A_34, %dma_start3A_35] : memref<1330x2x128xi32, #tpu.memory_space<hbm>> -> memref<50x2x128xi32, #tpu.memory_space<hbm>>
      tpu.enqueue_dma source(%dma_start3A_36 : memref<50x2x128xi32, #tpu.memory_space<hbm>>) target(%arg6 : memref<50x2x128xi32, #tpu.memory_space<vmem>>) target_semaphore(%run_scoped3A : memref<!tpu.dma_semaphore, #tpu.memory_space<semaphore_mem>>)
      %dma_wait3A = arith.constant 0 : i32
      %dma_wait3A_37 = arith.constant 0 : i32
      %dma_wait3A_38 = tpu.memref_slice %arg3[%select_n3A, %dma_wait3A, %dma_wait3A_37] : memref<1330x2x128xi32, #tpu.memory_space<hbm>> -> memref<50x2x128xi32, #tpu.memory_space<hbm>>
      %dma_wait3A_39 = arith.constant 0 : i32
      %dma_wait3A_40 = arith.constant 0 : i32
      %dma_wait3A_41 = tpu.memref_slice %arg3[%select_n3A, %dma_wait3A_39, %dma_wait3A_40] : memref<1330x2x128xi32, #tpu.memory_space<hbm>> -> memref<50x2x128xi32, #tpu.memory_space<hbm>>
      tpu.wait_dma2 semaphore(%run_scoped3A : memref<!tpu.dma_semaphore, #tpu.memory_space<semaphore_mem>>) src(%dma_wait3A_41 : memref<50x2x128xi32, #tpu.memory_space<hbm>>) dst(%arg6 : memref<50x2x128xi32, #tpu.memory_space<vmem>>)
      tpu.yield
    }) : () -> ()
    %barrier3A = arith.constant 0 : index
    tpu.barrier barrier_id(%barrier3A)
    %dma_start3A = arith.constant 0 : i32
    %dma_start3A_7 = arith.constant 0 : i32
    %dma_start3A_8 = arith.constant 0 : i32
    %dma_start3A_9 = tpu.memref_slice %arg6[%dma_start3A, %dma_start3A_7, %dma_start3A_8] : memref<50x2x128xi32, #tpu.memory_space<vmem>> -> memref<1x1x128xi32, #tpu.memory_space<vmem>>
    %dma_start3A_10 = tpu.memref_squeeze %dma_start3A_9 : memref<1x1x128xi32, #tpu.memory_space<vmem>> -> memref<128xi32, #tpu.memory_space<vmem>>
    %dma_start3A_11 = arith.constant 0 : i32
    %dma_start3A_12 = arith.constant 0 : i32
    %dma_start3A_13 = tpu.memref_slice %arg2[%dma_start3A_11, %dma_start3A_12] : memref<10240x16xf32, #tpu.memory_space<hbm>> -> memref<10240x16xf32, #tpu.memory_space<hbm>>
    tpu.enqueue_indirect_dma source(%dma_start3A_13 : memref<10240x16xf32, #tpu.memory_space<hbm>>) target(%arg7 : memref<128x16xf32, #tpu.memory_space<vmem>>) offsets(%dma_start3A_10 : memref<128xi32, #tpu.memory_space<vmem>>) semaphore(%arg10 : memref<!tpu.dma_semaphore, #tpu.memory_space<semaphore_mem>>)
    %dma_start3A_14 = arith.constant 1 : i32
    %dma_start3A_15 = arith.constant 0 : i32
    %dma_start3A_16 = arith.constant 0 : i32
    %dma_start3A_17 = tpu.memref_slice %arg6[%dma_start3A_14, %dma_start3A_15, %dma_start3A_16] : memref<50x2x128xi32, #tpu.memory_space<vmem>> -> memref<1x1x128xi32, #tpu.memory_space<vmem>>
    %dma_start3A_18 = tpu.memref_squeeze %dma_start3A_17 : memref<1x1x128xi32, #tpu.memory_space<vmem>> -> memref<128xi32, #tpu.memory_space<vmem>>
    %dma_start3A_19 = arith.constant 0 : i32
    %dma_start3A_20 = arith.constant 0 : i32
    %dma_start3A_21 = tpu.memref_slice %arg2[%dma_start3A_19, %dma_start3A_20] : memref<10240x16xf32, #tpu.memory_space<hbm>> -> memref<10240x16xf32, #tpu.memory_space<hbm>>
    tpu.enqueue_indirect_dma source(%dma_start3A_21 : memref<10240x16xf32, #tpu.memory_space<hbm>>) target(%arg8 : memref<128x16xf32, #tpu.memory_space<vmem>>) offsets(%dma_start3A_18 : memref<128xi32, #tpu.memory_space<vmem>>) semaphore(%arg11 : memref<!tpu.dma_semaphore, #tpu.memory_space<semaphore_mem>>)
    %eq3A_22 = arith.constant 0 : i32
    %eq3A_23 = arith.cmpi eq, %arg0, %eq3A_22 : i32
    %convert_element_type3A = arith.extui %eq3A_23 : i1 to i32
    %cond3A = arith.constant 0 : i32
    %cond3A_24 = arith.cmpi ne, %convert_element_type3A, %cond3A : i32
    scf.if %cond3A_24 {
      %scan3A = arith.constant 0 : i32
      %scan3A_31 = arith.constant 0 : i32
      %scan3A_32 = arith.constant 25 : i32
      %scan3A_33 = arith.addi %scan3A_31, %scan3A_32 : i32
      %scan3A_34 = arith.constant 1 : i32
      scf.for %scan3A_36 = %scan3A_31 to %scan3A_33 step %scan3A_34  : i32 {
        %mul3A_37 = arith.constant 2 : i32
        %mul3A_38 = arith.muli %mul3A_37, %scan3A_36 : i32
        %add3A_39 = arith.constant 0 : i32
        %add3A_40 = arith.addi %mul3A_38, %add3A_39 : i32
        %dma_wait3A = arith.constant 0 : i32
        %dma_wait3A_41 = arith.constant 0 : i32
        %dma_wait3A_42 = arith.constant 0 : i32
        %dma_wait3A_43 = tpu.memref_slice %arg6[%dma_wait3A, %dma_wait3A_41, %dma_wait3A_42] : memref<50x2x128xi32, #tpu.memory_space<vmem>> -> memref<1x1x128xi32, #tpu.memory_space<vmem>>
        %dma_wait3A_44 = tpu.memref_squeeze %dma_wait3A_43 : memref<1x1x128xi32, #tpu.memory_space<vmem>> -> memref<128xi32, #tpu.memory_space<vmem>>
        %dma_wait3A_45 = arith.constant 0 : i32
        %dma_wait3A_46 = arith.constant 0 : i32
        %dma_wait3A_47 = tpu.memref_slice %arg2[%dma_wait3A_45, %dma_wait3A_46] : memref<10240x16xf32, #tpu.memory_space<hbm>> -> memref<10240x16xf32, #tpu.memory_space<hbm>>
        tpu.wait_indirect_dma semaphore(%arg10 : memref<!tpu.dma_semaphore, #tpu.memory_space<semaphore_mem>>) src(%dma_wait3A_47 : memref<10240x16xf32, #tpu.memory_space<hbm>>) dst(%arg7 : memref<128x16xf32, #tpu.memory_space<vmem>>)
        %run_scoped3A = arith.constant 1 : i32
        "tpu.region"() ({
          %run_scoped3A_74 = tpu.sem_alloc : memref<!tpu.dma_semaphore, #tpu.memory_space<semaphore_mem>>
          %dma_start3A_75 = arith.constant 0 : i32
          %dma_start3A_76 = tpu.memref_slice %arg6[%add3A_40, %run_scoped3A, %dma_start3A_75] : memref<50x2x128xi32, #tpu.memory_space<vmem>> -> memref<1x1x128xi32, #tpu.memory_space<vmem>>
          %dma_start3A_77 = tpu.memref_squeeze %dma_start3A_76 : memref<1x1x128xi32, #tpu.memory_space<vmem>> -> memref<128xi32, #tpu.memory_space<vmem>>
          %dma_start3A_78 = arith.constant 0 : i32
          %dma_start3A_79 = arith.constant 0 : i32
          %dma_start3A_80 = tpu.memref_slice %arg9[%dma_start3A_78, %dma_start3A_79] : memref<10240x16xf32, #tpu.memory_space<vmem_shared>> -> memref<10240x16xf32, #tpu.memory_space<vmem_shared>>
          tpu.enqueue_indirect_dma source(%arg7 : memref<128x16xf32, #tpu.memory_space<vmem>>) target(%dma_start3A_80 : memref<10240x16xf32, #tpu.memory_space<vmem_shared>>) offsets(%dma_start3A_77 : memref<128xi32, #tpu.memory_space<vmem>>) semaphore(%run_scoped3A_74 : memref<!tpu.dma_semaphore, #tpu.memory_space<semaphore_mem>>) {add = true}
          %dma_wait3A_81 = arith.constant 0 : i32
          %dma_wait3A_82 = tpu.memref_slice %arg6[%add3A_40, %run_scoped3A, %dma_wait3A_81] : memref<50x2x128xi32, #tpu.memory_space<vmem>> -> memref<1x1x128xi32, #tpu.memory_space<vmem>>
          %dma_wait3A_83 = tpu.memref_squeeze %dma_wait3A_82 : memref<1x1x128xi32, #tpu.memory_space<vmem>> -> memref<128xi32, #tpu.memory_space<vmem>>
          %dma_wait3A_84 = arith.constant 0 : i32
          %dma_wait3A_85 = arith.constant 0 : i32
          %dma_wait3A_86 = tpu.memref_slice %arg9[%dma_wait3A_84, %dma_wait3A_85] : memref<10240x16xf32, #tpu.memory_space<vmem_shared>> -> memref<10240x16xf32, #tpu.memory_space<vmem_shared>>
          tpu.wait_indirect_dma semaphore(%run_scoped3A_74 : memref<!tpu.dma_semaphore, #tpu.memory_space<semaphore_mem>>) src(%arg7 : memref<128x16xf32, #tpu.memory_space<vmem>>) dst(%dma_wait3A_86 : memref<10240x16xf32, #tpu.memory_space<vmem_shared>>)
          tpu.yield
        }) : () -> ()
        %add3A_48 = arith.constant 2 : i32
        %add3A_49 = arith.addi %add3A_40, %add3A_48 : i32
        %lt3A = arith.constant 50 : i32
        %lt3A_50 = arith.cmpi slt, %add3A_49, %lt3A : i32
        %convert_element_type3A_51 = arith.extui %lt3A_50 : i1 to i32
        %cond3A_52 = arith.constant 0 : i32
        %cond3A_53 = arith.cmpi ne, %convert_element_type3A_51, %cond3A_52 : i32
        scf.if %cond3A_53 {
          %add3A_74 = arith.constant 2 : i32
          %add3A_75 = arith.addi %add3A_40, %add3A_74 : i32
          %dma_start3A_76 = arith.constant 0 : i32
          %dma_start3A_77 = arith.constant 0 : i32
          %dma_start3A_78 = tpu.memref_slice %arg6[%add3A_75, %dma_start3A_76, %dma_start3A_77] : memref<50x2x128xi32, #tpu.memory_space<vmem>> -> memref<1x1x128xi32, #tpu.memory_space<vmem>>
          %dma_start3A_79 = tpu.memref_squeeze %dma_start3A_78 : memref<1x1x128xi32, #tpu.memory_space<vmem>> -> memref<128xi32, #tpu.memory_space<vmem>>
          %dma_start3A_80 = arith.constant 0 : i32
          %dma_start3A_81 = arith.constant 0 : i32
          %dma_start3A_82 = tpu.memref_slice %arg2[%dma_start3A_80, %dma_start3A_81] : memref<10240x16xf32, #tpu.memory_space<hbm>> -> memref<10240x16xf32, #tpu.memory_space<hbm>>
          tpu.enqueue_indirect_dma source(%dma_start3A_82 : memref<10240x16xf32, #tpu.memory_space<hbm>>) target(%arg7 : memref<128x16xf32, #tpu.memory_space<vmem>>) offsets(%dma_start3A_79 : memref<128xi32, #tpu.memory_space<vmem>>) semaphore(%arg10 : memref<!tpu.dma_semaphore, #tpu.memory_space<semaphore_mem>>)
        } else {
        }
        %mul3A_54 = arith.constant 2 : i32
        %mul3A_55 = arith.muli %mul3A_54, %scan3A_36 : i32
        %add3A_56 = arith.constant 1 : i32
        %add3A_57 = arith.addi %mul3A_55, %add3A_56 : i32
        %dma_wait3A_58 = arith.constant 0 : i32
        %dma_wait3A_59 = arith.constant 0 : i32
        %dma_wait3A_60 = arith.constant 0 : i32
        %dma_wait3A_61 = tpu.memref_slice %arg6[%dma_wait3A_58, %dma_wait3A_59, %dma_wait3A_60] : memref<50x2x128xi32, #tpu.memory_space<vmem>> -> memref<1x1x128xi32, #tpu.memory_space<vmem>>
        %dma_wait3A_62 = tpu.memref_squeeze %dma_wait3A_61 : memref<1x1x128xi32, #tpu.memory_space<vmem>> -> memref<128xi32, #tpu.memory_space<vmem>>
        %dma_wait3A_63 = arith.constant 0 : i32
        %dma_wait3A_64 = arith.constant 0 : i32
        %dma_wait3A_65 = tpu.memref_slice %arg2[%dma_wait3A_63, %dma_wait3A_64] : memref<10240x16xf32, #tpu.memory_space<hbm>> -> memref<10240x16xf32, #tpu.memory_space<hbm>>
        tpu.wait_indirect_dma semaphore(%arg11 : memref<!tpu.dma_semaphore, #tpu.memory_space<semaphore_mem>>) src(%dma_wait3A_65 : memref<10240x16xf32, #tpu.memory_space<hbm>>) dst(%arg8 : memref<128x16xf32, #tpu.memory_space<vmem>>)
        %run_scoped3A_66 = arith.constant 1 : i32
        "tpu.region"() ({
          %run_scoped3A_74 = tpu.sem_alloc : memref<!tpu.dma_semaphore, #tpu.memory_space<semaphore_mem>>
          %dma_start3A_75 = arith.constant 0 : i32
          %dma_start3A_76 = tpu.memref_slice %arg6[%add3A_57, %run_scoped3A_66, %dma_start3A_75] : memref<50x2x128xi32, #tpu.memory_space<vmem>> -> memref<1x1x128xi32, #tpu.memory_space<vmem>>
          %dma_start3A_77 = tpu.memref_squeeze %dma_start3A_76 : memref<1x1x128xi32, #tpu.memory_space<vmem>> -> memref<128xi32, #tpu.memory_space<vmem>>
          %dma_start3A_78 = arith.constant 0 : i32
          %dma_start3A_79 = arith.constant 0 : i32
          %dma_start3A_80 = tpu.memref_slice %arg9[%dma_start3A_78, %dma_start3A_79] : memref<10240x16xf32, #tpu.memory_space<vmem_shared>> -> memref<10240x16xf32, #tpu.memory_space<vmem_shared>>
          tpu.enqueue_indirect_dma source(%arg8 : memref<128x16xf32, #tpu.memory_space<vmem>>) target(%dma_start3A_80 : memref<10240x16xf32, #tpu.memory_space<vmem_shared>>) offsets(%dma_start3A_77 : memref<128xi32, #tpu.memory_space<vmem>>) semaphore(%run_scoped3A_74 : memref<!tpu.dma_semaphore, #tpu.memory_space<semaphore_mem>>) {add = true}
          %dma_wait3A_81 = arith.constant 0 : i32
          %dma_wait3A_82 = tpu.memref_slice %arg6[%add3A_57, %run_scoped3A_66, %dma_wait3A_81] : memref<50x2x128xi32, #tpu.memory_space<vmem>> -> memref<1x1x128xi32, #tpu.memory_space<vmem>>
          %dma_wait3A_83 = tpu.memref_squeeze %dma_wait3A_82 : memref<1x1x128xi32, #tpu.memory_space<vmem>> -> memref<128xi32, #tpu.memory_space<vmem>>
          %dma_wait3A_84 = arith.constant 0 : i32
          %dma_wait3A_85 = arith.constant 0 : i32
          %dma_wait3A_86 = tpu.memref_slice %arg9[%dma_wait3A_84, %dma_wait3A_85] : memref<10240x16xf32, #tpu.memory_space<vmem_shared>> -> memref<10240x16xf32, #tpu.memory_space<vmem_shared>>
          tpu.wait_indirect_dma semaphore(%run_scoped3A_74 : memref<!tpu.dma_semaphore, #tpu.memory_space<semaphore_mem>>) src(%arg8 : memref<128x16xf32, #tpu.memory_space<vmem>>) dst(%dma_wait3A_86 : memref<10240x16xf32, #tpu.memory_space<vmem_shared>>)
          tpu.yield
        }) : () -> ()
        %add3A_67 = arith.constant 2 : i32
        %add3A_68 = arith.addi %add3A_57, %add3A_67 : i32
        %lt3A_69 = arith.constant 50 : i32
        %lt3A_70 = arith.cmpi slt, %add3A_68, %lt3A_69 : i32
        %convert_element_type3A_71 = arith.extui %lt3A_70 : i1 to i32
        %cond3A_72 = arith.constant 0 : i32
        %cond3A_73 = arith.cmpi ne, %convert_element_type3A_71, %cond3A_72 : i32
        scf.if %cond3A_73 {
          %add3A_74 = arith.constant 2 : i32
          %add3A_75 = arith.addi %add3A_57, %add3A_74 : i32
          %dma_start3A_76 = arith.constant 0 : i32
          %dma_start3A_77 = arith.constant 0 : i32
          %dma_start3A_78 = tpu.memref_slice %arg6[%add3A_75, %dma_start3A_76, %dma_start3A_77] : memref<50x2x128xi32, #tpu.memory_space<vmem>> -> memref<1x1x128xi32, #tpu.memory_space<vmem>>
          %dma_start3A_79 = tpu.memref_squeeze %dma_start3A_78 : memref<1x1x128xi32, #tpu.memory_space<vmem>> -> memref<128xi32, #tpu.memory_space<vmem>>
          %dma_start3A_80 = arith.constant 0 : i32
          %dma_start3A_81 = arith.constant 0 : i32
          %dma_start3A_82 = tpu.memref_slice %arg2[%dma_start3A_80, %dma_start3A_81] : memref<10240x16xf32, #tpu.memory_space<hbm>> -> memref<10240x16xf32, #tpu.memory_space<hbm>>
          tpu.enqueue_indirect_dma source(%dma_start3A_82 : memref<10240x16xf32, #tpu.memory_space<hbm>>) target(%arg8 : memref<128x16xf32, #tpu.memory_space<vmem>>) offsets(%dma_start3A_79 : memref<128xi32, #tpu.memory_space<vmem>>) semaphore(%arg11 : memref<!tpu.dma_semaphore, #tpu.memory_space<semaphore_mem>>)
        } else {
        }
      }
      %scan3A_35 = arith.constant 25 : i32
    } else {
    }
    %eq3A_25 = arith.constant 1 : i32
    %eq3A_26 = arith.cmpi eq, %arg0, %eq3A_25 : i32
    %convert_element_type3A_27 = arith.extui %eq3A_26 : i1 to i32
    %cond3A_28 = arith.constant 0 : i32
    %cond3A_29 = arith.cmpi ne, %convert_element_type3A_27, %cond3A_28 : i32
    scf.if %cond3A_29 {
      %scan3A = arith.constant 0 : i32
      %scan3A_31 = arith.constant 0 : i32
      %scan3A_32 = arith.constant 15 : i32
      %scan3A_33 = arith.addi %scan3A_31, %scan3A_32 : i32
      %scan3A_34 = arith.constant 1 : i32
      scf.for %scan3A_36 = %scan3A_31 to %scan3A_33 step %scan3A_34  : i32 {
        %mul3A_37 = arith.constant 2 : i32
        %mul3A_38 = arith.muli %mul3A_37, %scan3A_36 : i32
        %add3A_39 = arith.constant 0 : i32
        %add3A_40 = arith.addi %mul3A_38, %add3A_39 : i32
        %dma_wait3A = arith.constant 0 : i32
        %dma_wait3A_41 = arith.constant 0 : i32
        %dma_wait3A_42 = arith.constant 0 : i32
        %dma_wait3A_43 = tpu.memref_slice %arg6[%dma_wait3A, %dma_wait3A_41, %dma_wait3A_42] : memref<50x2x128xi32, #tpu.memory_space<vmem>> -> memref<1x1x128xi32, #tpu.memory_space<vmem>>
        %dma_wait3A_44 = tpu.memref_squeeze %dma_wait3A_43 : memref<1x1x128xi32, #tpu.memory_space<vmem>> -> memref<128xi32, #tpu.memory_space<vmem>>
        %dma_wait3A_45 = arith.constant 0 : i32
        %dma_wait3A_46 = arith.constant 0 : i32
        %dma_wait3A_47 = tpu.memref_slice %arg2[%dma_wait3A_45, %dma_wait3A_46] : memref<10240x16xf32, #tpu.memory_space<hbm>> -> memref<10240x16xf32, #tpu.memory_space<hbm>>
        tpu.wait_indirect_dma semaphore(%arg10 : memref<!tpu.dma_semaphore, #tpu.memory_space<semaphore_mem>>) src(%dma_wait3A_47 : memref<10240x16xf32, #tpu.memory_space<hbm>>) dst(%arg7 : memref<128x16xf32, #tpu.memory_space<vmem>>)
        %run_scoped3A = arith.constant 1 : i32
        "tpu.region"() ({
          %run_scoped3A_74 = tpu.sem_alloc : memref<!tpu.dma_semaphore, #tpu.memory_space<semaphore_mem>>
          %dma_start3A_75 = arith.constant 0 : i32
          %dma_start3A_76 = tpu.memref_slice %arg6[%add3A_40, %run_scoped3A, %dma_start3A_75] : memref<50x2x128xi32, #tpu.memory_space<vmem>> -> memref<1x1x128xi32, #tpu.memory_space<vmem>>
          %dma_start3A_77 = tpu.memref_squeeze %dma_start3A_76 : memref<1x1x128xi32, #tpu.memory_space<vmem>> -> memref<128xi32, #tpu.memory_space<vmem>>
          %dma_start3A_78 = arith.constant 0 : i32
          %dma_start3A_79 = arith.constant 0 : i32
          %dma_start3A_80 = tpu.memref_slice %arg9[%dma_start3A_78, %dma_start3A_79] : memref<10240x16xf32, #tpu.memory_space<vmem_shared>> -> memref<10240x16xf32, #tpu.memory_space<vmem_shared>>
          tpu.enqueue_indirect_dma source(%arg7 : memref<128x16xf32, #tpu.memory_space<vmem>>) target(%dma_start3A_80 : memref<10240x16xf32, #tpu.memory_space<vmem_shared>>) offsets(%dma_start3A_77 : memref<128xi32, #tpu.memory_space<vmem>>) semaphore(%run_scoped3A_74 : memref<!tpu.dma_semaphore, #tpu.memory_space<semaphore_mem>>) {add = true}
          %dma_wait3A_81 = arith.constant 0 : i32
          %dma_wait3A_82 = tpu.memref_slice %arg6[%add3A_40, %run_scoped3A, %dma_wait3A_81] : memref<50x2x128xi32, #tpu.memory_space<vmem>> -> memref<1x1x128xi32, #tpu.memory_space<vmem>>
          %dma_wait3A_83 = tpu.memref_squeeze %dma_wait3A_82 : memref<1x1x128xi32, #tpu.memory_space<vmem>> -> memref<128xi32, #tpu.memory_space<vmem>>
          %dma_wait3A_84 = arith.constant 0 : i32
          %dma_wait3A_85 = arith.constant 0 : i32
          %dma_wait3A_86 = tpu.memref_slice %arg9[%dma_wait3A_84, %dma_wait3A_85] : memref<10240x16xf32, #tpu.memory_space<vmem_shared>> -> memref<10240x16xf32, #tpu.memory_space<vmem_shared>>
          tpu.wait_indirect_dma semaphore(%run_scoped3A_74 : memref<!tpu.dma_semaphore, #tpu.memory_space<semaphore_mem>>) src(%arg7 : memref<128x16xf32, #tpu.memory_space<vmem>>) dst(%dma_wait3A_86 : memref<10240x16xf32, #tpu.memory_space<vmem_shared>>)
          tpu.yield
        }) : () -> ()
        %add3A_48 = arith.constant 2 : i32
        %add3A_49 = arith.addi %add3A_40, %add3A_48 : i32
        %lt3A = arith.constant 30 : i32
        %lt3A_50 = arith.cmpi slt, %add3A_49, %lt3A : i32
        %convert_element_type3A_51 = arith.extui %lt3A_50 : i1 to i32
        %cond3A_52 = arith.constant 0 : i32
        %cond3A_53 = arith.cmpi ne, %convert_element_type3A_51, %cond3A_52 : i32
        scf.if %cond3A_53 {
          %add3A_74 = arith.constant 2 : i32
          %add3A_75 = arith.addi %add3A_40, %add3A_74 : i32
          %dma_start3A_76 = arith.constant 0 : i32
          %dma_start3A_77 = arith.constant 0 : i32
          %dma_start3A_78 = tpu.memref_slice %arg6[%add3A_75, %dma_start3A_76, %dma_start3A_77] : memref<50x2x128xi32, #tpu.memory_space<vmem>> -> memref<1x1x128xi32, #tpu.memory_space<vmem>>
          %dma_start3A_79 = tpu.memref_squeeze %dma_start3A_78 : memref<1x1x128xi32, #tpu.memory_space<vmem>> -> memref<128xi32, #tpu.memory_space<vmem>>
          %dma_start3A_80 = arith.constant 0 : i32
          %dma_start3A_81 = arith.constant 0 : i32
          %dma_start3A_82 = tpu.memref_slice %arg2[%dma_start3A_80, %dma_start3A_81] : memref<10240x16xf32, #tpu.memory_space<hbm>> -> memref<10240x16xf32, #tpu.memory_space<hbm>>
          tpu.enqueue_indirect_dma source(%dma_start3A_82 : memref<10240x16xf32, #tpu.memory_space<hbm>>) target(%arg7 : memref<128x16xf32, #tpu.memory_space<vmem>>) offsets(%dma_start3A_79 : memref<128xi32, #tpu.memory_space<vmem>>) semaphore(%arg10 : memref<!tpu.dma_semaphore, #tpu.memory_space<semaphore_mem>>)
        } else {
        }
        %mul3A_54 = arith.constant 2 : i32
        %mul3A_55 = arith.muli %mul3A_54, %scan3A_36 : i32
        %add3A_56 = arith.constant 1 : i32
        %add3A_57 = arith.addi %mul3A_55, %add3A_56 : i32
        %dma_wait3A_58 = arith.constant 0 : i32
        %dma_wait3A_59 = arith.constant 0 : i32
        %dma_wait3A_60 = arith.constant 0 : i32
        %dma_wait3A_61 = tpu.memref_slice %arg6[%dma_wait3A_58, %dma_wait3A_59, %dma_wait3A_60] : memref<50x2x128xi32, #tpu.memory_space<vmem>> -> memref<1x1x128xi32, #tpu.memory_space<vmem>>
        %dma_wait3A_62 = tpu.memref_squeeze %dma_wait3A_61 : memref<1x1x128xi32, #tpu.memory_space<vmem>> -> memref<128xi32, #tpu.memory_space<vmem>>
        %dma_wait3A_63 = arith.constant 0 : i32
        %dma_wait3A_64 = arith.constant 0 : i32
        %dma_wait3A_65 = tpu.memref_slice %arg2[%dma_wait3A_63, %dma_wait3A_64] : memref<10240x16xf32, #tpu.memory_space<hbm>> -> memref<10240x16xf32, #tpu.memory_space<hbm>>
        tpu.wait_indirect_dma semaphore(%arg11 : memref<!tpu.dma_semaphore, #tpu.memory_space<semaphore_mem>>) src(%dma_wait3A_65 : memref<10240x16xf32, #tpu.memory_space<hbm>>) dst(%arg8 : memref<128x16xf32, #tpu.memory_space<vmem>>)
        %run_scoped3A_66 = arith.constant 1 : i32
        "tpu.region"() ({
          %run_scoped3A_74 = tpu.sem_alloc : memref<!tpu.dma_semaphore, #tpu.memory_space<semaphore_mem>>
          %dma_start3A_75 = arith.constant 0 : i32
          %dma_start3A_76 = tpu.memref_slice %arg6[%add3A_57, %run_scoped3A_66, %dma_start3A_75] : memref<50x2x128xi32, #tpu.memory_space<vmem>> -> memref<1x1x128xi32, #tpu.memory_space<vmem>>
          %dma_start3A_77 = tpu.memref_squeeze %dma_start3A_76 : memref<1x1x128xi32, #tpu.memory_space<vmem>> -> memref<128xi32, #tpu.memory_space<vmem>>
          %dma_start3A_78 = arith.constant 0 : i32
          %dma_start3A_79 = arith.constant 0 : i32
          %dma_start3A_80 = tpu.memref_slice %arg9[%dma_start3A_78, %dma_start3A_79] : memref<10240x16xf32, #tpu.memory_space<vmem_shared>> -> memref<10240x16xf32, #tpu.memory_space<vmem_shared>>
          tpu.enqueue_indirect_dma source(%arg8 : memref<128x16xf32, #tpu.memory_space<vmem>>) target(%dma_start3A_80 : memref<10240x16xf32, #tpu.memory_space<vmem_shared>>) offsets(%dma_start3A_77 : memref<128xi32, #tpu.memory_space<vmem>>) semaphore(%run_scoped3A_74 : memref<!tpu.dma_semaphore, #tpu.memory_space<semaphore_mem>>) {add = true}
          %dma_wait3A_81 = arith.constant 0 : i32
          %dma_wait3A_82 = tpu.memref_slice %arg6[%add3A_57, %run_scoped3A_66, %dma_wait3A_81] : memref<50x2x128xi32, #tpu.memory_space<vmem>> -> memref<1x1x128xi32, #tpu.memory_space<vmem>>
          %dma_wait3A_83 = tpu.memref_squeeze %dma_wait3A_82 : memref<1x1x128xi32, #tpu.memory_space<vmem>> -> memref<128xi32, #tpu.memory_space<vmem>>
          %dma_wait3A_84 = arith.constant 0 : i32
          %dma_wait3A_85 = arith.constant 0 : i32
          %dma_wait3A_86 = tpu.memref_slice %arg9[%dma_wait3A_84, %dma_wait3A_85] : memref<10240x16xf32, #tpu.memory_space<vmem_shared>> -> memref<10240x16xf32, #tpu.memory_space<vmem_shared>>
          tpu.wait_indirect_dma semaphore(%run_scoped3A_74 : memref<!tpu.dma_semaphore, #tpu.memory_space<semaphore_mem>>) src(%arg8 : memref<128x16xf32, #tpu.memory_space<vmem>>) dst(%dma_wait3A_86 : memref<10240x16xf32, #tpu.memory_space<vmem_shared>>)
          tpu.yield
        }) : () -> ()
        %add3A_67 = arith.constant 2 : i32
        %add3A_68 = arith.addi %add3A_57, %add3A_67 : i32
        %lt3A_69 = arith.constant 30 : i32
        %lt3A_70 = arith.cmpi slt, %add3A_68, %lt3A_69 : i32
        %convert_element_type3A_71 = arith.extui %lt3A_70 : i1 to i32
        %cond3A_72 = arith.constant 0 : i32
        %cond3A_73 = arith.cmpi ne, %convert_element_type3A_71, %cond3A_72 : i32
        scf.if %cond3A_73 {
          %add3A_74 = arith.constant 2 : i32
          %add3A_75 = arith.addi %add3A_57, %add3A_74 : i32
          %dma_start3A_76 = arith.constant 0 : i32
          %dma_start3A_77 = arith.constant 0 : i32
          %dma_start3A_78 = tpu.memref_slice %arg6[%add3A_75, %dma_start3A_76, %dma_start3A_77] : memref<50x2x128xi32, #tpu.memory_space<vmem>> -> memref<1x1x128xi32, #tpu.memory_space<vmem>>
          %dma_start3A_79 = tpu.memref_squeeze %dma_start3A_78 : memref<1x1x128xi32, #tpu.memory_space<vmem>> -> memref<128xi32, #tpu.memory_space<vmem>>
          %dma_start3A_80 = arith.constant 0 : i32
          %dma_start3A_81 = arith.constant 0 : i32
          %dma_start3A_82 = tpu.memref_slice %arg2[%dma_start3A_80, %dma_start3A_81] : memref<10240x16xf32, #tpu.memory_space<hbm>> -> memref<10240x16xf32, #tpu.memory_space<hbm>>
          tpu.enqueue_indirect_dma source(%dma_start3A_82 : memref<10240x16xf32, #tpu.memory_space<hbm>>) target(%arg8 : memref<128x16xf32, #tpu.memory_space<vmem>>) offsets(%dma_start3A_79 : memref<128xi32, #tpu.memory_space<vmem>>) semaphore(%arg11 : memref<!tpu.dma_semaphore, #tpu.memory_space<semaphore_mem>>)
        } else {
        }
      }
      %scan3A_35 = arith.constant 15 : i32
    } else {
    }
    %barrier3A_30 = arith.constant 0 : index
    tpu.barrier barrier_id(%barrier3A_30)
    "tpu.region"() ({
      %run_scoped3A = tpu.sem_alloc : memref<!tpu.dma_semaphore, #tpu.memory_space<semaphore_mem>>
      %dma_start3A_31 = arith.constant 0 : i32
      %dma_start3A_32 = tpu.memref_slice %arg5[%arg0, %mul3A_0, %dma_start3A_31] : memref<2x10240x16xf32, #tpu.memory_space<hbm>> -> memref<1x640x16xf32, #tpu.memory_space<hbm>>
      %dma_start3A_33 = tpu.memref_squeeze %dma_start3A_32 : memref<1x640x16xf32, #tpu.memory_space<hbm>> -> memref<640x16xf32, #tpu.memory_space<hbm>>
      %dma_start3A_34 = arith.constant 0 : i32
      %dma_start3A_35 = tpu.memref_slice %arg9[%mul3A_0, %dma_start3A_34] : memref<10240x16xf32, #tpu.memory_space<vmem_shared>> -> memref<640x16xf32, #tpu.memory_space<vmem_shared>>
      tpu.enqueue_dma source(%dma_start3A_35 : memref<640x16xf32, #tpu.memory_space<vmem_shared>>) target(%dma_start3A_33 : memref<640x16xf32, #tpu.memory_space<hbm>>) target_semaphore(%run_scoped3A : memref<!tpu.dma_semaphore, #tpu.memory_space<semaphore_mem>>)
      %dma_wait3A = arith.constant 0 : i32
      %dma_wait3A_36 = tpu.memref_slice %arg5[%arg0, %mul3A_0, %dma_wait3A] : memref<2x10240x16xf32, #tpu.memory_space<hbm>> -> memref<1x640x16xf32, #tpu.memory_space<hbm>>
      %dma_wait3A_37 = tpu.memref_squeeze %dma_wait3A_36 : memref<1x640x16xf32, #tpu.memory_space<hbm>> -> memref<640x16xf32, #tpu.memory_space<hbm>>
      %dma_wait3A_38 = arith.constant 0 : i32
      %dma_wait3A_39 = tpu.memref_slice %arg9[%mul3A_0, %dma_wait3A_38] : memref<10240x16xf32, #tpu.memory_space<vmem_shared>> -> memref<640x16xf32, #tpu.memory_space<vmem_shared>>
      tpu.wait_dma2 semaphore(%run_scoped3A : memref<!tpu.dma_semaphore, #tpu.memory_space<semaphore_mem>>) src(%dma_wait3A_39 : memref<640x16xf32, #tpu.memory_space<vmem_shared>>) dst(%dma_wait3A_37 : memref<640x16xf32, #tpu.memory_space<hbm>>)
      tpu.yield
    }) : () -> ()
    return
  }
}

module attributes {stable_mosaic.version = 14 : i64} {
  func.func @_stage1_body(%arg0: i32, %arg1: memref<400x256xf32, #tpu.memory_space<vmem>>, %arg2: memref<256x16xf32, #tpu.memory_space<vmem>>, %arg3: memref<256x16xf32, #tpu.memory_space<vmem>>, %arg4: memref<400x16xf32, #tpu.memory_space<vmem>>, %arg5: memref<400x16xf32, #tpu.memory_space<vmem>>) attributes {dimension_semantics = [#tpu.dimension_semantics<arbitrary>], iteration_bounds = array<i64: 25>, scalar_prefetch = 0 : i64, scratch_operands = 0 : i64, tpu.core_type = #tpu.core_type<tc>, window_params = [{transform_indices = @transform_0, window_bounds = array<i64: 400, 256>}, {pipeline_mode = #tpu.pipeline_mode<synchronous>, transform_indices = @transform_1, window_bounds = array<i64: 256, 16>}, {pipeline_mode = #tpu.pipeline_mode<synchronous>, transform_indices = @transform_2, window_bounds = array<i64: 256, 16>}, {transform_indices = @transform_3, window_bounds = array<i64: 400, 16>}, {transform_indices = @transform_4, window_bounds = array<i64: 400, 16>}]} {
    %get3A = arith.constant 0 : index
    %get3A_0 = arith.constant 0 : index
    %get3A_1 = vector.load %arg1[%get3A, %get3A_0] : memref<400x256xf32, #tpu.memory_space<vmem>>, vector<400x256xf32>
    %get3A_2 = arith.constant 0 : index
    %get3A_3 = arith.constant 0 : index
    %get3A_4 = vector.load %arg2[%get3A_2, %get3A_3] : memref<256x16xf32, #tpu.memory_space<vmem>>, vector<256x16xf32>
    %dot_general3A = arith.constant dense<0.000000e+00> : vector<400x16xf32>
    %dot_general3A_5 = tpu.matmul %get3A_1, %get3A_4, %dot_general3A {dimension_numbers = #tpu.dot_dimension_numbers<[1], [0], [0], [1], [0, 0, 1, 1], [], []>, transpose_lhs_hint = false} : vector<400x256xf32>, vector<256x16xf32>, vector<400x16xf32> -> vector<400x16xf32>
    %swap3A = arith.constant 0 : index
    %swap3A_6 = arith.constant 0 : index
    %swap3A_7 = vector.load %arg4[%swap3A, %swap3A_6] : memref<400x16xf32, #tpu.memory_space<vmem>>, vector<400x16xf32>
    tpu.vector_store %arg4[%swap3A, %swap3A_6], %dot_general3A_5 {strides = array<i32>} : memref<400x16xf32, #tpu.memory_space<vmem>>, vector<400x16xf32>,
    %get3A_8 = arith.constant 0 : index
    %get3A_9 = arith.constant 0 : index
    %get3A_10 = vector.load %arg3[%get3A_8, %get3A_9] : memref<256x16xf32, #tpu.memory_space<vmem>>, vector<256x16xf32>
    %dot_general3A_11 = arith.constant dense<0.000000e+00> : vector<400x16xf32>
    %dot_general3A_12 = tpu.matmul %get3A_1, %get3A_10, %dot_general3A_11 {dimension_numbers = #tpu.dot_dimension_numbers<[1], [0], [0], [1], [0, 0, 1, 1], [], []>, transpose_lhs_hint = false} : vector<400x256xf32>, vector<256x16xf32>, vector<400x16xf32> -> vector<400x16xf32>
    %swap3A_13 = arith.constant 0 : index
    %swap3A_14 = arith.constant 0 : index
    %swap3A_15 = vector.load %arg5[%swap3A_13, %swap3A_14] : memref<400x16xf32, #tpu.memory_space<vmem>>, vector<400x16xf32>
    tpu.vector_store %arg5[%swap3A_13, %swap3A_14], %dot_general3A_12 {strides = array<i32>} : memref<400x16xf32, #tpu.memory_space<vmem>>, vector<400x16xf32>,
    return
  }
  func.func @transform_0(%arg0: i32) -> (i32, i32) {
    %c0_i32 = arith.constant 0 : i32
    %c0_i32_0 = arith.constant 0 : i32
    return %arg0, %c0_i32 : i32, i32
  }
  func.func @transform_1(%arg0: i32) -> (i32, i32) {
    %c0_i32 = arith.constant 0 : i32
    %c0_i32_0 = arith.constant 0 : i32
    %c0_i32_1 = arith.constant 0 : i32
    return %c0_i32, %c0_i32_0 : i32, i32
  }
  func.func @transform_2(%arg0: i32) -> (i32, i32) {
    %c0_i32 = arith.constant 0 : i32
    %c0_i32_0 = arith.constant 0 : i32
    %c0_i32_1 = arith.constant 0 : i32
    return %c0_i32, %c0_i32_0 : i32, i32
  }
  func.func @transform_3(%arg0: i32) -> (i32, i32) {
    %c0_i32 = arith.constant 0 : i32
    %c0_i32_0 = arith.constant 0 : i32
    return %arg0, %c0_i32 : i32, i32
  }
  func.func @transform_4(%arg0: i32) -> (i32, i32) {
    %c0_i32 = arith.constant 0 : i32
    %c0_i32_0 = arith.constant 0 : i32
    return %arg0, %c0_i32 : i32, i32
  }
}

module attributes {stable_mosaic.version = 14 : i64} {
  func.func @_stage2_body(%arg0: i32, %arg1: memref<256x16xf32, #tpu.memory_space<vmem>>, %arg2: memref<256x16xf32, #tpu.memory_space<vmem>>, %arg3: memref<2x256xf32, #tpu.memory_space<vmem>>, %arg4: memref<256x16xf32, #tpu.memory_space<vmem>>, %arg5: memref<16x16xf32, #tpu.memory_space<vmem>>, %arg6: memref<16x16xf32, #tpu.memory_space<vmem>>, %arg7: memref<1x16xf32, #tpu.memory_space<vmem>>, %arg8: memref<1x16xf32, #tpu.memory_space<vmem>>, %arg9: memref<1x16xf32, #tpu.memory_space<vmem>>, %arg10: memref<1x16xf32, #tpu.memory_space<vmem>>, %arg11: memref<256x16xf32, #tpu.memory_space<vmem>>, %arg12: memref<256x16xf32, #tpu.memory_space<vmem>>, %arg13: memref<256x1xf32, #tpu.memory_space<vmem>>) attributes {dimension_semantics = [#tpu.dimension_semantics<arbitrary>], iteration_bounds = array<i64: 40>, scalar_prefetch = 0 : i64, scratch_operands = 0 : i64, tpu.core_type = #tpu.core_type<tc>, window_params = [{transform_indices = @transform_0, window_bounds = array<i64: 256, 16>}, {transform_indices = @transform_1, window_bounds = array<i64: 256, 16>}, {transform_indices = @transform_2, window_bounds = array<i64: 2, 256>}, {transform_indices = @transform_3, window_bounds = array<i64: 256, 16>}, {pipeline_mode = #tpu.pipeline_mode<synchronous>, transform_indices = @transform_4, window_bounds = array<i64: 16, 16>}, {pipeline_mode = #tpu.pipeline_mode<synchronous>, transform_indices = @transform_5, window_bounds = array<i64: 16, 16>}, {pipeline_mode = #tpu.pipeline_mode<synchronous>, transform_indices = @transform_6, window_bounds = array<i64: 1, 16>}, {pipeline_mode = #tpu.pipeline_mode<synchronous>, transform_indices = @transform_7, window_bounds = array<i64: 1, 16>}, {pipeline_mode = #tpu.pipeline_mode<synchronous>, transform_indices = @transform_8, window_bounds = array<i64: 1, 16>}, {pipeline_mode = #tpu.pipeline_mode<synchronous>, transform_indices = @transform_9, window_bounds = array<i64: 1, 16>}, {transform_indices = @transform_10, window_bounds = array<i64: 256, 16>}, {transform_indices = @transform_11, window_bounds = array<i64: 256, 16>}, {transform_indices = @transform_12, window_bounds = array<i64: 256, 1>}]} {
    %get3A = arith.constant 0 : index
    %get3A_0 = arith.constant 0 : index
    %get3A_1 = vector.load %arg1[%get3A, %get3A_0] : memref<256x16xf32, #tpu.memory_space<vmem>>, vector<256x16xf32>
    %get3A_2 = arith.constant 0 : index
    %get3A_3 = arith.constant 0 : index
    %get3A_4 = vector.load %arg2[%get3A_2, %get3A_3] : memref<256x16xf32, #tpu.memory_space<vmem>>, vector<256x16xf32>
    %add3A = arith.addf %get3A_1, %get3A_4 : vector<256x16xf32>
    %get3A_5 = arith.constant 0 : index
    %get3A_6 = arith.constant 0 : index
    %get3A_7 = vector.load %arg3[%get3A_5, %get3A_6] : memref<2x256xf32, #tpu.memory_space<vmem>>, vector<2x256xf32>
    %transpose3A = tpu.transpose %get3A_7, [1, 0] : vector<2x256xf32> -> vector<256x2xf32>
    %slice3A = vector.extract_strided_slice %transpose3A {offsets = [0, 0], sizes = [256, 1], strides = [1, 1]} : vector<256x2xf32> to vector<256x1xf32>
    %slice3A_8 = vector.extract_strided_slice %transpose3A {offsets = [0, 1], sizes = [256, 1], strides = [1, 1]} : vector<256x2xf32> to vector<256x1xf32>
    %add3A_9 = arith.addf %slice3A, %slice3A_8 : vector<256x1xf32>
    %max3A = arith.constant 1.000000e+00 : f32
    %max3A_10 = vector.broadcast %max3A : f32 to vector<256x1xf32>
    %max3A_11 = arith.maximumf %add3A_9, %max3A_10 : vector<256x1xf32>
    %div3A = arith.constant 1.000000e+00 : f32
    %div3A_12 = vector.broadcast %div3A : f32 to vector<256x1xf32>
    %div3A_13 = arith.divf %div3A_12, %max3A_11 : vector<256x1xf32>
    %mul3A = vector.broadcast %div3A_13 : vector<256x1xf32> to vector<256x16xf32>
    %mul3A_14 = arith.mulf %add3A, %mul3A : vector<256x16xf32>
    %get3A_15 = arith.constant 0 : index
    %get3A_16 = arith.constant 0 : index
    %get3A_17 = vector.load %arg7[%get3A_15, %get3A_16] : memref<1x16xf32, #tpu.memory_space<vmem>>, vector<1x16xf32>
    %add3A_18 = vector.broadcast %get3A_17 : vector<1x16xf32> to vector<256x16xf32>
    %add3A_19 = arith.addf %mul3A_14, %add3A_18 : vector<256x16xf32>
    %get3A_20 = arith.constant 0 : index
    %get3A_21 = arith.constant 0 : index
    %get3A_22 = vector.load %arg4[%get3A_20, %get3A_21] : memref<256x16xf32, #tpu.memory_space<vmem>>, vector<256x16xf32>
    %add3A_23 = arith.addf %add3A_19, %get3A_22 : vector<256x16xf32>
    %max3A_24 = arith.constant 0.000000e+00 : f32
    %max3A_25 = vector.broadcast %max3A_24 : f32 to vector<256x16xf32>
    %max3A_26 = arith.maximumf %add3A_23, %max3A_25 : vector<256x16xf32>
    %reduce_sum3A = arith.constant dense<0.000000e+00> : vector<256xf32>
    %reduce_sum3A_27 = vector.multi_reduction <add>, %max3A_26, %reduce_sum3A [1] : vector<256x16xf32> to vector<256xf32>
    %broadcast_in_dim3A = vector.shape_cast %reduce_sum3A_27 : vector<256xf32> to vector<256x1xf32>
    %div3A_28 = arith.constant 1.600000e+01 : f32
    %div3A_29 = vector.broadcast %div3A_28 : f32 to vector<256x1xf32>
    %div3A_30 = arith.divf %broadcast_in_dim3A, %div3A_29 : vector<256x1xf32>
    %sub3A = vector.broadcast %div3A_30 : vector<256x1xf32> to vector<256x16xf32>
    %sub3A_31 = arith.subf %max3A_26, %sub3A : vector<256x16xf32>
    %integer_pow3A = arith.mulf %sub3A_31, %sub3A_31 : vector<256x16xf32>
    %reduce_sum3A_32 = arith.constant dense<0.000000e+00> : vector<256xf32>
    %reduce_sum3A_33 = vector.multi_reduction <add>, %integer_pow3A, %reduce_sum3A_32 [1] : vector<256x16xf32> to vector<256xf32>
    %broadcast_in_dim3A_34 = vector.shape_cast %reduce_sum3A_33 : vector<256xf32> to vector<256x1xf32>
    %div3A_35 = arith.constant 1.600000e+01 : f32
    %div3A_36 = vector.broadcast %div3A_35 : f32 to vector<256x1xf32>
    %div3A_37 = arith.divf %broadcast_in_dim3A_34, %div3A_36 : vector<256x1xf32>
    %sub3A_38 = vector.broadcast %div3A_30 : vector<256x1xf32> to vector<256x16xf32>
    %sub3A_39 = arith.subf %max3A_26, %sub3A_38 : vector<256x16xf32>
    %add3A_40 = arith.constant 9.99999974E-6 : f32
    %add3A_41 = vector.broadcast %add3A_40 : f32 to vector<256x1xf32>
    %add3A_42 = arith.addf %div3A_37, %add3A_41 : vector<256x1xf32>
    %rsqrt3A = math.rsqrt %add3A_42 : vector<256x1xf32>
    %mul3A_43 = vector.broadcast %rsqrt3A : vector<256x1xf32> to vector<256x16xf32>
    %mul3A_44 = arith.mulf %sub3A_39, %mul3A_43 : vector<256x16xf32>
    %get3A_45 = arith.constant 0 : index
    %get3A_46 = arith.constant 0 : index
    %get3A_47 = vector.load %arg8[%get3A_45, %get3A_46] : memref<1x16xf32, #tpu.memory_space<vmem>>, vector<1x16xf32>
    %mul3A_48 = vector.broadcast %get3A_47 : vector<1x16xf32> to vector<256x16xf32>
    %mul3A_49 = arith.mulf %mul3A_44, %mul3A_48 : vector<256x16xf32>
    %get3A_50 = arith.constant 0 : index
    %get3A_51 = arith.constant 0 : index
    %get3A_52 = vector.load %arg9[%get3A_50, %get3A_51] : memref<1x16xf32, #tpu.memory_space<vmem>>, vector<1x16xf32>
    %add3A_53 = vector.broadcast %get3A_52 : vector<1x16xf32> to vector<256x16xf32>
    %add3A_54 = arith.addf %mul3A_49, %add3A_53 : vector<256x16xf32>
    %mul3A_55 = arith.constant 256 : i32
    %mul3A_56 = arith.muli %arg0, %mul3A_55 : i32
    %iota3A = tpu.iota {dimensions = array<i32: 0>} : vector<256x1xi32>
    %add3A_57 = vector.broadcast %mul3A_56 : i32 to vector<256x1xi32>
    %add3A_58 = arith.addi %add3A_57, %iota3A : vector<256x1xi32>
    %lt3A = arith.constant 10000 : i32
    %lt3A_59 = vector.broadcast %lt3A : i32 to vector<256x1xi32>
    %lt3A_60 = arith.cmpi slt, %add3A_58, %lt3A_59 : vector<256x1xi32>
    %get3A_61 = arith.constant 0 : index
    %get3A_62 = arith.constant 0 : index
    %get3A_63 = vector.load %arg5[%get3A_61, %get3A_62] : memref<16x16xf32, #tpu.memory_space<vmem>>, vector<16x16xf32>
    %dot_general3A = arith.constant dense<0.000000e+00> : vector<256x16xf32>
    %dot_general3A_64 = tpu.matmul %add3A_54, %get3A_63, %dot_general3A {dimension_numbers = #tpu.dot_dimension_numbers<[1], [0], [0], [1], [0, 0, 1, 1], [], []>, transpose_lhs_hint = false} : vector<256x16xf32>, vector<16x16xf32>, vector<256x16xf32> -> vector<256x16xf32>
    %jit3A = arith.constant 0.000000e+00 : f32
    %broadcast_in_dim3A_65 = vector.shape_cast %lt3A_60 : vector<256x1xi1> to vector<256x1xi1>
    %broadcast_in_dim3A_66 = vector.broadcast %broadcast_in_dim3A_65 : vector<256x1xi1> to vector<256x16xi1>
    %broadcast_in_dim3A_67 = vector.broadcast %jit3A : f32 to vector<256x16xf32>
    %select_n3A = arith.select %broadcast_in_dim3A_66, %dot_general3A_64, %broadcast_in_dim3A_67 : vector<256x16xi1>, vector<256x16xf32>
    %swap3A = arith.constant 0 : index
    %swap3A_68 = arith.constant 0 : index
    %swap3A_69 = vector.load %arg11[%swap3A, %swap3A_68] : memref<256x16xf32, #tpu.memory_space<vmem>>, vector<256x16xf32>
    tpu.vector_store %arg11[%swap3A, %swap3A_68], %select_n3A {strides = array<i32>} : memref<256x16xf32, #tpu.memory_space<vmem>>, vector<256x16xf32>,
    %get3A_70 = arith.constant 0 : index
    %get3A_71 = arith.constant 0 : index
    %get3A_72 = vector.load %arg6[%get3A_70, %get3A_71] : memref<16x16xf32, #tpu.memory_space<vmem>>, vector<16x16xf32>
    %dot_general3A_73 = arith.constant dense<0.000000e+00> : vector<256x16xf32>
    %dot_general3A_74 = tpu.matmul %add3A_54, %get3A_72, %dot_general3A_73 {dimension_numbers = #tpu.dot_dimension_numbers<[1], [0], [0], [1], [0, 0, 1, 1], [], []>, transpose_lhs_hint = false} : vector<256x16xf32>, vector<16x16xf32>, vector<256x16xf32> -> vector<256x16xf32>
    %get3A_75 = arith.constant 0 : index
    %get3A_76 = arith.constant 0 : index
    %get3A_77 = vector.load %arg10[%get3A_75, %get3A_76] : memref<1x16xf32, #tpu.memory_space<vmem>>, vector<1x16xf32>
    %add3A_78 = vector.broadcast %get3A_77 : vector<1x16xf32> to vector<256x16xf32>
    %add3A_79 = arith.addf %dot_general3A_74, %add3A_78 : vector<256x16xf32>
    %swap3A_80 = arith.constant 0 : index
    %swap3A_81 = arith.constant 0 : index
    %swap3A_82 = vector.load %arg12[%swap3A_80, %swap3A_81] : memref<256x16xf32, #tpu.memory_space<vmem>>, vector<256x16xf32>
    tpu.vector_store %arg12[%swap3A_80, %swap3A_81], %add3A_79 {strides = array<i32>} : memref<256x16xf32, #tpu.memory_space<vmem>>, vector<256x16xf32>,
    %swap3A_83 = arith.constant 0 : index
    %swap3A_84 = arith.constant 0 : index
    %swap3A_85 = vector.load %arg13[%swap3A_83, %swap3A_84] : memref<256x1xf32, #tpu.memory_space<vmem>>, vector<256x1xf32>
    tpu.vector_store %arg13[%swap3A_83, %swap3A_84], %div3A_13 {strides = array<i32>} : memref<256x1xf32, #tpu.memory_space<vmem>>, vector<256x1xf32>,
    return
  }
  func.func @transform_0(%arg0: i32) -> (i32, i32) {
    %c0_i32 = arith.constant 0 : i32
    %c0_i32_0 = arith.constant 0 : i32
    return %arg0, %c0_i32 : i32, i32
  }
  func.func @transform_1(%arg0: i32) -> (i32, i32) {
    %c0_i32 = arith.constant 0 : i32
    %c0_i32_0 = arith.constant 0 : i32
    return %arg0, %c0_i32 : i32, i32
  }
  func.func @transform_2(%arg0: i32) -> (i32, i32) {
    %c0_i32 = arith.constant 0 : i32
    %c0_i32_0 = arith.constant 0 : i32
    return %c0_i32, %arg0 : i32, i32
  }
  func.func @transform_3(%arg0: i32) -> (i32, i32) {
    %c0_i32 = arith.constant 0 : i32
    %c0_i32_0 = arith.constant 0 : i32
    return %arg0, %c0_i32 : i32, i32
  }
  func.func @transform_4(%arg0: i32) -> (i32, i32) {
    %c0_i32 = arith.constant 0 : i32
    %c0_i32_0 = arith.constant 0 : i32
    %c0_i32_1 = arith.constant 0 : i32
    return %c0_i32, %c0_i32_0 : i32, i32
  }
  func.func @transform_5(%arg0: i32) -> (i32, i32) {
    %c0_i32 = arith.constant 0 : i32
    %c0_i32_0 = arith.constant 0 : i32
    %c0_i32_1 = arith.constant 0 : i32
    return %c0_i32, %c0_i32_0 : i32, i32
  }
  func.func @transform_6(%arg0: i32) -> (i32, i32) {
    %c0_i32 = arith.constant 0 : i32
    %c0_i32_0 = arith.constant 0 : i32
    %c0_i32_1 = arith.constant 0 : i32
    return %c0_i32, %c0_i32_0 : i32, i32
  }
  func.func @transform_7(%arg0: i32) -> (i32, i32) {
    %c0_i32 = arith.constant 0 : i32
    %c0_i32_0 = arith.constant 0 : i32
    %c0_i32_1 = arith.constant 0 : i32
    return %c0_i32, %c0_i32_0 : i32, i32
  }
  func.func @transform_8(%arg0: i32) -> (i32, i32) {
    %c0_i32 = arith.constant 0 : i32
    %c0_i32_0 = arith.constant 0 : i32
    %c0_i32_1 = arith.constant 0 : i32
    return %c0_i32, %c0_i32_0 : i32, i32
  }
  func.func @transform_9(%arg0: i32) -> (i32, i32) {
    %c0_i32 = arith.constant 0 : i32
    %c0_i32_0 = arith.constant 0 : i32
    %c0_i32_1 = arith.constant 0 : i32
    return %c0_i32, %c0_i32_0 : i32, i32
  }
  func.func @transform_10(%arg0: i32) -> (i32, i32) {
    %c0_i32 = arith.constant 0 : i32
    %c0_i32_0 = arith.constant 0 : i32
    return %arg0, %c0_i32 : i32, i32
  }
  func.func @transform_11(%arg0: i32) -> (i32, i32) {
    %c0_i32 = arith.constant 0 : i32
    %c0_i32_0 = arith.constant 0 : i32
    return %arg0, %c0_i32 : i32, i32
  }
  func.func @transform_12(%arg0: i32) -> (i32, i32) {
    %c0_i32 = arith.constant 0 : i32
    %c0_i32_0 = arith.constant 0 : i32
    return %arg0, %c0_i32 : i32, i32
  }
}

module attributes {stable_mosaic.version = 14 : i64} {
  func.func @_stage3_body(%arg0: i32, %arg1: memref<1024x16xf32, #tpu.memory_space<vmem>>, %arg2: memref<1024x16xf32, #tpu.memory_space<vmem>>, %arg3: memref<1024x16xf32, #tpu.memory_space<vmem>>, %arg4: memref<1024x1xf32, #tpu.memory_space<vmem>>, %arg5: memref<1x1024xi32, #tpu.memory_space<vmem>>, %arg6: memref<16x32xf32, #tpu.memory_space<vmem>>, %arg7: memref<1x32xf32, #tpu.memory_space<vmem>>, %arg8: memref<1x32xf32, #tpu.memory_space<vmem>>, %arg9: memref<1x32xf32, #tpu.memory_space<vmem>>, %arg10: memref<32x2xf32, #tpu.memory_space<vmem>>, %arg11: memref<1x2xf32, #tpu.memory_space<vmem>>, %arg12: memref<64x2xf32, #tpu.memory_space<vmem>>, %arg13: memref<16x64xf32, #tpu.memory_space<vmem>>) attributes {dimension_semantics = [#tpu.dimension_semantics<arbitrary>], iteration_bounds = array<i64: 10>, scalar_prefetch = 0 : i64, scratch_operands = 0 : i64, tpu.core_type = #tpu.core_type<tc>, window_params = [{transform_indices = @transform_0, window_bounds = array<i64: 1024, 16>}, {transform_indices = @transform_1, window_bounds = array<i64: 1024, 16>}, {transform_indices = @transform_2, window_bounds = array<i64: 1024, 16>}, {transform_indices = @transform_3, window_bounds = array<i64: 1024, 1>}, {transform_indices = @transform_4, window_bounds = array<i64: 1, 1024>}, {pipeline_mode = #tpu.pipeline_mode<synchronous>, transform_indices = @transform_5, window_bounds = array<i64: 16, 32>}, {pipeline_mode = #tpu.pipeline_mode<synchronous>, transform_indices = @transform_6, window_bounds = array<i64: 1, 32>}, {pipeline_mode = #tpu.pipeline_mode<synchronous>, transform_indices = @transform_7, window_bounds = array<i64: 1, 32>}, {pipeline_mode = #tpu.pipeline_mode<synchronous>, transform_indices = @transform_8, window_bounds = array<i64: 1, 32>}, {pipeline_mode = #tpu.pipeline_mode<synchronous>, transform_indices = @transform_9, window_bounds = array<i64: 32, 2>}, {pipeline_mode = #tpu.pipeline_mode<synchronous>, transform_indices = @transform_10, window_bounds = array<i64: 1, 2>}, {pipeline_mode = #tpu.pipeline_mode<synchronous>, transform_indices = @transform_11, window_bounds = array<i64: 64, 2>}, {pipeline_mode = #tpu.pipeline_mode<synchronous>, transform_indices = @transform_12, window_bounds = array<i64: 16, 64>}]} {
    %get3A = arith.constant 0 : index
    %get3A_0 = arith.constant 0 : index
    %get3A_1 = vector.load %arg1[%get3A, %get3A_0] : memref<1024x16xf32, #tpu.memory_space<vmem>>, vector<1024x16xf32>
    %get3A_2 = arith.constant 0 : index
    %get3A_3 = arith.constant 0 : index
    %get3A_4 = vector.load %arg2[%get3A_2, %get3A_3] : memref<1024x16xf32, #tpu.memory_space<vmem>>, vector<1024x16xf32>
    %add3A = arith.addf %get3A_1, %get3A_4 : vector<1024x16xf32>
    %get3A_5 = arith.constant 0 : index
    %get3A_6 = arith.constant 0 : index
    %get3A_7 = vector.load %arg4[%get3A_5, %get3A_6] : memref<1024x1xf32, #tpu.memory_space<vmem>>, vector<1024x1xf32>
    %mul3A = vector.broadcast %get3A_7 : vector<1024x1xf32> to vector<1024x16xf32>
    %mul3A_8 = arith.mulf %add3A, %mul3A : vector<1024x16xf32>
    %get3A_9 = arith.constant 0 : index
    %get3A_10 = arith.constant 0 : index
    %get3A_11 = vector.load %arg3[%get3A_9, %get3A_10] : memref<1024x16xf32, #tpu.memory_space<vmem>>, vector<1024x16xf32>
    %add3A_12 = arith.addf %mul3A_8, %get3A_11 : vector<1024x16xf32>
    %max3A = arith.constant 0.000000e+00 : f32
    %max3A_13 = vector.broadcast %max3A : f32 to vector<1024x16xf32>
    %max3A_14 = arith.maximumf %add3A_12, %max3A_13 : vector<1024x16xf32>
    %transpose3A = tpu.transpose %max3A_14, [1, 0] : vector<1024x16xf32> -> vector<16x1024xf32>
    %get3A_15 = arith.constant 0 : index
    %get3A_16 = arith.constant 0 : index
    %get3A_17 = vector.load %arg5[%get3A_15, %get3A_16] : memref<1x1024xi32, #tpu.memory_space<vmem>>, vector<1x1024xi32>
    %eq3A = arith.constant 0 : i32
    %eq3A_18 = arith.cmpi eq, %arg0, %eq3A : i32
    %convert_element_type3A = arith.extui %eq3A_18 : i1 to i32
    %cond3A = arith.constant 0 : i32
    %cond3A_19 = arith.cmpi ne, %convert_element_type3A, %cond3A : i32
    scf.if %cond3A_19 {
      %broadcast_in_dim3A_731 = arith.constant -3.000000e+38 : f32
      %broadcast_in_dim3A_732 = vector.broadcast %broadcast_in_dim3A_731 : f32 to vector<16x64xf32>
      %swap3A_733 = arith.constant 0 : index
      %swap3A_734 = arith.constant 0 : index
      %swap3A_735 = vector.load %arg13[%swap3A_733, %swap3A_734] : memref<16x64xf32, #tpu.memory_space<vmem>>, vector<16x64xf32>
      tpu.vector_store %arg13[%swap3A_733, %swap3A_734], %broadcast_in_dim3A_732 {strides = array<i32>} : memref<16x64xf32, #tpu.memory_space<vmem>>, vector<16x64xf32>,
    } else {
    }
    %eq3A_20 = arith.constant 0 : i32
    %eq3A_21 = vector.broadcast %eq3A_20 : i32 to vector<1x1024xi32>
    %eq3A_22 = arith.cmpi eq, %get3A_17, %eq3A_21 : vector<1x1024xi32>
    %jit3A = arith.constant -3.000000e+38 : f32
    %broadcast_in_dim3A = vector.shape_cast %eq3A_22 : vector<1x1024xi1> to vector<1x1024xi1>
    %broadcast_in_dim3A_23 = vector.broadcast %broadcast_in_dim3A : vector<1x1024xi1> to vector<16x1024xi1>
    %broadcast_in_dim3A_24 = vector.broadcast %jit3A : f32 to vector<16x1024xf32>
    %select_n3A = arith.select %broadcast_in_dim3A_23, %transpose3A, %broadcast_in_dim3A_24 : vector<16x1024xi1>, vector<16x1024xf32>
    %reduce_max3A = arith.constant dense<0xFF800000> : vector<16xf32>
    %reduce_max3A_25 = vector.multi_reduction <maximumf>, %select_n3A, %reduce_max3A [1] : vector<16x1024xf32> to vector<16xf32>
    %broadcast_in_dim3A_26 = vector.shape_cast %reduce_max3A_25 : vector<16xf32> to vector<16x1xf32>
    %eq3A_27 = arith.constant 1 : i32
    %eq3A_28 = vector.broadcast %eq3A_27 : i32 to vector<1x1024xi32>
    %eq3A_29 = arith.cmpi eq, %get3A_17, %eq3A_28 : vector<1x1024xi32>
    %jit3A_30 = arith.constant -3.000000e+38 : f32
    %broadcast_in_dim3A_31 = vector.shape_cast %eq3A_29 : vector<1x1024xi1> to vector<1x1024xi1>
    %broadcast_in_dim3A_32 = vector.broadcast %broadcast_in_dim3A_31 : vector<1x1024xi1> to vector<16x1024xi1>
    %broadcast_in_dim3A_33 = vector.broadcast %jit3A_30 : f32 to vector<16x1024xf32>
    %select_n3A_34 = arith.select %broadcast_in_dim3A_32, %transpose3A, %broadcast_in_dim3A_33 : vector<16x1024xi1>, vector<16x1024xf32>
    %reduce_max3A_35 = arith.constant dense<0xFF800000> : vector<16xf32>
    %reduce_max3A_36 = vector.multi_reduction <maximumf>, %select_n3A_34, %reduce_max3A_35 [1] : vector<16x1024xf32> to vector<16xf32>
    %broadcast_in_dim3A_37 = vector.shape_cast %reduce_max3A_36 : vector<16xf32> to vector<16x1xf32>
    %eq3A_38 = arith.constant 2 : i32
    %eq3A_39 = vector.broadcast %eq3A_38 : i32 to vector<1x1024xi32>
    %eq3A_40 = arith.cmpi eq, %get3A_17, %eq3A_39 : vector<1x1024xi32>
    %jit3A_41 = arith.constant -3.000000e+38 : f32
    %broadcast_in_dim3A_42 = vector.shape_cast %eq3A_40 : vector<1x1024xi1> to vector<1x1024xi1>
    %broadcast_in_dim3A_43 = vector.broadcast %broadcast_in_dim3A_42 : vector<1x1024xi1> to vector<16x1024xi1>
    %broadcast_in_dim3A_44 = vector.broadcast %jit3A_41 : f32 to vector<16x1024xf32>
    %select_n3A_45 = arith.select %broadcast_in_dim3A_43, %transpose3A, %broadcast_in_dim3A_44 : vector<16x1024xi1>, vector<16x1024xf32>
    %reduce_max3A_46 = arith.constant dense<0xFF800000> : vector<16xf32>
    %reduce_max3A_47 = vector.multi_reduction <maximumf>, %select_n3A_45, %reduce_max3A_46 [1] : vector<16x1024xf32> to vector<16xf32>
    %broadcast_in_dim3A_48 = vector.shape_cast %reduce_max3A_47 : vector<16xf32> to vector<16x1xf32>
    %eq3A_49 = arith.constant 3 : i32
    %eq3A_50 = vector.broadcast %eq3A_49 : i32 to vector<1x1024xi32>
    %eq3A_51 = arith.cmpi eq, %get3A_17, %eq3A_50 : vector<1x1024xi32>
    %jit3A_52 = arith.constant -3.000000e+38 : f32
    %broadcast_in_dim3A_53 = vector.shape_cast %eq3A_51 : vector<1x1024xi1> to vector<1x1024xi1>
    %broadcast_in_dim3A_54 = vector.broadcast %broadcast_in_dim3A_53 : vector<1x1024xi1> to vector<16x1024xi1>
    %broadcast_in_dim3A_55 = vector.broadcast %jit3A_52 : f32 to vector<16x1024xf32>
    %select_n3A_56 = arith.select %broadcast_in_dim3A_54, %transpose3A, %broadcast_in_dim3A_55 : vector<16x1024xi1>, vector<16x1024xf32>
    %reduce_max3A_57 = arith.constant dense<0xFF800000> : vector<16xf32>
    %reduce_max3A_58 = vector.multi_reduction <maximumf>, %select_n3A_56, %reduce_max3A_57 [1] : vector<16x1024xf32> to vector<16xf32>
    %broadcast_in_dim3A_59 = vector.shape_cast %reduce_max3A_58 : vector<16xf32> to vector<16x1xf32>
    %eq3A_60 = arith.constant 4 : i32
    %eq3A_61 = vector.broadcast %eq3A_60 : i32 to vector<1x1024xi32>
    %eq3A_62 = arith.cmpi eq, %get3A_17, %eq3A_61 : vector<1x1024xi32>
    %jit3A_63 = arith.constant -3.000000e+38 : f32
    %broadcast_in_dim3A_64 = vector.shape_cast %eq3A_62 : vector<1x1024xi1> to vector<1x1024xi1>
    %broadcast_in_dim3A_65 = vector.broadcast %broadcast_in_dim3A_64 : vector<1x1024xi1> to vector<16x1024xi1>
    %broadcast_in_dim3A_66 = vector.broadcast %jit3A_63 : f32 to vector<16x1024xf32>
    %select_n3A_67 = arith.select %broadcast_in_dim3A_65, %transpose3A, %broadcast_in_dim3A_66 : vector<16x1024xi1>, vector<16x1024xf32>
    %reduce_max3A_68 = arith.constant dense<0xFF800000> : vector<16xf32>
    %reduce_max3A_69 = vector.multi_reduction <maximumf>, %select_n3A_67, %reduce_max3A_68 [1] : vector<16x1024xf32> to vector<16xf32>
    %broadcast_in_dim3A_70 = vector.shape_cast %reduce_max3A_69 : vector<16xf32> to vector<16x1xf32>
    %eq3A_71 = arith.constant 5 : i32
    %eq3A_72 = vector.broadcast %eq3A_71 : i32 to vector<1x1024xi32>
    %eq3A_73 = arith.cmpi eq, %get3A_17, %eq3A_72 : vector<1x1024xi32>
    %jit3A_74 = arith.constant -3.000000e+38 : f32
    %broadcast_in_dim3A_75 = vector.shape_cast %eq3A_73 : vector<1x1024xi1> to vector<1x1024xi1>
    %broadcast_in_dim3A_76 = vector.broadcast %broadcast_in_dim3A_75 : vector<1x1024xi1> to vector<16x1024xi1>
    %broadcast_in_dim3A_77 = vector.broadcast %jit3A_74 : f32 to vector<16x1024xf32>
    %select_n3A_78 = arith.select %broadcast_in_dim3A_76, %transpose3A, %broadcast_in_dim3A_77 : vector<16x1024xi1>, vector<16x1024xf32>
    %reduce_max3A_79 = arith.constant dense<0xFF800000> : vector<16xf32>
    %reduce_max3A_80 = vector.multi_reduction <maximumf>, %select_n3A_78, %reduce_max3A_79 [1] : vector<16x1024xf32> to vector<16xf32>
    %broadcast_in_dim3A_81 = vector.shape_cast %reduce_max3A_80 : vector<16xf32> to vector<16x1xf32>
    %eq3A_82 = arith.constant 6 : i32
    %eq3A_83 = vector.broadcast %eq3A_82 : i32 to vector<1x1024xi32>
    %eq3A_84 = arith.cmpi eq, %get3A_17, %eq3A_83 : vector<1x1024xi32>
    %jit3A_85 = arith.constant -3.000000e+38 : f32
    %broadcast_in_dim3A_86 = vector.shape_cast %eq3A_84 : vector<1x1024xi1> to vector<1x1024xi1>
    %broadcast_in_dim3A_87 = vector.broadcast %broadcast_in_dim3A_86 : vector<1x1024xi1> to vector<16x1024xi1>
    %broadcast_in_dim3A_88 = vector.broadcast %jit3A_85 : f32 to vector<16x1024xf32>
    %select_n3A_89 = arith.select %broadcast_in_dim3A_87, %transpose3A, %broadcast_in_dim3A_88 : vector<16x1024xi1>, vector<16x1024xf32>
    %reduce_max3A_90 = arith.constant dense<0xFF800000> : vector<16xf32>
    %reduce_max3A_91 = vector.multi_reduction <maximumf>, %select_n3A_89, %reduce_max3A_90 [1] : vector<16x1024xf32> to vector<16xf32>
    %broadcast_in_dim3A_92 = vector.shape_cast %reduce_max3A_91 : vector<16xf32> to vector<16x1xf32>
    %eq3A_93 = arith.constant 7 : i32
    %eq3A_94 = vector.broadcast %eq3A_93 : i32 to vector<1x1024xi32>
    %eq3A_95 = arith.cmpi eq, %get3A_17, %eq3A_94 : vector<1x1024xi32>
    %jit3A_96 = arith.constant -3.000000e+38 : f32
    %broadcast_in_dim3A_97 = vector.shape_cast %eq3A_95 : vector<1x1024xi1> to vector<1x1024xi1>
    %broadcast_in_dim3A_98 = vector.broadcast %broadcast_in_dim3A_97 : vector<1x1024xi1> to vector<16x1024xi1>
    %broadcast_in_dim3A_99 = vector.broadcast %jit3A_96 : f32 to vector<16x1024xf32>
    %select_n3A_100 = arith.select %broadcast_in_dim3A_98, %transpose3A, %broadcast_in_dim3A_99 : vector<16x1024xi1>, vector<16x1024xf32>
    %reduce_max3A_101 = arith.constant dense<0xFF800000> : vector<16xf32>
    %reduce_max3A_102 = vector.multi_reduction <maximumf>, %select_n3A_100, %reduce_max3A_101 [1] : vector<16x1024xf32> to vector<16xf32>
    %broadcast_in_dim3A_103 = vector.shape_cast %reduce_max3A_102 : vector<16xf32> to vector<16x1xf32>
    %eq3A_104 = arith.constant 8 : i32
    %eq3A_105 = vector.broadcast %eq3A_104 : i32 to vector<1x1024xi32>
    %eq3A_106 = arith.cmpi eq, %get3A_17, %eq3A_105 : vector<1x1024xi32>
    %jit3A_107 = arith.constant -3.000000e+38 : f32
    %broadcast_in_dim3A_108 = vector.shape_cast %eq3A_106 : vector<1x1024xi1> to vector<1x1024xi1>
    %broadcast_in_dim3A_109 = vector.broadcast %broadcast_in_dim3A_108 : vector<1x1024xi1> to vector<16x1024xi1>
    %broadcast_in_dim3A_110 = vector.broadcast %jit3A_107 : f32 to vector<16x1024xf32>
    %select_n3A_111 = arith.select %broadcast_in_dim3A_109, %transpose3A, %broadcast_in_dim3A_110 : vector<16x1024xi1>, vector<16x1024xf32>
    %reduce_max3A_112 = arith.constant dense<0xFF800000> : vector<16xf32>
    %reduce_max3A_113 = vector.multi_reduction <maximumf>, %select_n3A_111, %reduce_max3A_112 [1] : vector<16x1024xf32> to vector<16xf32>
    %broadcast_in_dim3A_114 = vector.shape_cast %reduce_max3A_113 : vector<16xf32> to vector<16x1xf32>
    %eq3A_115 = arith.constant 9 : i32
    %eq3A_116 = vector.broadcast %eq3A_115 : i32 to vector<1x1024xi32>
    %eq3A_117 = arith.cmpi eq, %get3A_17, %eq3A_116 : vector<1x1024xi32>
    %jit3A_118 = arith.constant -3.000000e+38 : f32
    %broadcast_in_dim3A_119 = vector.shape_cast %eq3A_117 : vector<1x1024xi1> to vector<1x1024xi1>
    %broadcast_in_dim3A_120 = vector.broadcast %broadcast_in_dim3A_119 : vector<1x1024xi1> to vector<16x1024xi1>
    %broadcast_in_dim3A_121 = vector.broadcast %jit3A_118 : f32 to vector<16x1024xf32>
    %select_n3A_122 = arith.select %broadcast_in_dim3A_120, %transpose3A, %broadcast_in_dim3A_121 : vector<16x1024xi1>, vector<16x1024xf32>
    %reduce_max3A_123 = arith.constant dense<0xFF800000> : vector<16xf32>
    %reduce_max3A_124 = vector.multi_reduction <maximumf>, %select_n3A_122, %reduce_max3A_123 [1] : vector<16x1024xf32> to vector<16xf32>
    %broadcast_in_dim3A_125 = vector.shape_cast %reduce_max3A_124 : vector<16xf32> to vector<16x1xf32>
    %eq3A_126 = arith.constant 10 : i32
    %eq3A_127 = vector.broadcast %eq3A_126 : i32 to vector<1x1024xi32>
    %eq3A_128 = arith.cmpi eq, %get3A_17, %eq3A_127 : vector<1x1024xi32>
    %jit3A_129 = arith.constant -3.000000e+38 : f32
    %broadcast_in_dim3A_130 = vector.shape_cast %eq3A_128 : vector<1x1024xi1> to vector<1x1024xi1>
    %broadcast_in_dim3A_131 = vector.broadcast %broadcast_in_dim3A_130 : vector<1x1024xi1> to vector<16x1024xi1>
    %broadcast_in_dim3A_132 = vector.broadcast %jit3A_129 : f32 to vector<16x1024xf32>
    %select_n3A_133 = arith.select %broadcast_in_dim3A_131, %transpose3A, %broadcast_in_dim3A_132 : vector<16x1024xi1>, vector<16x1024xf32>
    %reduce_max3A_134 = arith.constant dense<0xFF800000> : vector<16xf32>
    %reduce_max3A_135 = vector.multi_reduction <maximumf>, %select_n3A_133, %reduce_max3A_134 [1] : vector<16x1024xf32> to vector<16xf32>
    %broadcast_in_dim3A_136 = vector.shape_cast %reduce_max3A_135 : vector<16xf32> to vector<16x1xf32>
    %eq3A_137 = arith.constant 11 : i32
    %eq3A_138 = vector.broadcast %eq3A_137 : i32 to vector<1x1024xi32>
    %eq3A_139 = arith.cmpi eq, %get3A_17, %eq3A_138 : vector<1x1024xi32>
    %jit3A_140 = arith.constant -3.000000e+38 : f32
    %broadcast_in_dim3A_141 = vector.shape_cast %eq3A_139 : vector<1x1024xi1> to vector<1x1024xi1>
    %broadcast_in_dim3A_142 = vector.broadcast %broadcast_in_dim3A_141 : vector<1x1024xi1> to vector<16x1024xi1>
    %broadcast_in_dim3A_143 = vector.broadcast %jit3A_140 : f32 to vector<16x1024xf32>
    %select_n3A_144 = arith.select %broadcast_in_dim3A_142, %transpose3A, %broadcast_in_dim3A_143 : vector<16x1024xi1>, vector<16x1024xf32>
    %reduce_max3A_145 = arith.constant dense<0xFF800000> : vector<16xf32>
    %reduce_max3A_146 = vector.multi_reduction <maximumf>, %select_n3A_144, %reduce_max3A_145 [1] : vector<16x1024xf32> to vector<16xf32>
    %broadcast_in_dim3A_147 = vector.shape_cast %reduce_max3A_146 : vector<16xf32> to vector<16x1xf32>
    %eq3A_148 = arith.constant 12 : i32
    %eq3A_149 = vector.broadcast %eq3A_148 : i32 to vector<1x1024xi32>
    %eq3A_150 = arith.cmpi eq, %get3A_17, %eq3A_149 : vector<1x1024xi32>
    %jit3A_151 = arith.constant -3.000000e+38 : f32
    %broadcast_in_dim3A_152 = vector.shape_cast %eq3A_150 : vector<1x1024xi1> to vector<1x1024xi1>
    %broadcast_in_dim3A_153 = vector.broadcast %broadcast_in_dim3A_152 : vector<1x1024xi1> to vector<16x1024xi1>
    %broadcast_in_dim3A_154 = vector.broadcast %jit3A_151 : f32 to vector<16x1024xf32>
    %select_n3A_155 = arith.select %broadcast_in_dim3A_153, %transpose3A, %broadcast_in_dim3A_154 : vector<16x1024xi1>, vector<16x1024xf32>
    %reduce_max3A_156 = arith.constant dense<0xFF800000> : vector<16xf32>
    %reduce_max3A_157 = vector.multi_reduction <maximumf>, %select_n3A_155, %reduce_max3A_156 [1] : vector<16x1024xf32> to vector<16xf32>
    %broadcast_in_dim3A_158 = vector.shape_cast %reduce_max3A_157 : vector<16xf32> to vector<16x1xf32>
    %eq3A_159 = arith.constant 13 : i32
    %eq3A_160 = vector.broadcast %eq3A_159 : i32 to vector<1x1024xi32>
    %eq3A_161 = arith.cmpi eq, %get3A_17, %eq3A_160 : vector<1x1024xi32>
    %jit3A_162 = arith.constant -3.000000e+38 : f32
    %broadcast_in_dim3A_163 = vector.shape_cast %eq3A_161 : vector<1x1024xi1> to vector<1x1024xi1>
    %broadcast_in_dim3A_164 = vector.broadcast %broadcast_in_dim3A_163 : vector<1x1024xi1> to vector<16x1024xi1>
    %broadcast_in_dim3A_165 = vector.broadcast %jit3A_162 : f32 to vector<16x1024xf32>
    %select_n3A_166 = arith.select %broadcast_in_dim3A_164, %transpose3A, %broadcast_in_dim3A_165 : vector<16x1024xi1>, vector<16x1024xf32>
    %reduce_max3A_167 = arith.constant dense<0xFF800000> : vector<16xf32>
    %reduce_max3A_168 = vector.multi_reduction <maximumf>, %select_n3A_166, %reduce_max3A_167 [1] : vector<16x1024xf32> to vector<16xf32>
    %broadcast_in_dim3A_169 = vector.shape_cast %reduce_max3A_168 : vector<16xf32> to vector<16x1xf32>
    %eq3A_170 = arith.constant 14 : i32
    %eq3A_171 = vector.broadcast %eq3A_170 : i32 to vector<1x1024xi32>
    %eq3A_172 = arith.cmpi eq, %get3A_17, %eq3A_171 : vector<1x1024xi32>
    %jit3A_173 = arith.constant -3.000000e+38 : f32
    %broadcast_in_dim3A_174 = vector.shape_cast %eq3A_172 : vector<1x1024xi1> to vector<1x1024xi1>
    %broadcast_in_dim3A_175 = vector.broadcast %broadcast_in_dim3A_174 : vector<1x1024xi1> to vector<16x1024xi1>
    %broadcast_in_dim3A_176 = vector.broadcast %jit3A_173 : f32 to vector<16x1024xf32>
    %select_n3A_177 = arith.select %broadcast_in_dim3A_175, %transpose3A, %broadcast_in_dim3A_176 : vector<16x1024xi1>, vector<16x1024xf32>
    %reduce_max3A_178 = arith.constant dense<0xFF800000> : vector<16xf32>
    %reduce_max3A_179 = vector.multi_reduction <maximumf>, %select_n3A_177, %reduce_max3A_178 [1] : vector<16x1024xf32> to vector<16xf32>
    %broadcast_in_dim3A_180 = vector.shape_cast %reduce_max3A_179 : vector<16xf32> to vector<16x1xf32>
    %eq3A_181 = arith.constant 15 : i32
    %eq3A_182 = vector.broadcast %eq3A_181 : i32 to vector<1x1024xi32>
    %eq3A_183 = arith.cmpi eq, %get3A_17, %eq3A_182 : vector<1x1024xi32>
    %jit3A_184 = arith.constant -3.000000e+38 : f32
    %broadcast_in_dim3A_185 = vector.shape_cast %eq3A_183 : vector<1x1024xi1> to vector<1x1024xi1>
    %broadcast_in_dim3A_186 = vector.broadcast %broadcast_in_dim3A_185 : vector<1x1024xi1> to vector<16x1024xi1>
    %broadcast_in_dim3A_187 = vector.broadcast %jit3A_184 : f32 to vector<16x1024xf32>
    %select_n3A_188 = arith.select %broadcast_in_dim3A_186, %transpose3A, %broadcast_in_dim3A_187 : vector<16x1024xi1>, vector<16x1024xf32>
    %reduce_max3A_189 = arith.constant dense<0xFF800000> : vector<16xf32>
    %reduce_max3A_190 = vector.multi_reduction <maximumf>, %select_n3A_188, %reduce_max3A_189 [1] : vector<16x1024xf32> to vector<16xf32>
    %broadcast_in_dim3A_191 = vector.shape_cast %reduce_max3A_190 : vector<16xf32> to vector<16x1xf32>
    %eq3A_192 = arith.constant 16 : i32
    %eq3A_193 = vector.broadcast %eq3A_192 : i32 to vector<1x1024xi32>
    %eq3A_194 = arith.cmpi eq, %get3A_17, %eq3A_193 : vector<1x1024xi32>
    %jit3A_195 = arith.constant -3.000000e+38 : f32
    %broadcast_in_dim3A_196 = vector.shape_cast %eq3A_194 : vector<1x1024xi1> to vector<1x1024xi1>
    %broadcast_in_dim3A_197 = vector.broadcast %broadcast_in_dim3A_196 : vector<1x1024xi1> to vector<16x1024xi1>
    %broadcast_in_dim3A_198 = vector.broadcast %jit3A_195 : f32 to vector<16x1024xf32>
    %select_n3A_199 = arith.select %broadcast_in_dim3A_197, %transpose3A, %broadcast_in_dim3A_198 : vector<16x1024xi1>, vector<16x1024xf32>
    %reduce_max3A_200 = arith.constant dense<0xFF800000> : vector<16xf32>
    %reduce_max3A_201 = vector.multi_reduction <maximumf>, %select_n3A_199, %reduce_max3A_200 [1] : vector<16x1024xf32> to vector<16xf32>
    %broadcast_in_dim3A_202 = vector.shape_cast %reduce_max3A_201 : vector<16xf32> to vector<16x1xf32>
    %eq3A_203 = arith.constant 17 : i32
    %eq3A_204 = vector.broadcast %eq3A_203 : i32 to vector<1x1024xi32>
    %eq3A_205 = arith.cmpi eq, %get3A_17, %eq3A_204 : vector<1x1024xi32>
    %jit3A_206 = arith.constant -3.000000e+38 : f32
    %broadcast_in_dim3A_207 = vector.shape_cast %eq3A_205 : vector<1x1024xi1> to vector<1x1024xi1>
    %broadcast_in_dim3A_208 = vector.broadcast %broadcast_in_dim3A_207 : vector<1x1024xi1> to vector<16x1024xi1>
    %broadcast_in_dim3A_209 = vector.broadcast %jit3A_206 : f32 to vector<16x1024xf32>
    %select_n3A_210 = arith.select %broadcast_in_dim3A_208, %transpose3A, %broadcast_in_dim3A_209 : vector<16x1024xi1>, vector<16x1024xf32>
    %reduce_max3A_211 = arith.constant dense<0xFF800000> : vector<16xf32>
    %reduce_max3A_212 = vector.multi_reduction <maximumf>, %select_n3A_210, %reduce_max3A_211 [1] : vector<16x1024xf32> to vector<16xf32>
    %broadcast_in_dim3A_213 = vector.shape_cast %reduce_max3A_212 : vector<16xf32> to vector<16x1xf32>
    %eq3A_214 = arith.constant 18 : i32
    %eq3A_215 = vector.broadcast %eq3A_214 : i32 to vector<1x1024xi32>
    %eq3A_216 = arith.cmpi eq, %get3A_17, %eq3A_215 : vector<1x1024xi32>
    %jit3A_217 = arith.constant -3.000000e+38 : f32
    %broadcast_in_dim3A_218 = vector.shape_cast %eq3A_216 : vector<1x1024xi1> to vector<1x1024xi1>
    %broadcast_in_dim3A_219 = vector.broadcast %broadcast_in_dim3A_218 : vector<1x1024xi1> to vector<16x1024xi1>
    %broadcast_in_dim3A_220 = vector.broadcast %jit3A_217 : f32 to vector<16x1024xf32>
    %select_n3A_221 = arith.select %broadcast_in_dim3A_219, %transpose3A, %broadcast_in_dim3A_220 : vector<16x1024xi1>, vector<16x1024xf32>
    %reduce_max3A_222 = arith.constant dense<0xFF800000> : vector<16xf32>
    %reduce_max3A_223 = vector.multi_reduction <maximumf>, %select_n3A_221, %reduce_max3A_222 [1] : vector<16x1024xf32> to vector<16xf32>
    %broadcast_in_dim3A_224 = vector.shape_cast %reduce_max3A_223 : vector<16xf32> to vector<16x1xf32>
    %eq3A_225 = arith.constant 19 : i32
    %eq3A_226 = vector.broadcast %eq3A_225 : i32 to vector<1x1024xi32>
    %eq3A_227 = arith.cmpi eq, %get3A_17, %eq3A_226 : vector<1x1024xi32>
    %jit3A_228 = arith.constant -3.000000e+38 : f32
    %broadcast_in_dim3A_229 = vector.shape_cast %eq3A_227 : vector<1x1024xi1> to vector<1x1024xi1>
    %broadcast_in_dim3A_230 = vector.broadcast %broadcast_in_dim3A_229 : vector<1x1024xi1> to vector<16x1024xi1>
    %broadcast_in_dim3A_231 = vector.broadcast %jit3A_228 : f32 to vector<16x1024xf32>
    %select_n3A_232 = arith.select %broadcast_in_dim3A_230, %transpose3A, %broadcast_in_dim3A_231 : vector<16x1024xi1>, vector<16x1024xf32>
    %reduce_max3A_233 = arith.constant dense<0xFF800000> : vector<16xf32>
    %reduce_max3A_234 = vector.multi_reduction <maximumf>, %select_n3A_232, %reduce_max3A_233 [1] : vector<16x1024xf32> to vector<16xf32>
    %broadcast_in_dim3A_235 = vector.shape_cast %reduce_max3A_234 : vector<16xf32> to vector<16x1xf32>
    %eq3A_236 = arith.constant 20 : i32
    %eq3A_237 = vector.broadcast %eq3A_236 : i32 to vector<1x1024xi32>
    %eq3A_238 = arith.cmpi eq, %get3A_17, %eq3A_237 : vector<1x1024xi32>
    %jit3A_239 = arith.constant -3.000000e+38 : f32
    %broadcast_in_dim3A_240 = vector.shape_cast %eq3A_238 : vector<1x1024xi1> to vector<1x1024xi1>
    %broadcast_in_dim3A_241 = vector.broadcast %broadcast_in_dim3A_240 : vector<1x1024xi1> to vector<16x1024xi1>
    %broadcast_in_dim3A_242 = vector.broadcast %jit3A_239 : f32 to vector<16x1024xf32>
    %select_n3A_243 = arith.select %broadcast_in_dim3A_241, %transpose3A, %broadcast_in_dim3A_242 : vector<16x1024xi1>, vector<16x1024xf32>
    %reduce_max3A_244 = arith.constant dense<0xFF800000> : vector<16xf32>
    %reduce_max3A_245 = vector.multi_reduction <maximumf>, %select_n3A_243, %reduce_max3A_244 [1] : vector<16x1024xf32> to vector<16xf32>
    %broadcast_in_dim3A_246 = vector.shape_cast %reduce_max3A_245 : vector<16xf32> to vector<16x1xf32>
    %eq3A_247 = arith.constant 21 : i32
    %eq3A_248 = vector.broadcast %eq3A_247 : i32 to vector<1x1024xi32>
    %eq3A_249 = arith.cmpi eq, %get3A_17, %eq3A_248 : vector<1x1024xi32>
    %jit3A_250 = arith.constant -3.000000e+38 : f32
    %broadcast_in_dim3A_251 = vector.shape_cast %eq3A_249 : vector<1x1024xi1> to vector<1x1024xi1>
    %broadcast_in_dim3A_252 = vector.broadcast %broadcast_in_dim3A_251 : vector<1x1024xi1> to vector<16x1024xi1>
    %broadcast_in_dim3A_253 = vector.broadcast %jit3A_250 : f32 to vector<16x1024xf32>
    %select_n3A_254 = arith.select %broadcast_in_dim3A_252, %transpose3A, %broadcast_in_dim3A_253 : vector<16x1024xi1>, vector<16x1024xf32>
    %reduce_max3A_255 = arith.constant dense<0xFF800000> : vector<16xf32>
    %reduce_max3A_256 = vector.multi_reduction <maximumf>, %select_n3A_254, %reduce_max3A_255 [1] : vector<16x1024xf32> to vector<16xf32>
    %broadcast_in_dim3A_257 = vector.shape_cast %reduce_max3A_256 : vector<16xf32> to vector<16x1xf32>
    %eq3A_258 = arith.constant 22 : i32
    %eq3A_259 = vector.broadcast %eq3A_258 : i32 to vector<1x1024xi32>
    %eq3A_260 = arith.cmpi eq, %get3A_17, %eq3A_259 : vector<1x1024xi32>
    %jit3A_261 = arith.constant -3.000000e+38 : f32
    %broadcast_in_dim3A_262 = vector.shape_cast %eq3A_260 : vector<1x1024xi1> to vector<1x1024xi1>
    %broadcast_in_dim3A_263 = vector.broadcast %broadcast_in_dim3A_262 : vector<1x1024xi1> to vector<16x1024xi1>
    %broadcast_in_dim3A_264 = vector.broadcast %jit3A_261 : f32 to vector<16x1024xf32>
    %select_n3A_265 = arith.select %broadcast_in_dim3A_263, %transpose3A, %broadcast_in_dim3A_264 : vector<16x1024xi1>, vector<16x1024xf32>
    %reduce_max3A_266 = arith.constant dense<0xFF800000> : vector<16xf32>
    %reduce_max3A_267 = vector.multi_reduction <maximumf>, %select_n3A_265, %reduce_max3A_266 [1] : vector<16x1024xf32> to vector<16xf32>
    %broadcast_in_dim3A_268 = vector.shape_cast %reduce_max3A_267 : vector<16xf32> to vector<16x1xf32>
    %eq3A_269 = arith.constant 23 : i32
    %eq3A_270 = vector.broadcast %eq3A_269 : i32 to vector<1x1024xi32>
    %eq3A_271 = arith.cmpi eq, %get3A_17, %eq3A_270 : vector<1x1024xi32>
    %jit3A_272 = arith.constant -3.000000e+38 : f32
    %broadcast_in_dim3A_273 = vector.shape_cast %eq3A_271 : vector<1x1024xi1> to vector<1x1024xi1>
    %broadcast_in_dim3A_274 = vector.broadcast %broadcast_in_dim3A_273 : vector<1x1024xi1> to vector<16x1024xi1>
    %broadcast_in_dim3A_275 = vector.broadcast %jit3A_272 : f32 to vector<16x1024xf32>
    %select_n3A_276 = arith.select %broadcast_in_dim3A_274, %transpose3A, %broadcast_in_dim3A_275 : vector<16x1024xi1>, vector<16x1024xf32>
    %reduce_max3A_277 = arith.constant dense<0xFF800000> : vector<16xf32>
    %reduce_max3A_278 = vector.multi_reduction <maximumf>, %select_n3A_276, %reduce_max3A_277 [1] : vector<16x1024xf32> to vector<16xf32>
    %broadcast_in_dim3A_279 = vector.shape_cast %reduce_max3A_278 : vector<16xf32> to vector<16x1xf32>
    %eq3A_280 = arith.constant 24 : i32
    %eq3A_281 = vector.broadcast %eq3A_280 : i32 to vector<1x1024xi32>
    %eq3A_282 = arith.cmpi eq, %get3A_17, %eq3A_281 : vector<1x1024xi32>
    %jit3A_283 = arith.constant -3.000000e+38 : f32
    %broadcast_in_dim3A_284 = vector.shape_cast %eq3A_282 : vector<1x1024xi1> to vector<1x1024xi1>
    %broadcast_in_dim3A_285 = vector.broadcast %broadcast_in_dim3A_284 : vector<1x1024xi1> to vector<16x1024xi1>
    %broadcast_in_dim3A_286 = vector.broadcast %jit3A_283 : f32 to vector<16x1024xf32>
    %select_n3A_287 = arith.select %broadcast_in_dim3A_285, %transpose3A, %broadcast_in_dim3A_286 : vector<16x1024xi1>, vector<16x1024xf32>
    %reduce_max3A_288 = arith.constant dense<0xFF800000> : vector<16xf32>
    %reduce_max3A_289 = vector.multi_reduction <maximumf>, %select_n3A_287, %reduce_max3A_288 [1] : vector<16x1024xf32> to vector<16xf32>
    %broadcast_in_dim3A_290 = vector.shape_cast %reduce_max3A_289 : vector<16xf32> to vector<16x1xf32>
    %eq3A_291 = arith.constant 25 : i32
    %eq3A_292 = vector.broadcast %eq3A_291 : i32 to vector<1x1024xi32>
    %eq3A_293 = arith.cmpi eq, %get3A_17, %eq3A_292 : vector<1x1024xi32>
    %jit3A_294 = arith.constant -3.000000e+38 : f32
    %broadcast_in_dim3A_295 = vector.shape_cast %eq3A_293 : vector<1x1024xi1> to vector<1x1024xi1>
    %broadcast_in_dim3A_296 = vector.broadcast %broadcast_in_dim3A_295 : vector<1x1024xi1> to vector<16x1024xi1>
    %broadcast_in_dim3A_297 = vector.broadcast %jit3A_294 : f32 to vector<16x1024xf32>
    %select_n3A_298 = arith.select %broadcast_in_dim3A_296, %transpose3A, %broadcast_in_dim3A_297 : vector<16x1024xi1>, vector<16x1024xf32>
    %reduce_max3A_299 = arith.constant dense<0xFF800000> : vector<16xf32>
    %reduce_max3A_300 = vector.multi_reduction <maximumf>, %select_n3A_298, %reduce_max3A_299 [1] : vector<16x1024xf32> to vector<16xf32>
    %broadcast_in_dim3A_301 = vector.shape_cast %reduce_max3A_300 : vector<16xf32> to vector<16x1xf32>
    %eq3A_302 = arith.constant 26 : i32
    %eq3A_303 = vector.broadcast %eq3A_302 : i32 to vector<1x1024xi32>
    %eq3A_304 = arith.cmpi eq, %get3A_17, %eq3A_303 : vector<1x1024xi32>
    %jit3A_305 = arith.constant -3.000000e+38 : f32
    %broadcast_in_dim3A_306 = vector.shape_cast %eq3A_304 : vector<1x1024xi1> to vector<1x1024xi1>
    %broadcast_in_dim3A_307 = vector.broadcast %broadcast_in_dim3A_306 : vector<1x1024xi1> to vector<16x1024xi1>
    %broadcast_in_dim3A_308 = vector.broadcast %jit3A_305 : f32 to vector<16x1024xf32>
    %select_n3A_309 = arith.select %broadcast_in_dim3A_307, %transpose3A, %broadcast_in_dim3A_308 : vector<16x1024xi1>, vector<16x1024xf32>
    %reduce_max3A_310 = arith.constant dense<0xFF800000> : vector<16xf32>
    %reduce_max3A_311 = vector.multi_reduction <maximumf>, %select_n3A_309, %reduce_max3A_310 [1] : vector<16x1024xf32> to vector<16xf32>
    %broadcast_in_dim3A_312 = vector.shape_cast %reduce_max3A_311 : vector<16xf32> to vector<16x1xf32>
    %eq3A_313 = arith.constant 27 : i32
    %eq3A_314 = vector.broadcast %eq3A_313 : i32 to vector<1x1024xi32>
    %eq3A_315 = arith.cmpi eq, %get3A_17, %eq3A_314 : vector<1x1024xi32>
    %jit3A_316 = arith.constant -3.000000e+38 : f32
    %broadcast_in_dim3A_317 = vector.shape_cast %eq3A_315 : vector<1x1024xi1> to vector<1x1024xi1>
    %broadcast_in_dim3A_318 = vector.broadcast %broadcast_in_dim3A_317 : vector<1x1024xi1> to vector<16x1024xi1>
    %broadcast_in_dim3A_319 = vector.broadcast %jit3A_316 : f32 to vector<16x1024xf32>
    %select_n3A_320 = arith.select %broadcast_in_dim3A_318, %transpose3A, %broadcast_in_dim3A_319 : vector<16x1024xi1>, vector<16x1024xf32>
    %reduce_max3A_321 = arith.constant dense<0xFF800000> : vector<16xf32>
    %reduce_max3A_322 = vector.multi_reduction <maximumf>, %select_n3A_320, %reduce_max3A_321 [1] : vector<16x1024xf32> to vector<16xf32>
    %broadcast_in_dim3A_323 = vector.shape_cast %reduce_max3A_322 : vector<16xf32> to vector<16x1xf32>
    %eq3A_324 = arith.constant 28 : i32
    %eq3A_325 = vector.broadcast %eq3A_324 : i32 to vector<1x1024xi32>
    %eq3A_326 = arith.cmpi eq, %get3A_17, %eq3A_325 : vector<1x1024xi32>
    %jit3A_327 = arith.constant -3.000000e+38 : f32
    %broadcast_in_dim3A_328 = vector.shape_cast %eq3A_326 : vector<1x1024xi1> to vector<1x1024xi1>
    %broadcast_in_dim3A_329 = vector.broadcast %broadcast_in_dim3A_328 : vector<1x1024xi1> to vector<16x1024xi1>
    %broadcast_in_dim3A_330 = vector.broadcast %jit3A_327 : f32 to vector<16x1024xf32>
    %select_n3A_331 = arith.select %broadcast_in_dim3A_329, %transpose3A, %broadcast_in_dim3A_330 : vector<16x1024xi1>, vector<16x1024xf32>
    %reduce_max3A_332 = arith.constant dense<0xFF800000> : vector<16xf32>
    %reduce_max3A_333 = vector.multi_reduction <maximumf>, %select_n3A_331, %reduce_max3A_332 [1] : vector<16x1024xf32> to vector<16xf32>
    %broadcast_in_dim3A_334 = vector.shape_cast %reduce_max3A_333 : vector<16xf32> to vector<16x1xf32>
    %eq3A_335 = arith.constant 29 : i32
    %eq3A_336 = vector.broadcast %eq3A_335 : i32 to vector<1x1024xi32>
    %eq3A_337 = arith.cmpi eq, %get3A_17, %eq3A_336 : vector<1x1024xi32>
    %jit3A_338 = arith.constant -3.000000e+38 : f32
    %broadcast_in_dim3A_339 = vector.shape_cast %eq3A_337 : vector<1x1024xi1> to vector<1x1024xi1>
    %broadcast_in_dim3A_340 = vector.broadcast %broadcast_in_dim3A_339 : vector<1x1024xi1> to vector<16x1024xi1>
    %broadcast_in_dim3A_341 = vector.broadcast %jit3A_338 : f32 to vector<16x1024xf32>
    %select_n3A_342 = arith.select %broadcast_in_dim3A_340, %transpose3A, %broadcast_in_dim3A_341 : vector<16x1024xi1>, vector<16x1024xf32>
    %reduce_max3A_343 = arith.constant dense<0xFF800000> : vector<16xf32>
    %reduce_max3A_344 = vector.multi_reduction <maximumf>, %select_n3A_342, %reduce_max3A_343 [1] : vector<16x1024xf32> to vector<16xf32>
    %broadcast_in_dim3A_345 = vector.shape_cast %reduce_max3A_344 : vector<16xf32> to vector<16x1xf32>
    %eq3A_346 = arith.constant 30 : i32
    %eq3A_347 = vector.broadcast %eq3A_346 : i32 to vector<1x1024xi32>
    %eq3A_348 = arith.cmpi eq, %get3A_17, %eq3A_347 : vector<1x1024xi32>
    %jit3A_349 = arith.constant -3.000000e+38 : f32
    %broadcast_in_dim3A_350 = vector.shape_cast %eq3A_348 : vector<1x1024xi1> to vector<1x1024xi1>
    %broadcast_in_dim3A_351 = vector.broadcast %broadcast_in_dim3A_350 : vector<1x1024xi1> to vector<16x1024xi1>
    %broadcast_in_dim3A_352 = vector.broadcast %jit3A_349 : f32 to vector<16x1024xf32>
    %select_n3A_353 = arith.select %broadcast_in_dim3A_351, %transpose3A, %broadcast_in_dim3A_352 : vector<16x1024xi1>, vector<16x1024xf32>
    %reduce_max3A_354 = arith.constant dense<0xFF800000> : vector<16xf32>
    %reduce_max3A_355 = vector.multi_reduction <maximumf>, %select_n3A_353, %reduce_max3A_354 [1] : vector<16x1024xf32> to vector<16xf32>
    %broadcast_in_dim3A_356 = vector.shape_cast %reduce_max3A_355 : vector<16xf32> to vector<16x1xf32>
    %eq3A_357 = arith.constant 31 : i32
    %eq3A_358 = vector.broadcast %eq3A_357 : i32 to vector<1x1024xi32>
    %eq3A_359 = arith.cmpi eq, %get3A_17, %eq3A_358 : vector<1x1024xi32>
    %jit3A_360 = arith.constant -3.000000e+38 : f32
    %broadcast_in_dim3A_361 = vector.shape_cast %eq3A_359 : vector<1x1024xi1> to vector<1x1024xi1>
    %broadcast_in_dim3A_362 = vector.broadcast %broadcast_in_dim3A_361 : vector<1x1024xi1> to vector<16x1024xi1>
    %broadcast_in_dim3A_363 = vector.broadcast %jit3A_360 : f32 to vector<16x1024xf32>
    %select_n3A_364 = arith.select %broadcast_in_dim3A_362, %transpose3A, %broadcast_in_dim3A_363 : vector<16x1024xi1>, vector<16x1024xf32>
    %reduce_max3A_365 = arith.constant dense<0xFF800000> : vector<16xf32>
    %reduce_max3A_366 = vector.multi_reduction <maximumf>, %select_n3A_364, %reduce_max3A_365 [1] : vector<16x1024xf32> to vector<16xf32>
    %broadcast_in_dim3A_367 = vector.shape_cast %reduce_max3A_366 : vector<16xf32> to vector<16x1xf32>
    %eq3A_368 = arith.constant 32 : i32
    %eq3A_369 = vector.broadcast %eq3A_368 : i32 to vector<1x1024xi32>
    %eq3A_370 = arith.cmpi eq, %get3A_17, %eq3A_369 : vector<1x1024xi32>
    %jit3A_371 = arith.constant -3.000000e+38 : f32
    %broadcast_in_dim3A_372 = vector.shape_cast %eq3A_370 : vector<1x1024xi1> to vector<1x1024xi1>
    %broadcast_in_dim3A_373 = vector.broadcast %broadcast_in_dim3A_372 : vector<1x1024xi1> to vector<16x1024xi1>
    %broadcast_in_dim3A_374 = vector.broadcast %jit3A_371 : f32 to vector<16x1024xf32>
    %select_n3A_375 = arith.select %broadcast_in_dim3A_373, %transpose3A, %broadcast_in_dim3A_374 : vector<16x1024xi1>, vector<16x1024xf32>
    %reduce_max3A_376 = arith.constant dense<0xFF800000> : vector<16xf32>
    %reduce_max3A_377 = vector.multi_reduction <maximumf>, %select_n3A_375, %reduce_max3A_376 [1] : vector<16x1024xf32> to vector<16xf32>
    %broadcast_in_dim3A_378 = vector.shape_cast %reduce_max3A_377 : vector<16xf32> to vector<16x1xf32>
    %eq3A_379 = arith.constant 33 : i32
    %eq3A_380 = vector.broadcast %eq3A_379 : i32 to vector<1x1024xi32>
    %eq3A_381 = arith.cmpi eq, %get3A_17, %eq3A_380 : vector<1x1024xi32>
    %jit3A_382 = arith.constant -3.000000e+38 : f32
    %broadcast_in_dim3A_383 = vector.shape_cast %eq3A_381 : vector<1x1024xi1> to vector<1x1024xi1>
    %broadcast_in_dim3A_384 = vector.broadcast %broadcast_in_dim3A_383 : vector<1x1024xi1> to vector<16x1024xi1>
    %broadcast_in_dim3A_385 = vector.broadcast %jit3A_382 : f32 to vector<16x1024xf32>
    %select_n3A_386 = arith.select %broadcast_in_dim3A_384, %transpose3A, %broadcast_in_dim3A_385 : vector<16x1024xi1>, vector<16x1024xf32>
    %reduce_max3A_387 = arith.constant dense<0xFF800000> : vector<16xf32>
    %reduce_max3A_388 = vector.multi_reduction <maximumf>, %select_n3A_386, %reduce_max3A_387 [1] : vector<16x1024xf32> to vector<16xf32>
    %broadcast_in_dim3A_389 = vector.shape_cast %reduce_max3A_388 : vector<16xf32> to vector<16x1xf32>
    %eq3A_390 = arith.constant 34 : i32
    %eq3A_391 = vector.broadcast %eq3A_390 : i32 to vector<1x1024xi32>
    %eq3A_392 = arith.cmpi eq, %get3A_17, %eq3A_391 : vector<1x1024xi32>
    %jit3A_393 = arith.constant -3.000000e+38 : f32
    %broadcast_in_dim3A_394 = vector.shape_cast %eq3A_392 : vector<1x1024xi1> to vector<1x1024xi1>
    %broadcast_in_dim3A_395 = vector.broadcast %broadcast_in_dim3A_394 : vector<1x1024xi1> to vector<16x1024xi1>
    %broadcast_in_dim3A_396 = vector.broadcast %jit3A_393 : f32 to vector<16x1024xf32>
    %select_n3A_397 = arith.select %broadcast_in_dim3A_395, %transpose3A, %broadcast_in_dim3A_396 : vector<16x1024xi1>, vector<16x1024xf32>
    %reduce_max3A_398 = arith.constant dense<0xFF800000> : vector<16xf32>
    %reduce_max3A_399 = vector.multi_reduction <maximumf>, %select_n3A_397, %reduce_max3A_398 [1] : vector<16x1024xf32> to vector<16xf32>
    %broadcast_in_dim3A_400 = vector.shape_cast %reduce_max3A_399 : vector<16xf32> to vector<16x1xf32>
    %eq3A_401 = arith.constant 35 : i32
    %eq3A_402 = vector.broadcast %eq3A_401 : i32 to vector<1x1024xi32>
    %eq3A_403 = arith.cmpi eq, %get3A_17, %eq3A_402 : vector<1x1024xi32>
    %jit3A_404 = arith.constant -3.000000e+38 : f32
    %broadcast_in_dim3A_405 = vector.shape_cast %eq3A_403 : vector<1x1024xi1> to vector<1x1024xi1>
    %broadcast_in_dim3A_406 = vector.broadcast %broadcast_in_dim3A_405 : vector<1x1024xi1> to vector<16x1024xi1>
    %broadcast_in_dim3A_407 = vector.broadcast %jit3A_404 : f32 to vector<16x1024xf32>
    %select_n3A_408 = arith.select %broadcast_in_dim3A_406, %transpose3A, %broadcast_in_dim3A_407 : vector<16x1024xi1>, vector<16x1024xf32>
    %reduce_max3A_409 = arith.constant dense<0xFF800000> : vector<16xf32>
    %reduce_max3A_410 = vector.multi_reduction <maximumf>, %select_n3A_408, %reduce_max3A_409 [1] : vector<16x1024xf32> to vector<16xf32>
    %broadcast_in_dim3A_411 = vector.shape_cast %reduce_max3A_410 : vector<16xf32> to vector<16x1xf32>
    %eq3A_412 = arith.constant 36 : i32
    %eq3A_413 = vector.broadcast %eq3A_412 : i32 to vector<1x1024xi32>
    %eq3A_414 = arith.cmpi eq, %get3A_17, %eq3A_413 : vector<1x1024xi32>
    %jit3A_415 = arith.constant -3.000000e+38 : f32
    %broadcast_in_dim3A_416 = vector.shape_cast %eq3A_414 : vector<1x1024xi1> to vector<1x1024xi1>
    %broadcast_in_dim3A_417 = vector.broadcast %broadcast_in_dim3A_416 : vector<1x1024xi1> to vector<16x1024xi1>
    %broadcast_in_dim3A_418 = vector.broadcast %jit3A_415 : f32 to vector<16x1024xf32>
    %select_n3A_419 = arith.select %broadcast_in_dim3A_417, %transpose3A, %broadcast_in_dim3A_418 : vector<16x1024xi1>, vector<16x1024xf32>
    %reduce_max3A_420 = arith.constant dense<0xFF800000> : vector<16xf32>
    %reduce_max3A_421 = vector.multi_reduction <maximumf>, %select_n3A_419, %reduce_max3A_420 [1] : vector<16x1024xf32> to vector<16xf32>
    %broadcast_in_dim3A_422 = vector.shape_cast %reduce_max3A_421 : vector<16xf32> to vector<16x1xf32>
    %eq3A_423 = arith.constant 37 : i32
    %eq3A_424 = vector.broadcast %eq3A_423 : i32 to vector<1x1024xi32>
    %eq3A_425 = arith.cmpi eq, %get3A_17, %eq3A_424 : vector<1x1024xi32>
    %jit3A_426 = arith.constant -3.000000e+38 : f32
    %broadcast_in_dim3A_427 = vector.shape_cast %eq3A_425 : vector<1x1024xi1> to vector<1x1024xi1>
    %broadcast_in_dim3A_428 = vector.broadcast %broadcast_in_dim3A_427 : vector<1x1024xi1> to vector<16x1024xi1>
    %broadcast_in_dim3A_429 = vector.broadcast %jit3A_426 : f32 to vector<16x1024xf32>
    %select_n3A_430 = arith.select %broadcast_in_dim3A_428, %transpose3A, %broadcast_in_dim3A_429 : vector<16x1024xi1>, vector<16x1024xf32>
    %reduce_max3A_431 = arith.constant dense<0xFF800000> : vector<16xf32>
    %reduce_max3A_432 = vector.multi_reduction <maximumf>, %select_n3A_430, %reduce_max3A_431 [1] : vector<16x1024xf32> to vector<16xf32>
    %broadcast_in_dim3A_433 = vector.shape_cast %reduce_max3A_432 : vector<16xf32> to vector<16x1xf32>
    %eq3A_434 = arith.constant 38 : i32
    %eq3A_435 = vector.broadcast %eq3A_434 : i32 to vector<1x1024xi32>
    %eq3A_436 = arith.cmpi eq, %get3A_17, %eq3A_435 : vector<1x1024xi32>
    %jit3A_437 = arith.constant -3.000000e+38 : f32
    %broadcast_in_dim3A_438 = vector.shape_cast %eq3A_436 : vector<1x1024xi1> to vector<1x1024xi1>
    %broadcast_in_dim3A_439 = vector.broadcast %broadcast_in_dim3A_438 : vector<1x1024xi1> to vector<16x1024xi1>
    %broadcast_in_dim3A_440 = vector.broadcast %jit3A_437 : f32 to vector<16x1024xf32>
    %select_n3A_441 = arith.select %broadcast_in_dim3A_439, %transpose3A, %broadcast_in_dim3A_440 : vector<16x1024xi1>, vector<16x1024xf32>
    %reduce_max3A_442 = arith.constant dense<0xFF800000> : vector<16xf32>
    %reduce_max3A_443 = vector.multi_reduction <maximumf>, %select_n3A_441, %reduce_max3A_442 [1] : vector<16x1024xf32> to vector<16xf32>
    %broadcast_in_dim3A_444 = vector.shape_cast %reduce_max3A_443 : vector<16xf32> to vector<16x1xf32>
    %eq3A_445 = arith.constant 39 : i32
    %eq3A_446 = vector.broadcast %eq3A_445 : i32 to vector<1x1024xi32>
    %eq3A_447 = arith.cmpi eq, %get3A_17, %eq3A_446 : vector<1x1024xi32>
    %jit3A_448 = arith.constant -3.000000e+38 : f32
    %broadcast_in_dim3A_449 = vector.shape_cast %eq3A_447 : vector<1x1024xi1> to vector<1x1024xi1>
    %broadcast_in_dim3A_450 = vector.broadcast %broadcast_in_dim3A_449 : vector<1x1024xi1> to vector<16x1024xi1>
    %broadcast_in_dim3A_451 = vector.broadcast %jit3A_448 : f32 to vector<16x1024xf32>
    %select_n3A_452 = arith.select %broadcast_in_dim3A_450, %transpose3A, %broadcast_in_dim3A_451 : vector<16x1024xi1>, vector<16x1024xf32>
    %reduce_max3A_453 = arith.constant dense<0xFF800000> : vector<16xf32>
    %reduce_max3A_454 = vector.multi_reduction <maximumf>, %select_n3A_452, %reduce_max3A_453 [1] : vector<16x1024xf32> to vector<16xf32>
    %broadcast_in_dim3A_455 = vector.shape_cast %reduce_max3A_454 : vector<16xf32> to vector<16x1xf32>
    %eq3A_456 = arith.constant 40 : i32
    %eq3A_457 = vector.broadcast %eq3A_456 : i32 to vector<1x1024xi32>
    %eq3A_458 = arith.cmpi eq, %get3A_17, %eq3A_457 : vector<1x1024xi32>
    %jit3A_459 = arith.constant -3.000000e+38 : f32
    %broadcast_in_dim3A_460 = vector.shape_cast %eq3A_458 : vector<1x1024xi1> to vector<1x1024xi1>
    %broadcast_in_dim3A_461 = vector.broadcast %broadcast_in_dim3A_460 : vector<1x1024xi1> to vector<16x1024xi1>
    %broadcast_in_dim3A_462 = vector.broadcast %jit3A_459 : f32 to vector<16x1024xf32>
    %select_n3A_463 = arith.select %broadcast_in_dim3A_461, %transpose3A, %broadcast_in_dim3A_462 : vector<16x1024xi1>, vector<16x1024xf32>
    %reduce_max3A_464 = arith.constant dense<0xFF800000> : vector<16xf32>
    %reduce_max3A_465 = vector.multi_reduction <maximumf>, %select_n3A_463, %reduce_max3A_464 [1] : vector<16x1024xf32> to vector<16xf32>
    %broadcast_in_dim3A_466 = vector.shape_cast %reduce_max3A_465 : vector<16xf32> to vector<16x1xf32>
    %eq3A_467 = arith.constant 41 : i32
    %eq3A_468 = vector.broadcast %eq3A_467 : i32 to vector<1x1024xi32>
    %eq3A_469 = arith.cmpi eq, %get3A_17, %eq3A_468 : vector<1x1024xi32>
    %jit3A_470 = arith.constant -3.000000e+38 : f32
    %broadcast_in_dim3A_471 = vector.shape_cast %eq3A_469 : vector<1x1024xi1> to vector<1x1024xi1>
    %broadcast_in_dim3A_472 = vector.broadcast %broadcast_in_dim3A_471 : vector<1x1024xi1> to vector<16x1024xi1>
    %broadcast_in_dim3A_473 = vector.broadcast %jit3A_470 : f32 to vector<16x1024xf32>
    %select_n3A_474 = arith.select %broadcast_in_dim3A_472, %transpose3A, %broadcast_in_dim3A_473 : vector<16x1024xi1>, vector<16x1024xf32>
    %reduce_max3A_475 = arith.constant dense<0xFF800000> : vector<16xf32>
    %reduce_max3A_476 = vector.multi_reduction <maximumf>, %select_n3A_474, %reduce_max3A_475 [1] : vector<16x1024xf32> to vector<16xf32>
    %broadcast_in_dim3A_477 = vector.shape_cast %reduce_max3A_476 : vector<16xf32> to vector<16x1xf32>
    %eq3A_478 = arith.constant 42 : i32
    %eq3A_479 = vector.broadcast %eq3A_478 : i32 to vector<1x1024xi32>
    %eq3A_480 = arith.cmpi eq, %get3A_17, %eq3A_479 : vector<1x1024xi32>
    %jit3A_481 = arith.constant -3.000000e+38 : f32
    %broadcast_in_dim3A_482 = vector.shape_cast %eq3A_480 : vector<1x1024xi1> to vector<1x1024xi1>
    %broadcast_in_dim3A_483 = vector.broadcast %broadcast_in_dim3A_482 : vector<1x1024xi1> to vector<16x1024xi1>
    %broadcast_in_dim3A_484 = vector.broadcast %jit3A_481 : f32 to vector<16x1024xf32>
    %select_n3A_485 = arith.select %broadcast_in_dim3A_483, %transpose3A, %broadcast_in_dim3A_484 : vector<16x1024xi1>, vector<16x1024xf32>
    %reduce_max3A_486 = arith.constant dense<0xFF800000> : vector<16xf32>
    %reduce_max3A_487 = vector.multi_reduction <maximumf>, %select_n3A_485, %reduce_max3A_486 [1] : vector<16x1024xf32> to vector<16xf32>
    %broadcast_in_dim3A_488 = vector.shape_cast %reduce_max3A_487 : vector<16xf32> to vector<16x1xf32>
    %eq3A_489 = arith.constant 43 : i32
    %eq3A_490 = vector.broadcast %eq3A_489 : i32 to vector<1x1024xi32>
    %eq3A_491 = arith.cmpi eq, %get3A_17, %eq3A_490 : vector<1x1024xi32>
    %jit3A_492 = arith.constant -3.000000e+38 : f32
    %broadcast_in_dim3A_493 = vector.shape_cast %eq3A_491 : vector<1x1024xi1> to vector<1x1024xi1>
    %broadcast_in_dim3A_494 = vector.broadcast %broadcast_in_dim3A_493 : vector<1x1024xi1> to vector<16x1024xi1>
    %broadcast_in_dim3A_495 = vector.broadcast %jit3A_492 : f32 to vector<16x1024xf32>
    %select_n3A_496 = arith.select %broadcast_in_dim3A_494, %transpose3A, %broadcast_in_dim3A_495 : vector<16x1024xi1>, vector<16x1024xf32>
    %reduce_max3A_497 = arith.constant dense<0xFF800000> : vector<16xf32>
    %reduce_max3A_498 = vector.multi_reduction <maximumf>, %select_n3A_496, %reduce_max3A_497 [1] : vector<16x1024xf32> to vector<16xf32>
    %broadcast_in_dim3A_499 = vector.shape_cast %reduce_max3A_498 : vector<16xf32> to vector<16x1xf32>
    %eq3A_500 = arith.constant 44 : i32
    %eq3A_501 = vector.broadcast %eq3A_500 : i32 to vector<1x1024xi32>
    %eq3A_502 = arith.cmpi eq, %get3A_17, %eq3A_501 : vector<1x1024xi32>
    %jit3A_503 = arith.constant -3.000000e+38 : f32
    %broadcast_in_dim3A_504 = vector.shape_cast %eq3A_502 : vector<1x1024xi1> to vector<1x1024xi1>
    %broadcast_in_dim3A_505 = vector.broadcast %broadcast_in_dim3A_504 : vector<1x1024xi1> to vector<16x1024xi1>
    %broadcast_in_dim3A_506 = vector.broadcast %jit3A_503 : f32 to vector<16x1024xf32>
    %select_n3A_507 = arith.select %broadcast_in_dim3A_505, %transpose3A, %broadcast_in_dim3A_506 : vector<16x1024xi1>, vector<16x1024xf32>
    %reduce_max3A_508 = arith.constant dense<0xFF800000> : vector<16xf32>
    %reduce_max3A_509 = vector.multi_reduction <maximumf>, %select_n3A_507, %reduce_max3A_508 [1] : vector<16x1024xf32> to vector<16xf32>
    %broadcast_in_dim3A_510 = vector.shape_cast %reduce_max3A_509 : vector<16xf32> to vector<16x1xf32>
    %eq3A_511 = arith.constant 45 : i32
    %eq3A_512 = vector.broadcast %eq3A_511 : i32 to vector<1x1024xi32>
    %eq3A_513 = arith.cmpi eq, %get3A_17, %eq3A_512 : vector<1x1024xi32>
    %jit3A_514 = arith.constant -3.000000e+38 : f32
    %broadcast_in_dim3A_515 = vector.shape_cast %eq3A_513 : vector<1x1024xi1> to vector<1x1024xi1>
    %broadcast_in_dim3A_516 = vector.broadcast %broadcast_in_dim3A_515 : vector<1x1024xi1> to vector<16x1024xi1>
    %broadcast_in_dim3A_517 = vector.broadcast %jit3A_514 : f32 to vector<16x1024xf32>
    %select_n3A_518 = arith.select %broadcast_in_dim3A_516, %transpose3A, %broadcast_in_dim3A_517 : vector<16x1024xi1>, vector<16x1024xf32>
    %reduce_max3A_519 = arith.constant dense<0xFF800000> : vector<16xf32>
    %reduce_max3A_520 = vector.multi_reduction <maximumf>, %select_n3A_518, %reduce_max3A_519 [1] : vector<16x1024xf32> to vector<16xf32>
    %broadcast_in_dim3A_521 = vector.shape_cast %reduce_max3A_520 : vector<16xf32> to vector<16x1xf32>
    %eq3A_522 = arith.constant 46 : i32
    %eq3A_523 = vector.broadcast %eq3A_522 : i32 to vector<1x1024xi32>
    %eq3A_524 = arith.cmpi eq, %get3A_17, %eq3A_523 : vector<1x1024xi32>
    %jit3A_525 = arith.constant -3.000000e+38 : f32
    %broadcast_in_dim3A_526 = vector.shape_cast %eq3A_524 : vector<1x1024xi1> to vector<1x1024xi1>
    %broadcast_in_dim3A_527 = vector.broadcast %broadcast_in_dim3A_526 : vector<1x1024xi1> to vector<16x1024xi1>
    %broadcast_in_dim3A_528 = vector.broadcast %jit3A_525 : f32 to vector<16x1024xf32>
    %select_n3A_529 = arith.select %broadcast_in_dim3A_527, %transpose3A, %broadcast_in_dim3A_528 : vector<16x1024xi1>, vector<16x1024xf32>
    %reduce_max3A_530 = arith.constant dense<0xFF800000> : vector<16xf32>
    %reduce_max3A_531 = vector.multi_reduction <maximumf>, %select_n3A_529, %reduce_max3A_530 [1] : vector<16x1024xf32> to vector<16xf32>
    %broadcast_in_dim3A_532 = vector.shape_cast %reduce_max3A_531 : vector<16xf32> to vector<16x1xf32>
    %eq3A_533 = arith.constant 47 : i32
    %eq3A_534 = vector.broadcast %eq3A_533 : i32 to vector<1x1024xi32>
    %eq3A_535 = arith.cmpi eq, %get3A_17, %eq3A_534 : vector<1x1024xi32>
    %jit3A_536 = arith.constant -3.000000e+38 : f32
    %broadcast_in_dim3A_537 = vector.shape_cast %eq3A_535 : vector<1x1024xi1> to vector<1x1024xi1>
    %broadcast_in_dim3A_538 = vector.broadcast %broadcast_in_dim3A_537 : vector<1x1024xi1> to vector<16x1024xi1>
    %broadcast_in_dim3A_539 = vector.broadcast %jit3A_536 : f32 to vector<16x1024xf32>
    %select_n3A_540 = arith.select %broadcast_in_dim3A_538, %transpose3A, %broadcast_in_dim3A_539 : vector<16x1024xi1>, vector<16x1024xf32>
    %reduce_max3A_541 = arith.constant dense<0xFF800000> : vector<16xf32>
    %reduce_max3A_542 = vector.multi_reduction <maximumf>, %select_n3A_540, %reduce_max3A_541 [1] : vector<16x1024xf32> to vector<16xf32>
    %broadcast_in_dim3A_543 = vector.shape_cast %reduce_max3A_542 : vector<16xf32> to vector<16x1xf32>
    %eq3A_544 = arith.constant 48 : i32
    %eq3A_545 = vector.broadcast %eq3A_544 : i32 to vector<1x1024xi32>
    %eq3A_546 = arith.cmpi eq, %get3A_17, %eq3A_545 : vector<1x1024xi32>
    %jit3A_547 = arith.constant -3.000000e+38 : f32
    %broadcast_in_dim3A_548 = vector.shape_cast %eq3A_546 : vector<1x1024xi1> to vector<1x1024xi1>
    %broadcast_in_dim3A_549 = vector.broadcast %broadcast_in_dim3A_548 : vector<1x1024xi1> to vector<16x1024xi1>
    %broadcast_in_dim3A_550 = vector.broadcast %jit3A_547 : f32 to vector<16x1024xf32>
    %select_n3A_551 = arith.select %broadcast_in_dim3A_549, %transpose3A, %broadcast_in_dim3A_550 : vector<16x1024xi1>, vector<16x1024xf32>
    %reduce_max3A_552 = arith.constant dense<0xFF800000> : vector<16xf32>
    %reduce_max3A_553 = vector.multi_reduction <maximumf>, %select_n3A_551, %reduce_max3A_552 [1] : vector<16x1024xf32> to vector<16xf32>
    %broadcast_in_dim3A_554 = vector.shape_cast %reduce_max3A_553 : vector<16xf32> to vector<16x1xf32>
    %eq3A_555 = arith.constant 49 : i32
    %eq3A_556 = vector.broadcast %eq3A_555 : i32 to vector<1x1024xi32>
    %eq3A_557 = arith.cmpi eq, %get3A_17, %eq3A_556 : vector<1x1024xi32>
    %jit3A_558 = arith.constant -3.000000e+38 : f32
    %broadcast_in_dim3A_559 = vector.shape_cast %eq3A_557 : vector<1x1024xi1> to vector<1x1024xi1>
    %broadcast_in_dim3A_560 = vector.broadcast %broadcast_in_dim3A_559 : vector<1x1024xi1> to vector<16x1024xi1>
    %broadcast_in_dim3A_561 = vector.broadcast %jit3A_558 : f32 to vector<16x1024xf32>
    %select_n3A_562 = arith.select %broadcast_in_dim3A_560, %transpose3A, %broadcast_in_dim3A_561 : vector<16x1024xi1>, vector<16x1024xf32>
    %reduce_max3A_563 = arith.constant dense<0xFF800000> : vector<16xf32>
    %reduce_max3A_564 = vector.multi_reduction <maximumf>, %select_n3A_562, %reduce_max3A_563 [1] : vector<16x1024xf32> to vector<16xf32>
    %broadcast_in_dim3A_565 = vector.shape_cast %reduce_max3A_564 : vector<16xf32> to vector<16x1xf32>
    %eq3A_566 = arith.constant 50 : i32
    %eq3A_567 = vector.broadcast %eq3A_566 : i32 to vector<1x1024xi32>
    %eq3A_568 = arith.cmpi eq, %get3A_17, %eq3A_567 : vector<1x1024xi32>
    %jit3A_569 = arith.constant -3.000000e+38 : f32
    %broadcast_in_dim3A_570 = vector.shape_cast %eq3A_568 : vector<1x1024xi1> to vector<1x1024xi1>
    %broadcast_in_dim3A_571 = vector.broadcast %broadcast_in_dim3A_570 : vector<1x1024xi1> to vector<16x1024xi1>
    %broadcast_in_dim3A_572 = vector.broadcast %jit3A_569 : f32 to vector<16x1024xf32>
    %select_n3A_573 = arith.select %broadcast_in_dim3A_571, %transpose3A, %broadcast_in_dim3A_572 : vector<16x1024xi1>, vector<16x1024xf32>
    %reduce_max3A_574 = arith.constant dense<0xFF800000> : vector<16xf32>
    %reduce_max3A_575 = vector.multi_reduction <maximumf>, %select_n3A_573, %reduce_max3A_574 [1] : vector<16x1024xf32> to vector<16xf32>
    %broadcast_in_dim3A_576 = vector.shape_cast %reduce_max3A_575 : vector<16xf32> to vector<16x1xf32>
    %eq3A_577 = arith.constant 51 : i32
    %eq3A_578 = vector.broadcast %eq3A_577 : i32 to vector<1x1024xi32>
    %eq3A_579 = arith.cmpi eq, %get3A_17, %eq3A_578 : vector<1x1024xi32>
    %jit3A_580 = arith.constant -3.000000e+38 : f32
    %broadcast_in_dim3A_581 = vector.shape_cast %eq3A_579 : vector<1x1024xi1> to vector<1x1024xi1>
    %broadcast_in_dim3A_582 = vector.broadcast %broadcast_in_dim3A_581 : vector<1x1024xi1> to vector<16x1024xi1>
    %broadcast_in_dim3A_583 = vector.broadcast %jit3A_580 : f32 to vector<16x1024xf32>
    %select_n3A_584 = arith.select %broadcast_in_dim3A_582, %transpose3A, %broadcast_in_dim3A_583 : vector<16x1024xi1>, vector<16x1024xf32>
    %reduce_max3A_585 = arith.constant dense<0xFF800000> : vector<16xf32>
    %reduce_max3A_586 = vector.multi_reduction <maximumf>, %select_n3A_584, %reduce_max3A_585 [1] : vector<16x1024xf32> to vector<16xf32>
    %broadcast_in_dim3A_587 = vector.shape_cast %reduce_max3A_586 : vector<16xf32> to vector<16x1xf32>
    %eq3A_588 = arith.constant 52 : i32
    %eq3A_589 = vector.broadcast %eq3A_588 : i32 to vector<1x1024xi32>
    %eq3A_590 = arith.cmpi eq, %get3A_17, %eq3A_589 : vector<1x1024xi32>
    %jit3A_591 = arith.constant -3.000000e+38 : f32
    %broadcast_in_dim3A_592 = vector.shape_cast %eq3A_590 : vector<1x1024xi1> to vector<1x1024xi1>
    %broadcast_in_dim3A_593 = vector.broadcast %broadcast_in_dim3A_592 : vector<1x1024xi1> to vector<16x1024xi1>
    %broadcast_in_dim3A_594 = vector.broadcast %jit3A_591 : f32 to vector<16x1024xf32>
    %select_n3A_595 = arith.select %broadcast_in_dim3A_593, %transpose3A, %broadcast_in_dim3A_594 : vector<16x1024xi1>, vector<16x1024xf32>
    %reduce_max3A_596 = arith.constant dense<0xFF800000> : vector<16xf32>
    %reduce_max3A_597 = vector.multi_reduction <maximumf>, %select_n3A_595, %reduce_max3A_596 [1] : vector<16x1024xf32> to vector<16xf32>
    %broadcast_in_dim3A_598 = vector.shape_cast %reduce_max3A_597 : vector<16xf32> to vector<16x1xf32>
    %eq3A_599 = arith.constant 53 : i32
    %eq3A_600 = vector.broadcast %eq3A_599 : i32 to vector<1x1024xi32>
    %eq3A_601 = arith.cmpi eq, %get3A_17, %eq3A_600 : vector<1x1024xi32>
    %jit3A_602 = arith.constant -3.000000e+38 : f32
    %broadcast_in_dim3A_603 = vector.shape_cast %eq3A_601 : vector<1x1024xi1> to vector<1x1024xi1>
    %broadcast_in_dim3A_604 = vector.broadcast %broadcast_in_dim3A_603 : vector<1x1024xi1> to vector<16x1024xi1>
    %broadcast_in_dim3A_605 = vector.broadcast %jit3A_602 : f32 to vector<16x1024xf32>
    %select_n3A_606 = arith.select %broadcast_in_dim3A_604, %transpose3A, %broadcast_in_dim3A_605 : vector<16x1024xi1>, vector<16x1024xf32>
    %reduce_max3A_607 = arith.constant dense<0xFF800000> : vector<16xf32>
    %reduce_max3A_608 = vector.multi_reduction <maximumf>, %select_n3A_606, %reduce_max3A_607 [1] : vector<16x1024xf32> to vector<16xf32>
    %broadcast_in_dim3A_609 = vector.shape_cast %reduce_max3A_608 : vector<16xf32> to vector<16x1xf32>
    %eq3A_610 = arith.constant 54 : i32
    %eq3A_611 = vector.broadcast %eq3A_610 : i32 to vector<1x1024xi32>
    %eq3A_612 = arith.cmpi eq, %get3A_17, %eq3A_611 : vector<1x1024xi32>
    %jit3A_613 = arith.constant -3.000000e+38 : f32
    %broadcast_in_dim3A_614 = vector.shape_cast %eq3A_612 : vector<1x1024xi1> to vector<1x1024xi1>
    %broadcast_in_dim3A_615 = vector.broadcast %broadcast_in_dim3A_614 : vector<1x1024xi1> to vector<16x1024xi1>
    %broadcast_in_dim3A_616 = vector.broadcast %jit3A_613 : f32 to vector<16x1024xf32>
    %select_n3A_617 = arith.select %broadcast_in_dim3A_615, %transpose3A, %broadcast_in_dim3A_616 : vector<16x1024xi1>, vector<16x1024xf32>
    %reduce_max3A_618 = arith.constant dense<0xFF800000> : vector<16xf32>
    %reduce_max3A_619 = vector.multi_reduction <maximumf>, %select_n3A_617, %reduce_max3A_618 [1] : vector<16x1024xf32> to vector<16xf32>
    %broadcast_in_dim3A_620 = vector.shape_cast %reduce_max3A_619 : vector<16xf32> to vector<16x1xf32>
    %eq3A_621 = arith.constant 55 : i32
    %eq3A_622 = vector.broadcast %eq3A_621 : i32 to vector<1x1024xi32>
    %eq3A_623 = arith.cmpi eq, %get3A_17, %eq3A_622 : vector<1x1024xi32>
    %jit3A_624 = arith.constant -3.000000e+38 : f32
    %broadcast_in_dim3A_625 = vector.shape_cast %eq3A_623 : vector<1x1024xi1> to vector<1x1024xi1>
    %broadcast_in_dim3A_626 = vector.broadcast %broadcast_in_dim3A_625 : vector<1x1024xi1> to vector<16x1024xi1>
    %broadcast_in_dim3A_627 = vector.broadcast %jit3A_624 : f32 to vector<16x1024xf32>
    %select_n3A_628 = arith.select %broadcast_in_dim3A_626, %transpose3A, %broadcast_in_dim3A_627 : vector<16x1024xi1>, vector<16x1024xf32>
    %reduce_max3A_629 = arith.constant dense<0xFF800000> : vector<16xf32>
    %reduce_max3A_630 = vector.multi_reduction <maximumf>, %select_n3A_628, %reduce_max3A_629 [1] : vector<16x1024xf32> to vector<16xf32>
    %broadcast_in_dim3A_631 = vector.shape_cast %reduce_max3A_630 : vector<16xf32> to vector<16x1xf32>
    %eq3A_632 = arith.constant 56 : i32
    %eq3A_633 = vector.broadcast %eq3A_632 : i32 to vector<1x1024xi32>
    %eq3A_634 = arith.cmpi eq, %get3A_17, %eq3A_633 : vector<1x1024xi32>
    %jit3A_635 = arith.constant -3.000000e+38 : f32
    %broadcast_in_dim3A_636 = vector.shape_cast %eq3A_634 : vector<1x1024xi1> to vector<1x1024xi1>
    %broadcast_in_dim3A_637 = vector.broadcast %broadcast_in_dim3A_636 : vector<1x1024xi1> to vector<16x1024xi1>
    %broadcast_in_dim3A_638 = vector.broadcast %jit3A_635 : f32 to vector<16x1024xf32>
    %select_n3A_639 = arith.select %broadcast_in_dim3A_637, %transpose3A, %broadcast_in_dim3A_638 : vector<16x1024xi1>, vector<16x1024xf32>
    %reduce_max3A_640 = arith.constant dense<0xFF800000> : vector<16xf32>
    %reduce_max3A_641 = vector.multi_reduction <maximumf>, %select_n3A_639, %reduce_max3A_640 [1] : vector<16x1024xf32> to vector<16xf32>
    %broadcast_in_dim3A_642 = vector.shape_cast %reduce_max3A_641 : vector<16xf32> to vector<16x1xf32>
    %eq3A_643 = arith.constant 57 : i32
    %eq3A_644 = vector.broadcast %eq3A_643 : i32 to vector<1x1024xi32>
    %eq3A_645 = arith.cmpi eq, %get3A_17, %eq3A_644 : vector<1x1024xi32>
    %jit3A_646 = arith.constant -3.000000e+38 : f32
    %broadcast_in_dim3A_647 = vector.shape_cast %eq3A_645 : vector<1x1024xi1> to vector<1x1024xi1>
    %broadcast_in_dim3A_648 = vector.broadcast %broadcast_in_dim3A_647 : vector<1x1024xi1> to vector<16x1024xi1>
    %broadcast_in_dim3A_649 = vector.broadcast %jit3A_646 : f32 to vector<16x1024xf32>
    %select_n3A_650 = arith.select %broadcast_in_dim3A_648, %transpose3A, %broadcast_in_dim3A_649 : vector<16x1024xi1>, vector<16x1024xf32>
    %reduce_max3A_651 = arith.constant dense<0xFF800000> : vector<16xf32>
    %reduce_max3A_652 = vector.multi_reduction <maximumf>, %select_n3A_650, %reduce_max3A_651 [1] : vector<16x1024xf32> to vector<16xf32>
    %broadcast_in_dim3A_653 = vector.shape_cast %reduce_max3A_652 : vector<16xf32> to vector<16x1xf32>
    %eq3A_654 = arith.constant 58 : i32
    %eq3A_655 = vector.broadcast %eq3A_654 : i32 to vector<1x1024xi32>
    %eq3A_656 = arith.cmpi eq, %get3A_17, %eq3A_655 : vector<1x1024xi32>
    %jit3A_657 = arith.constant -3.000000e+38 : f32
    %broadcast_in_dim3A_658 = vector.shape_cast %eq3A_656 : vector<1x1024xi1> to vector<1x1024xi1>
    %broadcast_in_dim3A_659 = vector.broadcast %broadcast_in_dim3A_658 : vector<1x1024xi1> to vector<16x1024xi1>
    %broadcast_in_dim3A_660 = vector.broadcast %jit3A_657 : f32 to vector<16x1024xf32>
    %select_n3A_661 = arith.select %broadcast_in_dim3A_659, %transpose3A, %broadcast_in_dim3A_660 : vector<16x1024xi1>, vector<16x1024xf32>
    %reduce_max3A_662 = arith.constant dense<0xFF800000> : vector<16xf32>
    %reduce_max3A_663 = vector.multi_reduction <maximumf>, %select_n3A_661, %reduce_max3A_662 [1] : vector<16x1024xf32> to vector<16xf32>
    %broadcast_in_dim3A_664 = vector.shape_cast %reduce_max3A_663 : vector<16xf32> to vector<16x1xf32>
    %eq3A_665 = arith.constant 59 : i32
    %eq3A_666 = vector.broadcast %eq3A_665 : i32 to vector<1x1024xi32>
    %eq3A_667 = arith.cmpi eq, %get3A_17, %eq3A_666 : vector<1x1024xi32>
    %jit3A_668 = arith.constant -3.000000e+38 : f32
    %broadcast_in_dim3A_669 = vector.shape_cast %eq3A_667 : vector<1x1024xi1> to vector<1x1024xi1>
    %broadcast_in_dim3A_670 = vector.broadcast %broadcast_in_dim3A_669 : vector<1x1024xi1> to vector<16x1024xi1>
    %broadcast_in_dim3A_671 = vector.broadcast %jit3A_668 : f32 to vector<16x1024xf32>
    %select_n3A_672 = arith.select %broadcast_in_dim3A_670, %transpose3A, %broadcast_in_dim3A_671 : vector<16x1024xi1>, vector<16x1024xf32>
    %reduce_max3A_673 = arith.constant dense<0xFF800000> : vector<16xf32>
    %reduce_max3A_674 = vector.multi_reduction <maximumf>, %select_n3A_672, %reduce_max3A_673 [1] : vector<16x1024xf32> to vector<16xf32>
    %broadcast_in_dim3A_675 = vector.shape_cast %reduce_max3A_674 : vector<16xf32> to vector<16x1xf32>
    %eq3A_676 = arith.constant 60 : i32
    %eq3A_677 = vector.broadcast %eq3A_676 : i32 to vector<1x1024xi32>
    %eq3A_678 = arith.cmpi eq, %get3A_17, %eq3A_677 : vector<1x1024xi32>
    %jit3A_679 = arith.constant -3.000000e+38 : f32
    %broadcast_in_dim3A_680 = vector.shape_cast %eq3A_678 : vector<1x1024xi1> to vector<1x1024xi1>
    %broadcast_in_dim3A_681 = vector.broadcast %broadcast_in_dim3A_680 : vector<1x1024xi1> to vector<16x1024xi1>
    %broadcast_in_dim3A_682 = vector.broadcast %jit3A_679 : f32 to vector<16x1024xf32>
    %select_n3A_683 = arith.select %broadcast_in_dim3A_681, %transpose3A, %broadcast_in_dim3A_682 : vector<16x1024xi1>, vector<16x1024xf32>
    %reduce_max3A_684 = arith.constant dense<0xFF800000> : vector<16xf32>
    %reduce_max3A_685 = vector.multi_reduction <maximumf>, %select_n3A_683, %reduce_max3A_684 [1] : vector<16x1024xf32> to vector<16xf32>
    %broadcast_in_dim3A_686 = vector.shape_cast %reduce_max3A_685 : vector<16xf32> to vector<16x1xf32>
    %eq3A_687 = arith.constant 61 : i32
    %eq3A_688 = vector.broadcast %eq3A_687 : i32 to vector<1x1024xi32>
    %eq3A_689 = arith.cmpi eq, %get3A_17, %eq3A_688 : vector<1x1024xi32>
    %jit3A_690 = arith.constant -3.000000e+38 : f32
    %broadcast_in_dim3A_691 = vector.shape_cast %eq3A_689 : vector<1x1024xi1> to vector<1x1024xi1>
    %broadcast_in_dim3A_692 = vector.broadcast %broadcast_in_dim3A_691 : vector<1x1024xi1> to vector<16x1024xi1>
    %broadcast_in_dim3A_693 = vector.broadcast %jit3A_690 : f32 to vector<16x1024xf32>
    %select_n3A_694 = arith.select %broadcast_in_dim3A_692, %transpose3A, %broadcast_in_dim3A_693 : vector<16x1024xi1>, vector<16x1024xf32>
    %reduce_max3A_695 = arith.constant dense<0xFF800000> : vector<16xf32>
    %reduce_max3A_696 = vector.multi_reduction <maximumf>, %select_n3A_694, %reduce_max3A_695 [1] : vector<16x1024xf32> to vector<16xf32>
    %broadcast_in_dim3A_697 = vector.shape_cast %reduce_max3A_696 : vector<16xf32> to vector<16x1xf32>
    %eq3A_698 = arith.constant 62 : i32
    %eq3A_699 = vector.broadcast %eq3A_698 : i32 to vector<1x1024xi32>
    %eq3A_700 = arith.cmpi eq, %get3A_17, %eq3A_699 : vector<1x1024xi32>
    %jit3A_701 = arith.constant -3.000000e+38 : f32
    %broadcast_in_dim3A_702 = vector.shape_cast %eq3A_700 : vector<1x1024xi1> to vector<1x1024xi1>
    %broadcast_in_dim3A_703 = vector.broadcast %broadcast_in_dim3A_702 : vector<1x1024xi1> to vector<16x1024xi1>
    %broadcast_in_dim3A_704 = vector.broadcast %jit3A_701 : f32 to vector<16x1024xf32>
    %select_n3A_705 = arith.select %broadcast_in_dim3A_703, %transpose3A, %broadcast_in_dim3A_704 : vector<16x1024xi1>, vector<16x1024xf32>
    %reduce_max3A_706 = arith.constant dense<0xFF800000> : vector<16xf32>
    %reduce_max3A_707 = vector.multi_reduction <maximumf>, %select_n3A_705, %reduce_max3A_706 [1] : vector<16x1024xf32> to vector<16xf32>
    %broadcast_in_dim3A_708 = vector.shape_cast %reduce_max3A_707 : vector<16xf32> to vector<16x1xf32>
    %eq3A_709 = arith.constant 63 : i32
    %eq3A_710 = vector.broadcast %eq3A_709 : i32 to vector<1x1024xi32>
    %eq3A_711 = arith.cmpi eq, %get3A_17, %eq3A_710 : vector<1x1024xi32>
    %jit3A_712 = arith.constant -3.000000e+38 : f32
    %broadcast_in_dim3A_713 = vector.shape_cast %eq3A_711 : vector<1x1024xi1> to vector<1x1024xi1>
    %broadcast_in_dim3A_714 = vector.broadcast %broadcast_in_dim3A_713 : vector<1x1024xi1> to vector<16x1024xi1>
    %broadcast_in_dim3A_715 = vector.broadcast %jit3A_712 : f32 to vector<16x1024xf32>
    %select_n3A_716 = arith.select %broadcast_in_dim3A_714, %transpose3A, %broadcast_in_dim3A_715 : vector<16x1024xi1>, vector<16x1024xf32>
    %reduce_max3A_717 = arith.constant dense<0xFF800000> : vector<16xf32>
    %reduce_max3A_718 = vector.multi_reduction <maximumf>, %select_n3A_716, %reduce_max3A_717 [1] : vector<16x1024xf32> to vector<16xf32>
    %broadcast_in_dim3A_719 = vector.shape_cast %reduce_max3A_718 : vector<16xf32> to vector<16x1xf32>
    %concatenate3A = tpu.concatenate %broadcast_in_dim3A_26, %broadcast_in_dim3A_37, %broadcast_in_dim3A_48, %broadcast_in_dim3A_59, %broadcast_in_dim3A_70, %broadcast_in_dim3A_81, %broadcast_in_dim3A_92, %broadcast_in_dim3A_103, %broadcast_in_dim3A_114, %broadcast_in_dim3A_125, %broadcast_in_dim3A_136, %broadcast_in_dim3A_147, %broadcast_in_dim3A_158, %broadcast_in_dim3A_169, %broadcast_in_dim3A_180, %broadcast_in_dim3A_191, %broadcast_in_dim3A_202, %broadcast_in_dim3A_213, %broadcast_in_dim3A_224, %broadcast_in_dim3A_235, %broadcast_in_dim3A_246, %broadcast_in_dim3A_257, %broadcast_in_dim3A_268, %broadcast_in_dim3A_279, %broadcast_in_dim3A_290, %broadcast_in_dim3A_301, %broadcast_in_dim3A_312, %broadcast_in_dim3A_323, %broadcast_in_dim3A_334, %broadcast_in_dim3A_345, %broadcast_in_dim3A_356, %broadcast_in_dim3A_367, %broadcast_in_dim3A_378, %broadcast_in_dim3A_389, %broadcast_in_dim3A_400, %broadcast_in_dim3A_411, %broadcast_in_dim3A_422, %broadcast_in_dim3A_433, %broadcast_in_dim3A_444, %broadcast_in_dim3A_455, %broadcast_in_dim3A_466, %broadcast_in_dim3A_477, %broadcast_in_dim3A_488, %broadcast_in_dim3A_499, %broadcast_in_dim3A_510, %broadcast_in_dim3A_521, %broadcast_in_dim3A_532, %broadcast_in_dim3A_543, %broadcast_in_dim3A_554, %broadcast_in_dim3A_565, %broadcast_in_dim3A_576, %broadcast_in_dim3A_587, %broadcast_in_dim3A_598, %broadcast_in_dim3A_609, %broadcast_in_dim3A_620, %broadcast_in_dim3A_631, %broadcast_in_dim3A_642, %broadcast_in_dim3A_653, %broadcast_in_dim3A_664, %broadcast_in_dim3A_675, %broadcast_in_dim3A_686, %broadcast_in_dim3A_697, %broadcast_in_dim3A_708, %broadcast_in_dim3A_719 in 1 : vector<16x1xf32>, vector<16x1xf32>, vector<16x1xf32>, vector<16x1xf32>, vector<16x1xf32>, vector<16x1xf32>, vector<16x1xf32>, vector<16x1xf32>, vector<16x1xf32>, vector<16x1xf32>, vector<16x1xf32>, vector<16x1xf32>, vector<16x1xf32>, vector<16x1xf32>, vector<16x1xf32>, vector<16x1xf32>, vector<16x1xf32>, vector<16x1xf32>, vector<16x1xf32>, vector<16x1xf32>, vector<16x1xf32>, vector<16x1xf32>, vector<16x1xf32>, vector<16x1xf32>, vector<16x1xf32>, vector<16x1xf32>, vector<16x1xf32>, vector<16x1xf32>, vector<16x1xf32>, vector<16x1xf32>, vector<16x1xf32>, vector<16x1xf32>, vector<16x1xf32>, vector<16x1xf32>, vector<16x1xf32>, vector<16x1xf32>, vector<16x1xf32>, vector<16x1xf32>, vector<16x1xf32>, vector<16x1xf32>, vector<16x1xf32>, vector<16x1xf32>, vector<16x1xf32>, vector<16x1xf32>, vector<16x1xf32>, vector<16x1xf32>, vector<16x1xf32>, vector<16x1xf32>, vector<16x1xf32>, vector<16x1xf32>, vector<16x1xf32>, vector<16x1xf32>, vector<16x1xf32>, vector<16x1xf32>, vector<16x1xf32>, vector<16x1xf32>, vector<16x1xf32>, vector<16x1xf32>, vector<16x1xf32>, vector<16x1xf32>, vector<16x1xf32>, vector<16x1xf32>, vector<16x1xf32>, vector<16x1xf32> -> vector<16x64xf32>
    %get3A_720 = arith.constant 0 : index
    %get3A_721 = arith.constant 0 : index
    %get3A_722 = vector.load %arg13[%get3A_720, %get3A_721] : memref<16x64xf32, #tpu.memory_space<vmem>>, vector<16x64xf32>
    %max3A_723 = arith.maximumf %get3A_722, %concatenate3A : vector<16x64xf32>
    %swap3A = arith.constant 0 : index
    %swap3A_724 = arith.constant 0 : index
    %swap3A_725 = vector.load %arg13[%swap3A, %swap3A_724] : memref<16x64xf32, #tpu.memory_space<vmem>>, vector<16x64xf32>
    tpu.vector_store %arg13[%swap3A, %swap3A_724], %max3A_723 {strides = array<i32>} : memref<16x64xf32, #tpu.memory_space<vmem>>, vector<16x64xf32>,
    %eq3A_726 = arith.constant 9 : i32
    %eq3A_727 = arith.cmpi eq, %arg0, %eq3A_726 : i32
    %convert_element_type3A_728 = arith.extui %eq3A_727 : i1 to i32
    %cond3A_729 = arith.constant 0 : i32
    %cond3A_730 = arith.cmpi ne, %convert_element_type3A_728, %cond3A_729 : i32
    scf.if %cond3A_730 {
      %get3A_731 = arith.constant 0 : index
      %get3A_732 = arith.constant 0 : index
      %get3A_733 = vector.load %arg13[%get3A_731, %get3A_732] : memref<16x64xf32, #tpu.memory_space<vmem>>, vector<16x64xf32>
      %transpose3A_734 = tpu.transpose %get3A_733, [1, 0] : vector<16x64xf32> -> vector<64x16xf32>
      %get3A_735 = arith.constant 0 : index
      %get3A_736 = arith.constant 0 : index
      %get3A_737 = vector.load %arg6[%get3A_735, %get3A_736] : memref<16x32xf32, #tpu.memory_space<vmem>>, vector<16x32xf32>
      %dot_general3A = arith.constant dense<0.000000e+00> : vector<64x32xf32>
      %dot_general3A_738 = tpu.matmul %transpose3A_734, %get3A_737, %dot_general3A {dimension_numbers = #tpu.dot_dimension_numbers<[1], [0], [0], [1], [0, 0, 1, 1], [], []>, transpose_lhs_hint = false} : vector<64x16xf32>, vector<16x32xf32>, vector<64x32xf32> -> vector<64x32xf32>
      %get3A_739 = arith.constant 0 : index
      %get3A_740 = arith.constant 0 : index
      %get3A_741 = vector.load %arg7[%get3A_739, %get3A_740] : memref<1x32xf32, #tpu.memory_space<vmem>>, vector<1x32xf32>
      %add3A_742 = vector.broadcast %get3A_741 : vector<1x32xf32> to vector<64x32xf32>
      %add3A_743 = arith.addf %dot_general3A_738, %add3A_742 : vector<64x32xf32>
      %reduce_sum3A = arith.constant dense<0.000000e+00> : vector<64xf32>
      %reduce_sum3A_744 = vector.multi_reduction <add>, %add3A_743, %reduce_sum3A [1] : vector<64x32xf32> to vector<64xf32>
      %broadcast_in_dim3A_745 = vector.shape_cast %reduce_sum3A_744 : vector<64xf32> to vector<64x1xf32>
      %div3A = arith.constant 3.200000e+01 : f32
      %div3A_746 = vector.broadcast %div3A : f32 to vector<64x1xf32>
      %div3A_747 = arith.divf %broadcast_in_dim3A_745, %div3A_746 : vector<64x1xf32>
      %sub3A = vector.broadcast %div3A_747 : vector<64x1xf32> to vector<64x32xf32>
      %sub3A_748 = arith.subf %add3A_743, %sub3A : vector<64x32xf32>
      %integer_pow3A = arith.mulf %sub3A_748, %sub3A_748 : vector<64x32xf32>
      %reduce_sum3A_749 = arith.constant dense<0.000000e+00> : vector<64xf32>
      %reduce_sum3A_750 = vector.multi_reduction <add>, %integer_pow3A, %reduce_sum3A_749 [1] : vector<64x32xf32> to vector<64xf32>
      %broadcast_in_dim3A_751 = vector.shape_cast %reduce_sum3A_750 : vector<64xf32> to vector<64x1xf32>
      %div3A_752 = arith.constant 3.200000e+01 : f32
      %div3A_753 = vector.broadcast %div3A_752 : f32 to vector<64x1xf32>
      %div3A_754 = arith.divf %broadcast_in_dim3A_751, %div3A_753 : vector<64x1xf32>
      %sub3A_755 = vector.broadcast %div3A_747 : vector<64x1xf32> to vector<64x32xf32>
      %sub3A_756 = arith.subf %add3A_743, %sub3A_755 : vector<64x32xf32>
      %add3A_757 = arith.constant 9.99999974E-6 : f32
      %add3A_758 = vector.broadcast %add3A_757 : f32 to vector<64x1xf32>
      %add3A_759 = arith.addf %div3A_754, %add3A_758 : vector<64x1xf32>
      %rsqrt3A = math.rsqrt %add3A_759 : vector<64x1xf32>
      %mul3A_760 = vector.broadcast %rsqrt3A : vector<64x1xf32> to vector<64x32xf32>
      %mul3A_761 = arith.mulf %sub3A_756, %mul3A_760 : vector<64x32xf32>
      %get3A_762 = arith.constant 0 : index
      %get3A_763 = arith.constant 0 : index
      %get3A_764 = vector.load %arg8[%get3A_762, %get3A_763] : memref<1x32xf32, #tpu.memory_space<vmem>>, vector<1x32xf32>
      %mul3A_765 = vector.broadcast %get3A_764 : vector<1x32xf32> to vector<64x32xf32>
      %mul3A_766 = arith.mulf %mul3A_761, %mul3A_765 : vector<64x32xf32>
      %get3A_767 = arith.constant 0 : index
      %get3A_768 = arith.constant 0 : index
      %get3A_769 = vector.load %arg9[%get3A_767, %get3A_768] : memref<1x32xf32, #tpu.memory_space<vmem>>, vector<1x32xf32>
      %add3A_770 = vector.broadcast %get3A_769 : vector<1x32xf32> to vector<64x32xf32>
      %add3A_771 = arith.addf %mul3A_766, %add3A_770 : vector<64x32xf32>
      %max3A_772 = arith.constant 0.000000e+00 : f32
      %max3A_773 = vector.broadcast %max3A_772 : f32 to vector<64x32xf32>
      %max3A_774 = arith.maximumf %add3A_771, %max3A_773 : vector<64x32xf32>
      %get3A_775 = arith.constant 0 : index
      %get3A_776 = arith.constant 0 : index
      %get3A_777 = vector.load %arg10[%get3A_775, %get3A_776] : memref<32x2xf32, #tpu.memory_space<vmem>>, vector<32x2xf32>
      %dot_general3A_778 = arith.constant dense<0.000000e+00> : vector<64x2xf32>
      %dot_general3A_779 = tpu.matmul %max3A_774, %get3A_777, %dot_general3A_778 {dimension_numbers = #tpu.dot_dimension_numbers<[1], [0], [0], [1], [0, 0, 1, 1], [], []>, transpose_lhs_hint = false} : vector<64x32xf32>, vector<32x2xf32>, vector<64x2xf32> -> vector<64x2xf32>
      %get3A_780 = arith.constant 0 : index
      %get3A_781 = arith.constant 0 : index
      %get3A_782 = vector.load %arg11[%get3A_780, %get3A_781] : memref<1x2xf32, #tpu.memory_space<vmem>>, vector<1x2xf32>
      %add3A_783 = vector.broadcast %get3A_782 : vector<1x2xf32> to vector<64x2xf32>
      %add3A_784 = arith.addf %dot_general3A_779, %add3A_783 : vector<64x2xf32>
      %reduce_max3A_785 = arith.constant dense<0xFF800000> : vector<64xf32>
      %reduce_max3A_786 = vector.multi_reduction <maximumf>, %add3A_784, %reduce_max3A_785 [1] : vector<64x2xf32> to vector<64xf32>
      %broadcast_in_dim3A_787 = vector.shape_cast %reduce_max3A_786 : vector<64xf32> to vector<64x1xf32>
      %sub3A_788 = vector.broadcast %broadcast_in_dim3A_787 : vector<64x1xf32> to vector<64x2xf32>
      %sub3A_789 = arith.subf %add3A_784, %sub3A_788 : vector<64x2xf32>
      %exp3A = math.exp %sub3A_789 : vector<64x2xf32>
      %reduce_sum3A_790 = arith.constant dense<0.000000e+00> : vector<64xf32>
      %reduce_sum3A_791 = vector.multi_reduction <add>, %exp3A, %reduce_sum3A_790 [1] : vector<64x2xf32> to vector<64xf32>
      %broadcast_in_dim3A_792 = vector.shape_cast %reduce_sum3A_791 : vector<64xf32> to vector<64x1xf32>
      %log3A = math.log %broadcast_in_dim3A_792 : vector<64x1xf32>
      %add3A_793 = arith.addf %broadcast_in_dim3A_787, %log3A : vector<64x1xf32>
      %sub3A_794 = vector.broadcast %add3A_793 : vector<64x1xf32> to vector<64x2xf32>
      %sub3A_795 = arith.subf %add3A_784, %sub3A_794 : vector<64x2xf32>
      %swap3A_796 = arith.constant 0 : index
      %swap3A_797 = arith.constant 0 : index
      %swap3A_798 = vector.load %arg12[%swap3A_796, %swap3A_797] : memref<64x2xf32, #tpu.memory_space<vmem>>, vector<64x2xf32>
      tpu.vector_store %arg12[%swap3A_796, %swap3A_797], %sub3A_795 {strides = array<i32>} : memref<64x2xf32, #tpu.memory_space<vmem>>, vector<64x2xf32>,
    } else {
    }
    return
  }
  func.func @transform_0(%arg0: i32) -> (i32, i32) {
    %c0_i32 = arith.constant 0 : i32
    %c0_i32_0 = arith.constant 0 : i32
    return %arg0, %c0_i32 : i32, i32
  }
  func.func @transform_1(%arg0: i32) -> (i32, i32) {
    %c0_i32 = arith.constant 0 : i32
    %c0_i32_0 = arith.constant 0 : i32
    return %arg0, %c0_i32 : i32, i32
  }
  func.func @transform_2(%arg0: i32) -> (i32, i32) {
    %c0_i32 = arith.constant 0 : i32
    %c0_i32_0 = arith.constant 0 : i32
    return %arg0, %c0_i32 : i32, i32
  }
  func.func @transform_3(%arg0: i32) -> (i32, i32) {
    %c0_i32 = arith.constant 0 : i32
    %c0_i32_0 = arith.constant 0 : i32
    return %arg0, %c0_i32 : i32, i32
  }
  func.func @transform_4(%arg0: i32) -> (i32, i32) {
    %c0_i32 = arith.constant 0 : i32
    %c0_i32_0 = arith.constant 0 : i32
    return %c0_i32, %arg0 : i32, i32
  }
  func.func @transform_5(%arg0: i32) -> (i32, i32) {
    %c0_i32 = arith.constant 0 : i32
    %c0_i32_0 = arith.constant 0 : i32
    %c0_i32_1 = arith.constant 0 : i32
    return %c0_i32, %c0_i32_0 : i32, i32
  }
  func.func @transform_6(%arg0: i32) -> (i32, i32) {
    %c0_i32 = arith.constant 0 : i32
    %c0_i32_0 = arith.constant 0 : i32
    %c0_i32_1 = arith.constant 0 : i32
    return %c0_i32, %c0_i32_0 : i32, i32
  }
  func.func @transform_7(%arg0: i32) -> (i32, i32) {
    %c0_i32 = arith.constant 0 : i32
    %c0_i32_0 = arith.constant 0 : i32
    %c0_i32_1 = arith.constant 0 : i32
    return %c0_i32, %c0_i32_0 : i32, i32
  }
  func.func @transform_8(%arg0: i32) -> (i32, i32) {
    %c0_i32 = arith.constant 0 : i32
    %c0_i32_0 = arith.constant 0 : i32
    %c0_i32_1 = arith.constant 0 : i32
    return %c0_i32, %c0_i32_0 : i32, i32
  }
  func.func @transform_9(%arg0: i32) -> (i32, i32) {
    %c0_i32 = arith.constant 0 : i32
    %c0_i32_0 = arith.constant 0 : i32
    %c0_i32_1 = arith.constant 0 : i32
    return %c0_i32, %c0_i32_0 : i32, i32
  }
  func.func @transform_10(%arg0: i32) -> (i32, i32) {
    %c0_i32 = arith.constant 0 : i32
    %c0_i32_0 = arith.constant 0 : i32
    %c0_i32_1 = arith.constant 0 : i32
    return %c0_i32, %c0_i32_0 : i32, i32
  }
  func.func @transform_11(%arg0: i32) -> (i32, i32) {
    %c0_i32 = arith.constant 0 : i32
    %c0_i32_0 = arith.constant 0 : i32
    %c0_i32_1 = arith.constant 0 : i32
    return %c0_i32, %c0_i32_0 : i32, i32
  }
  func.func @transform_12(%arg0: i32) -> (i32, i32) {
    %c0_i32 = arith.constant 0 : i32
    %c0_i32_0 = arith.constant 0 : i32
    %c0_i32_1 = arith.constant 0 : i32
    return %c0_i32, %c0_i32_0 : i32, i32
  }
}

</mosaic_0001>

<sc_bundles>
// kernel: kernel.10.cloned.1.call-start
scs
__scs_entry_jumppad:
0x0: {  	(pc) =	sbr.rel $0x88, $3  }
0x1: {  	(tag) =	ssettag $0x0;
	lr =	simm.s32 $0x1  }
0x2: {  	[smem:$0x3F90] =	sst lr;
	_ =	strace $0xD0000000  }
0x3: {  	_ = 	snop  }
0x4: {  	_ = 	snop  }
0x5: {  	_ = 	snop  }
0x6: {  	_ = 	snop  }
0x7: {  	_ = 	snop  }
__scs_overlays_trampoline_lowered:
0x8: {  	[smem:$0x3F9F] =	sst s0  }
0x9: {  	[smem:$0x3FA0] =	sst s1  }
0xa: {  	[smem:$0x3FA1] =	sst s2  }
0xb: {  	[smem:$0x3FA2] =	sst s3  }
0xc: {  	[smem:$0x3FA3] =	sst s4  }
0xd: {  	[smem:$0x3FA4] =	sst s5  }
0xe: {  	[smem:$0x3FA5] =	sst s6  }
0xf: {  	[smem:$0x3FA6] =	sst s7  }
0x10: {  	[smem:$0x3FA7] =	sst s8  }
0x11: {  	[smem:$0x3FA8] =	sst s9;
	s0 =	simm.s32 @!p0 $0x0  }
0x12: {  	s1 =	sld [smem:$0x3F8E];
	s0 =	simm.s32 @p0 $0x1  }
0x13: {  	[smem:$0x3FA9] =	sst s0;
	s0 =	simm.s32 @!p1 $0x0  }
0x14: {  	s2 =	sld [smem:$0x3F8D];
	s0 =	simm.s32 @p1 $0x1  }
0x15: {  	[smem:$0x3FAA] =	sst s0;
	s0 =	simm.s32 @!p2 $0x0  }
0x16: {  	s3 =	sld [smem:$0x3FDB];
	s0 =	simm.s32 @p2 $0x1  }
0x17: {  	s4 =	simm.s32 $0x1BF5;
	[smem:$0x3FAC] =	sst s0  }
0x18: {  	s0 =	sld [smem:$0x3F8F];
	_ =	swait.ge [sflag:s4], $0x0  }
0x19: {  	s7 =	sld [smem:$0x3F90]  }
0x1a: {  	s8 =	sadd.s32 $0xFFFFE003, lr  }
0x1b: {  	s9 =	sadd.s32 $0xFFFFFEF7, lr;
	s5 =	simm.s32 $0xFFFFFFFF;
	p2 =	slt.u32 s8, $0xFFFFF086  }
0x1c: {  	p1 =	slt.u32 s9, $0xF7A;
	s5 =	simm.s32 @!p2 $0x0  }
0x1d: {  	s5 =	simm.s32 @p1 $0x1;
	p0 =	seq.s32 s7, s2  }
0x1e: {  	s7 =	smul.u32 @!p0 $0xF7A, s2;
	p2 =	seq.s32 @!p0 s5, $0x0  }
0x1f: {  	s9 =	smul.u32 $0xF7A, s1;
	s8 =	simm.s32 @!p0 $0x1BF5;
	p2 =	por !p2, p0  }
0x20: {  	[sflag:s8] =	ssyncset.s32 @!p0 $0xFFFFF086;
	s6 =	sadd.s32 @!p0 s3, s7;
	s7 =	simm.s32 @!p0 $0x108  }
0x21: {  	s3 =	sadd.s32 s3, s9;
	s6 =	sadd.s32 @!p0 $0x88, s6;
	s7 =	simm.s32 @p2 $0x1082  }
0x22: {  	[simem:s7], [sflag:s8] =	dma.local @!p0 [hbm:s6], $0xF7A  }
0x23: {  	s9 =	sor.u32 $0xD0000000, s2;
	s6 =	simm.s32 $0x108;
	_ =	swait.ge @!p0 [sflag:s8], $0x0  }
0x24: {  	s3 =	sadd.s32 $0x88, s3;
	s6 =	simm.s32 @!p1 $0x1082;
	[sflag:s4] =	ssyncset.s32 $0xFFFFF086  }
0x25: {  	[simem:s6], [sflag:s4] =	dma.local [hbm:s3], $0xF7A  }
0x26: {  	[smem:$0x3F90] =	sst s1;
	(tag) =	ssettag s2;
	_ =	strace s9  }
0x27: {  	s1 =	sld [smem:$0x3FA0]  }
0x28: {  	s2 =	sld [smem:$0x3FA1]  }
0x29: {  	s4 =	sld [smem:$0x3FA3]  }
0x2a: {  	p0 =	seq.s32 s5, $0x0;
	s5 =	sld [smem:$0x3FA4]  }
0x2b: {  	s6 =	sld [smem:$0x3FA5]  }
0x2c: {  	s7 =	sld [smem:$0x3FA6]  }
0x2d: {  	s3 =	simm.s32 $0x108;
	s8 =	sld [smem:$0x3FA7]  }
0x2e: {  	s3 =	simm.s32 @!p0 $0x1082;
	s9 =	sld [smem:$0x3FA8]  }
0x2f: {  	lr =	sadd.s32 s0, s3;
	s0 =	sld [smem:$0x3F9F]  }
0x30: {  	s3 =	sld [smem:$0x3FA2]  }
0x31: {  	[smem:$0x3FAB] =	sst s10  }
0x32: {  	s10 =	sld [smem:$0x3FA9];
	_ =	sdelay $0x3  }
0x33: {  	p0 =	seq.s32 s10, $0x1;
	s10 =	sld [smem:$0x3FAB];
	_ =	sdelay $0x3  }
0x34: {  	[smem:$0x3FAB] =	sst s10  }
0x35: {  	s10 =	sld [smem:$0x3FAA];
	_ =	sdelay $0x3  }
0x36: {  	p1 =	seq.s32 s10, $0x1;
	s10 =	sld [smem:$0x3FAB];
	_ =	sdelay $0x3  }
0x37: {  	[smem:$0x3FAB] =	sst s10  }
0x38: {  	s10 =	sld [smem:$0x3FAC]  }
0x39: {  	_ = 	snop;
	(pc) =	sbr.ind lr, $3  }
0x3a: {  	_ = 	snop  }
0x3b: {  	_ = 	snop  }
0x3c: {  	p2 =	seq.s32 s10, $0x1;
	s10 =	sld [smem:$0x3FAB]  }
0x3d: {  	_ =	shalt  }
0x3e: {  	_ =	shalt  }
0x3f: {  	_ =	shalt  }
0x40: {  	_ =	shalt  }
0x41: {  	_ =	shalt  }
0x42: {  	_ =	shalt  }
0x43: {  	_ =	shalt  }
0x44: {  	_ =	shalt  }
0x45: {  	_ =	shalt  }
0x46: {  	_ =	shalt  }
0x47: {  	_ =	shalt  }
0x48: {  	_ =	shalt  }
0x49: {  	_ =	shalt  }
0x4a: {  	_ =	shalt  }
0x4b: {  	_ =	shalt  }
0x4c: {  	_ =	shalt  }
0x4d: {  	_ =	shalt  }
0x4e: {  	_ =	shalt  }
0x4f: {  	_ =	shalt  }
0x50: {  	_ =	shalt  }
0x51: {  	_ =	shalt  }
0x52: {  	_ =	shalt  }
0x53: {  	_ =	shalt  }
0x54: {  	_ =	shalt  }
0x55: {  	_ =	shalt  }
0x56: {  	_ =	shalt  }
0x57: {  	_ =	shalt  }
0x58: {  	_ =	shalt  }
0x59: {  	_ =	shalt  }
0x5a: {  	_ =	shalt  }
0x5b: {  	_ =	shalt  }
0x5c: {  	_ =	shalt  }
0x5d: {  	_ =	shalt  }
0x5e: {  	_ =	shalt  }
0x5f: {  	_ =	shalt  }
0x60: {  	_ =	shalt  }
0x61: {  	_ =	shalt  }
0x62: {  	_ =	shalt  }
0x63: {  	_ =	shalt  }
0x64: {  	_ =	shalt  }
0x65: {  	_ =	shalt  }
0x66: {  	_ =	shalt  }
0x67: {  	_ =	shalt  }
0x68: {  	_ =	shalt  }
0x69: {  	_ =	shalt  }
0x6a: {  	_ =	shalt  }
0x6b: {  	_ =	shalt  }
0x6c: {  	_ =	shalt  }
0x6d: {  	_ =	shalt  }
0x6e: {  	_ =	shalt  }
0x6f: {  	_ =	shalt  }
0x70: {  	_ =	shalt  }
0x71: {  	_ =	shalt  }
0x72: {  	_ =	shalt  }
0x73: {  	_ =	shalt  }
0x74: {  	_ =	shalt  }
0x75: {  	_ =	shalt  }
0x76: {  	_ =	shalt  }
0x77: {  	_ =	shalt  }
0x78: {  	_ =	shalt  }
0x79: {  	_ =	shalt  }
0x7a: {  	_ =	shalt  }
0x7b: {  	_ =	shalt  }
0x7c: {  	_ =	shalt  }
0x7d: {  	_ =	shalt  }
0x7e: {  	_ =	shalt  }
0x7f: {  	_ =	shalt  }
0x80: {  	_ =	shalt  }
0x81: {  	_ =	shalt  }
0x82: {  	_ =	shalt  }
0x83: {  	_ =	shalt  }
0x84: {  	_ =	shalt  }
0x85: {  	_ =	shalt  }
0x86: {  	_ =	shalt  }
0x87: {  	_ =	shalt  }
.Lfunc_end0:
.L_simem_size_0:
called_computation.1_lowered:
.L_overlay_start_0:
0x88: {  	s2 =	sld [smem:$0x3FD9]  }
0x89: {  	s3 =	sld [smem:$0x3FFE];
	_ =	sdelay $0x1  }
0x8a: {  	s1 =	srdreg.scid  }
0x8b: {  	s0 =	sand.u32 $0x1, s1  }
0x8c: {  	s16 =	sshll.u32 s0, $0xA;
	s2 =	sadd.s32 s3, s2  }
0x8d: {  	s2 =	sadd.s32 s2, s16  }
0x8e: {  	[smem:$0x3FB7] =	sst s2  }
0x8f: {  	_ = 	snop  }
0x90: {  	(tm) =	ssettm $0x1  }
0x91: {  	s17 =	sld [smem:$0x3FFB];
	_ =	sdelay $0x3  }
0x92: {  	_ =	strace s17  }
0x93: {  	s2 =	sld [smem:$0x3FFC];
	_ =	sdelay $0x3  }
0x94: {  	_ =	strace s2  }
0x95: {  	s2 =	sld [smem:$0x3FFD];
	_ =	sdelay $0x3  }
0x96: {  	_ =	strace s2  }
0x97: {  	_ =	strace $0x8FFFFFFF  }
0x98: {  	s18 =	sld [smem:$0x3FDB];
	_ =	sdelay $0x1  }
0x99: {  	s19 =	simm.s32 $_scs_section_size  }
0x9a: {  	s4 =	simm.s32 $_size__tile_overlayer_lowered;
	s5 =	simm.s32 $_tile_overlayer_lowered  }
0x9b: {  	s22 =	simm.s32 $0x1BFF;
	s21 =	sshll.u32 s5, $0x1;
	s2 =	sadd.s32 s19, s18  }
0x9c: {  	s6 =	simm.s32 $0x0;
	s20 =	sshll.u32 s4, $0x1;
	s4 =	sadd.s32 s21, s2  }
0x9d: {  	[timem:s6], [sflag:s22] =	dma.local [hbm:s4], s20  }
0x9e: {  	_ =	swait.ge [sflag:s22], s20  }
0x9f: {  	s3 =	ssub.s32 $0x0, s20;
	[sflag:s22] =	ssyncset.done $0x0  }
0xa0: {  	[sflag:s22] =	ssyncadd.s32 s3;
	_ =	sdelay $0x1  }
0xa1: {  	s23 =	simm.s32 $0x1B8B  }
0xa2: {  	_ =	swait.ge [sflag:s23], $0x1  }
0xa3: {  	[sflag:s23] =	ssyncset.done $0x0  }
0xa4: {  	s25 =	simm.s32 $0x1B8E;
	s24 =	sld [smem:$0x3FFE];
	[sflag:s23] =	ssyncadd.s32 $0xFFFFFFFF  }
0xa5: {  	s26 =	simm.s32 $execute0_lowered;
	[smem:$0x3FD2] =	sst s25  }
0xa6: {  	s4 =	sshll.u32 s26, $0x1;
	_ =	strace $0x80000049;
	[dreg:$0x1] =	wrdreg $0xFFFFFFFF  }
0xa7: {  	s28 =	simm.s32 $_size_execute0_lowered;
	s2 =	sadd.s32 s2, s4;
	[dreg:$0x0] =	wrdreg $0x0  }
0xa8: {  	s4 =	sshll.u32 s28, $0x1;
	[dreg:$0x2] =	wrdreg s2  }
0xa9: {  	[dreg:$0x3] =	wrdreg s4  }
0xaa: {  	[dreg:$0x4] =	wrdreg $0xC0  }
0xab: {  	_ =	task [dreg:s6], $0x5FFFF  }
0xac: {  	[dreg:$0x1] =	wrdreg $0xFFFFFFFF  }
0xad: {  	[dreg:$0x0] =	wrdreg $0x60  }
0xae: {  	[dreg:$0x2] =	wrdreg s24  }
0xaf: {  	[dreg:$0x3] =	wrdreg $0x42000  }
0xb0: {  	[dreg:$0x4] =	wrdreg $0x9  }
0xb1: {  	_ =	task.clear_ibuf [dreg:s6], $0x5FFFF;
	_ =	strace $0x90000049  }
0xb2: {  	s29 =	simm.s32 $0x9;
	_ =	strace $0x8000004B  }
0xb3: {  	_ =	swait.ge [sflag:s29], $0x1  }
0xb4: {  	[sflag:s29] =	ssyncadd.s32 $0xFFFFFFFF  }
0xb5: {  	_ =	strace $0x9000004B  }
0xb6: {  	_ =	sfence  }
0xb7: {  	s30 =	sld [smem:$0x0];
	_ =	sdelay $0x2  }
0xb8: {  	s31 =	sshll.u32 s1, $0xD;
	s1 =	sshrl.u32 s1, $0x2  }
0xb9: {  	s3 =	sand.u32 $0x4000, s31;
	s1 =	sadd.s32 s1, s30  }
0xba: {  	s0 =	sor.u32 s3, s0;
	s1 =	sshll.u32 s1, $0x11  }
0xbb: {  	s0 =	sor.u32 s1, s0  }
0xbc: {  	s0 =	sadd.s32 $0x8F2B, s0  }
0xbd: {  	[sflag:s0] =	ssyncadd.remote.s32 $0x1  }
0xbe: {  	_ =	sfence.sel $0xFFFF  }
0xbf: {  	[dreg:$0x0] =	wrdreg $0xFFFFFFFF;
	(pc) =	sbr.abs _section_cstart, $3  }
0xc0: {  	[dreg:$0x1] =	wrdreg $0xFFFFFFFF  }
0xc1: {  	_ =	task.clear_ibuf [dreg:s6], $0x2FFFF;
	_ =	strace $0x9FFFFFFF  }
0xc2: {  	(tm) =	ssettm $0x7FFFFFFF  }
0xc3: {  	_ =	shalt  }
tec
execute0_lowered:
.L_overlay_start_1:
0x0: {  	(tag) =	ssettag $0x1  }
0x1: {  	s5 =	rddreg [dreg:$0x0]  }
0x2: {  	s2 =	rddreg [dreg:$0x1]  }
0x3: {  	s0 =	rddreg [dreg:$0x2]  }
0x4: {  	s1 =	stileid.u32;
	s3 =	simm.s32 $0x0;
	s4 =	srdreg.scid  }
0x5: {  	s14 =	simm.s32 $0x100;
	s15 =	simm.s32 $0x3A00;
	s16 =	simm.s32 $0x1  }
0x6: {  	s17 =	simm.s32 $0x2;
	s18 =	simm.s32 $0x0;
	s6 =	smul.u32 $0x1E, s1  }
0x7: {  	[smem:$0x7FF] =	sst s3;
	s10 =	sand.u32 $0x1, s4;
	s4 =	smul.u32 $0x32, s1  }
0x8: {  	s7 =	smul.u32 $0x2800, s1;
	s31 =	sshll.u32 s1, $0x6;
	p0 =	seq.s32 s10, $0x0  }
0x9: {  	s8 =	smul.u32 $0x28000, s10;
	_ =	strace $0x8000004A;
	s11 =	ssub.s32 $0x2, s10  }
0xa: {  	s6 =	sadd.s32 $0x320, s6;
	s29 =	sshrl.u32 s7, $0x3;
	s30 =	sshrl.u32 s11, $0x1  }
0xb: {  	s13 =	sadd.s32 s7, s2;
	s6 =	smov.u32 @p0 s4;
	s4 =	sadd.s32 $0x2E00, s5  }
0xc: {  	s28 =	sadd.s32 s7, s8;
	s8 =	sadd.s32 s29, s5;
	s11 =	ssub.s32 s11, s30  }
.Ltmp0:
0xd: {  	p0 =	sne.s32 s10, $0x0;
	s6 =	sshll.u32 s6, $0x5;
	(pc) =	sbr.rel .LBB2_1-.Ltmp0, $4  }
0xe: {  	s10 =	sshrl.u32 s13, $0x3;
	s9 =	sadd.s32 s6, s5;
	s6 =	sshrl.u32 s28, $0x3  }
0xf: {  	s13 =	simm.s32 $0x3200;
	s12 =	sadd.s32 s6, s5;
	s5 =	sadd.s32 $0x3A600, s8  }
0x10: {  	s6 =	sor.u32 $0x1C03, s31;
	s7 =	sadd.s32 $0x2FE00, s9;
	s9 =	smax.u32 s11, $0x1  }
0x11: {  	s11 =	simm.s32 $0x3;
	s8 =	sadd.s32 $0x7E00, s12;
	s12 =	simm.s32 $0x80  }
.LBB2_4:
0x12: {  	[tilespmem:s15], [sflag:$0x2] =	stream.indirect.gather [hbm4b:s4+s12], $0x10, s20, s12, $0xb8;
	[tilespmem:$0x6A00] =	vst v63  }
0x13: {  	s19 =	simm.s32 $0x3180;
	s20 =	simm.s32 $0x3080  }
.LBB2_8:
0x14: {  	_ =	swait.ge [sflag:s16], $0x800  }
0x15: {  	[sflag:s16] =	ssyncset.done $0x0  }
0x16: {  	[sflag:s16] =	ssyncadd.s32 $0xFFFFF800  }
0x17: {  	[spmem:s2] =	stream.indirect.scatter.add.f32 [tilespmem:s13], [sflag:$0x3], $0x10, s20, s12, $0xb8;
	[tilespmem:$0x6A00] =	vst v63  }
0x18: {  	_ =	swait.ge [sflag:s11], $0x800  }
0x19: {  	[sflag:s11] =	ssyncset.done $0x0  }
0x1a: {  	[sflag:s11] =	ssyncadd.s32 $0xFFFFF800  }
0x1b: {  	_ =	swait.ge [sflag:s17], $0x800  }
0x1c: {  	[sflag:s17] =	ssyncset.done $0x0  }
0x1d: {  	[sflag:s17] =	ssyncadd.s32 $0xFFFFF800  }
0x1e: {  	[spmem:s2] =	stream.indirect.scatter.add.f32 [tilespmem:s15], [sflag:$0x3], $0x10, s19, s12, $0xb8;
	[tilespmem:$0x6A00] =	vst v63  }
0x1f: {  	_ =	swait.ge [sflag:s11], $0x800  }
0x20: {  	s18 =	sadd.s32 $0x1, s18;
	[sflag:s11] =	ssyncset.done $0x0  }
0x21: {  	p1 =	sne.s32 s18, s9;
	[sflag:s11] =	ssyncadd.s32 $0xFFFFF800  }
.Ltmp1:
0x22: {  	[bflag:$0x0] =	sbarrier.arrive $0xFFFF;
	(pc) =	sbr.rel @!p1 .LBB2_9-.Ltmp1, $4  }
0x23: {  	[hbm:s8], [sflag:s6] =	dma.local [spmem:s10], $0x500  }
0x24: {  	_ =	swait.ge [sflag:s11], $0x500  }
0x25: {  	[sflag:s11] =	ssyncset.done $0x0  }
0x26: {  	[sflag:s11] =	ssyncadd.s32 $0xFFFFFB00  }
.LBB2_1:
0x27: {  	[spmem:s10], [sflag:s6] =	dma.local [hbm:s5], $0x500  }
0x28: {  	_ =	swait.ge [sflag:s11], $0x500  }
0x29: {  	[sflag:s11] =	ssyncset.done $0x0  }
0x2a: {  	[sflag:s11] =	ssyncadd.s32 $0xFFFFFB00  }
0x2b: {  	[tilespmem:s3], [sflag:$0x3] =	stream.linear.gather [hbm4b:s7+s3], $0x3200, $0x38;
	[tilespmem:$0x6A00] =	vst v63  }
0x2c: {  	_ =	swait.ge [sflag:s11], $0x3200  }
0x2d: {  	[sflag:s11] =	ssyncset.done $0x0  }
.Ltmp2:
0x2e: {  	[sflag:s11] =	ssyncadd.s32 $0xFFFFCE00;
	(pc) =	sbr.rel @p0 .LBB2_5-.Ltmp2, $4  }
0x2f: {  	[bflag:$0x0] =	sbarrier.arrive $0xFFFF  }
0x30: {  	[tilespmem:s13], [sflag:$0x1] =	stream.indirect.gather [hbm4b:s4+s12], $0x10, s3, s12, $0xb8;
	[tilespmem:$0x6A00] =	vst v63  }
0x31: {  	_ = 	snop  }
0x32: {  	[tilespmem:s15], [sflag:$0x2] =	stream.indirect.gather [hbm4b:s4+s12], $0x10, s14, s12, $0xb8;
	[tilespmem:$0x6A00] =	vst v63  }
0x33: {  	_ =	swait.ge [sflag:s16], $0x800  }
0x34: {  	[sflag:s16] =	ssyncset.done $0x0  }
0x35: {  	s19 =	simm.s32 $0x80;
	[sflag:s16] =	ssyncadd.s32 $0xFFFFF800  }
0x36: {  	[spmem:s2] =	stream.indirect.scatter.add.f32 [tilespmem:s13], [sflag:$0x3], $0x10, s19, s12, $0xb8;
	[tilespmem:$0x6A00] =	vst v63  }
0x37: {  	_ =	swait.ge [sflag:s11], $0x800  }
0x38: {  	[sflag:s11] =	ssyncset.done $0x0  }
0x39: {  	s30 =	simm.s32 $0x200;
	[sflag:s11] =	ssyncadd.s32 $0xFFFFF800  }
0x3a: {  	[tilespmem:s13], [sflag:$0x1] =	stream.indirect.gather [hbm4b:s4+s12], $0x10, s30, s12, $0xb8;
	[tilespmem:$0x6A00] =	vst v63  }
0x3b: {  	_ =	swait.ge [sflag:s17], $0x800  }
0x3c: {  	p1 =	por $0x0, $0x0;
	[sflag:s17] =	ssyncset.done $0x0  }
.Ltmp3:
0x3d: {  	s31 =	simm.s32 $0x180;
	[sflag:s17] =	ssyncadd.s32 $0xFFFFF800;
	(pc) =	sbr.rel @p1 .LBB2_4-.Ltmp3, $4  }
0x3e: {  	[spmem:s2] =	stream.indirect.scatter.add.f32 [tilespmem:s15], [sflag:$0x3], $0x10, s31, s12, $0xb8;
	[tilespmem:$0x6A00] =	vst v63  }
0x3f: {  	_ =	swait.ge [sflag:s11], $0x800  }
0x40: {  	[sflag:s11] =	ssyncset.done $0x0  }
0x41: {  	s20 =	simm.s32 $0x300;
	s19 =	simm.s32 $0xFFFF4800;
	[sflag:s11] =	ssyncadd.s32 $0xFFFFF800  }
.LBB2_3:
0x42: {  	[tilespmem:s15], [sflag:$0x2] =	stream.indirect.gather [hbm4b:s4+s12], $0x10, s20, s12, $0xb8;
	[tilespmem:$0x6A00] =	vst v63  }
0x43: {  	s20 =	smov.u32 s19  }
0x44: {  	p1 =	seq.s32 s19, $0xFFFFF800;
	s19 =	sadd.s32 $0x800, s19;
	_ =	swait.ge [sflag:s16], $0x800  }
0x45: {  	s20 =	sshra.s32 s20, $0x2;
	[sflag:s16] =	ssyncset.done $0x0  }
0x46: {  	s21 =	sadd.s32 $0x3080, s20;
	[sflag:s16] =	ssyncadd.s32 $0xFFFFF800  }
0x47: {  	[spmem:s2] =	stream.indirect.scatter.add.f32 [tilespmem:s13], [sflag:$0x3], $0x10, s21, s12, $0xb8;
	[tilespmem:$0x6A00] =	vst v63  }
0x48: {  	_ =	swait.ge [sflag:s11], $0x800  }
0x49: {  	[sflag:s11] =	ssyncset.done $0x0  }
0x4a: {  	s21 =	sadd.s32 $0x3200, s20;
	[sflag:s11] =	ssyncadd.s32 $0xFFFFF800  }
0x4b: {  	[tilespmem:s13], [sflag:$0x1] =	stream.indirect.gather [hbm4b:s4+s12], $0x10, s21, s12, $0xb8;
	[tilespmem:$0x6A00] =	vst v63  }
0x4c: {  	_ =	swait.ge [sflag:s17], $0x800  }
0x4d: {  	[sflag:s17] =	ssyncset.done $0x0  }
.Ltmp4:
0x4e: {  	s21 =	sadd.s32 $0x3180, s20;
	[sflag:s17] =	ssyncadd.s32 $0xFFFFF800;
	(pc) =	sbr.rel @!p1 .LBB2_3-.Ltmp4, $4  }
0x4f: {  	[spmem:s2] =	stream.indirect.scatter.add.f32 [tilespmem:s15], [sflag:$0x3], $0x10, s21, s12, $0xb8;
	[tilespmem:$0x6A00] =	vst v63  }
0x50: {  	_ =	swait.ge [sflag:s11], $0x800  }
0x51: {  	[sflag:s11] =	ssyncset.done $0x0  }
0x52: {  	s20 =	sadd.s32 $0x3300, s20;
	[sflag:s11] =	ssyncadd.s32 $0xFFFFF800  }
.Ltmp5:
0x53: {  	_ = 	snop;
	(pc) =	sbr.rel .LBB2_4-.Ltmp5, $1  }
0x54: {  	_ =	sdelay $0x3  }
.LBB2_5:
0x55: {  	_ =	swait.ge [sflag:s16], $0x800  }
0x56: {  	[sflag:s16] =	ssyncset.done $0x0  }
0x57: {  	s19 =	simm.s32 $0x80;
	[sflag:s16] =	ssyncadd.s32 $0xFFFFF800  }
0x58: {  	[spmem:s2] =	stream.indirect.scatter.add.f32 [tilespmem:s13], [sflag:$0x3], $0x10, s19, s12, $0xb8;
	[tilespmem:$0x6A00] =	vst v63  }
0x59: {  	_ =	swait.ge [sflag:s11], $0x800  }
0x5a: {  	[sflag:s11] =	ssyncset.done $0x0  }
0x5b: {  	s30 =	simm.s32 $0x200;
	[sflag:s11] =	ssyncadd.s32 $0xFFFFF800  }
0x5c: {  	[tilespmem:s13], [sflag:$0x1] =	stream.indirect.gather [hbm4b:s4+s12], $0x10, s30, s12, $0xb8;
	[tilespmem:$0x6A00] =	vst v63  }
0x5d: {  	_ =	swait.ge [sflag:s17], $0x800  }
0x5e: {  	[sflag:s17] =	ssyncset.done $0x0  }
0x5f: {  	s31 =	simm.s32 $0x180;
	[sflag:s17] =	ssyncadd.s32 $0xFFFFF800  }
0x60: {  	[spmem:s2] =	stream.indirect.scatter.add.f32 [tilespmem:s15], [sflag:$0x3], $0x10, s31, s12, $0xb8;
	[tilespmem:$0x6A00] =	vst v63  }
0x61: {  	_ =	swait.ge [sflag:s11], $0x800  }
0x62: {  	[sflag:s11] =	ssyncset.done $0x0  }
0x63: {  	s20 =	simm.s32 $0x300;
	s19 =	simm.s32 $0xFFFF9800;
	[sflag:s11] =	ssyncadd.s32 $0xFFFFF800  }
.LBB2_6:
0x64: {  	[tilespmem:s15], [sflag:$0x2] =	stream.indirect.gather [hbm4b:s4+s12], $0x10, s20, s12, $0xb8;
	[tilespmem:$0x6A00] =	vst v63  }
0x65: {  	s20 =	smov.u32 s19  }
0x66: {  	p1 =	sne.s32 s19, $0xFFFFF800;
	s19 =	sadd.s32 $0x800, s19;
	_ =	swait.ge [sflag:s16], $0x800  }
0x67: {  	s20 =	sshra.s32 s20, $0x2;
	[sflag:s16] =	ssyncset.done $0x0  }
0x68: {  	s21 =	sadd.s32 $0x1C80, s20;
	[sflag:s16] =	ssyncadd.s32 $0xFFFFF800  }
0x69: {  	[spmem:s2] =	stream.indirect.scatter.add.f32 [tilespmem:s13], [sflag:$0x3], $0x10, s21, s12, $0xb8;
	[tilespmem:$0x6A00] =	vst v63  }
0x6a: {  	_ =	swait.ge [sflag:s11], $0x800  }
0x6b: {  	[sflag:s11] =	ssyncset.done $0x0  }
0x6c: {  	s21 =	sadd.s32 $0x1E00, s20;
	[sflag:s11] =	ssyncadd.s32 $0xFFFFF800  }
0x6d: {  	[tilespmem:s13], [sflag:$0x1] =	stream.indirect.gather [hbm4b:s4+s12], $0x10, s21, s12, $0xb8;
	[tilespmem:$0x6A00] =	vst v63  }
0x6e: {  	_ =	swait.ge [sflag:s17], $0x800  }
0x6f: {  	[sflag:s17] =	ssyncset.done $0x0  }
.Ltmp6:
0x70: {  	s21 =	sadd.s32 $0x1D80, s20;
	[sflag:s17] =	ssyncadd.s32 $0xFFFFF800;
	(pc) =	sbr.rel @p1 .LBB2_6-.Ltmp6, $4  }
0x71: {  	[spmem:s2] =	stream.indirect.scatter.add.f32 [tilespmem:s15], [sflag:$0x3], $0x10, s21, s12, $0xb8;
	[tilespmem:$0x6A00] =	vst v63  }
0x72: {  	_ =	swait.ge [sflag:s11], $0x800  }
0x73: {  	[sflag:s11] =	ssyncset.done $0x0  }
0x74: {  	s20 =	sadd.s32 $0x1F00, s20;
	[sflag:s11] =	ssyncadd.s32 $0xFFFFF800  }
.Ltmp7:
0x75: {  	(pc) =	sbr.rel .LBB2_8-.Ltmp7, $3  }
0x76: {  	_ =	sdelay $0x1  }
0x77: {  	[tilespmem:s15], [sflag:$0x2] =	stream.indirect.gather [hbm4b:s4+s12], $0x10, s20, s12, $0xb8;
	[tilespmem:$0x6A00] =	vst v63  }
0x78: {  	s19 =	simm.s32 $0x1D80;
	s20 =	simm.s32 $0x1C80  }
.LBB2_9:
0x79: {  	_ =	sfence.sel $0x180000  }
0x7a: {  	[bflag:$0x0] =	sbarrier.arrive $0xFFFF  }
0x7b: {  	p0 =	sne.s32 s1, $0x0;
	_ =	strace $0x9000004A  }
0x7c: {  	s0 =	sadd.s32 @!p0 $0x100000, s0;
	[bflag:$0x2] =	sbarrier.arrive $0xFFFF  }
0x7d: {  	[sflag:s0] =	ssyncadd.tile.s32 @!p0 $0x1;
	_ =	shalt  }
.Lfunc_end2:
_tile_overlayer_lowered:
.L_overlay_start_2:
0x7e: {  	(tag) =	ssettag $0x2  }
0x7f: {  	s0 =	rddreg [dreg:$0x0];
	s2 =	stileid.u32  }
0x80: {  	s1 =	rddreg [dreg:$0x1];
	p0 =	sne.s32 s2, $0x0  }
0x81: {  	s3 =	rddreg [dreg:$0x2];
	[bflag:$0x3] =	sbarrier.arrive $0xFFFF;
	s2 =	simm.s32 @!p0 $0x1C03  }
0x82: {  	[timem:s3], [sflag:s2] =	dma.local @!p0 [hbm:s0], s1  }
0x83: {  	s0 =	simm.s32 @!p0 $0x3  }
0x84: {  	_ =	swait.ge @!p0 [sflag:s0], s1  }
0x85: {  	s1 =	ssub.s32 @!p0 $0x0, s1;
	[sflag:s0] =	ssyncset.done @!p0 $0x0  }
0x86: {  	[sflag:s0] =	ssyncadd.s32 @!p0 s1  }
0x87: {  	[bflag:$0x3] =	sbarrier.arrive $0xFFFF  }
0x88: {  	_ =	shalt  }

// kernel: kernel.7.cloned.1.call-start
scs
__scs_entry_jumppad:
0x0: {  	(pc) =	sbr.rel $0x88, $3  }
0x1: {  	(tag) =	ssettag $0x0;
	lr =	simm.s32 $0x1  }
0x2: {  	[smem:$0x3F90] =	sst lr;
	_ =	strace $0xD0000000  }
0x3: {  	_ = 	snop  }
0x4: {  	_ = 	snop  }
0x5: {  	_ = 	snop  }
0x6: {  	_ = 	snop  }
0x7: {  	_ = 	snop  }
__scs_overlays_trampoline_lowered:
0x8: {  	[smem:$0x3F9F] =	sst s0  }
0x9: {  	[smem:$0x3FA0] =	sst s1  }
0xa: {  	[smem:$0x3FA1] =	sst s2  }
0xb: {  	[smem:$0x3FA2] =	sst s3  }
0xc: {  	[smem:$0x3FA3] =	sst s4  }
0xd: {  	[smem:$0x3FA4] =	sst s5  }
0xe: {  	[smem:$0x3FA5] =	sst s6  }
0xf: {  	[smem:$0x3FA6] =	sst s7  }
0x10: {  	[smem:$0x3FA7] =	sst s8  }
0x11: {  	[smem:$0x3FA8] =	sst s9;
	s0 =	simm.s32 @!p0 $0x0  }
0x12: {  	s1 =	sld [smem:$0x3F8E];
	s0 =	simm.s32 @p0 $0x1  }
0x13: {  	[smem:$0x3FA9] =	sst s0;
	s0 =	simm.s32 @!p1 $0x0  }
0x14: {  	s2 =	sld [smem:$0x3F8D];
	s0 =	simm.s32 @p1 $0x1  }
0x15: {  	[smem:$0x3FAA] =	sst s0;
	s0 =	simm.s32 @!p2 $0x0  }
0x16: {  	s3 =	sld [smem:$0x3FDB];
	s0 =	simm.s32 @p2 $0x1  }
0x17: {  	s4 =	simm.s32 $0x1BF5;
	[smem:$0x3FAC] =	sst s0  }
0x18: {  	s0 =	sld [smem:$0x3F8F];
	_ =	swait.ge [sflag:s4], $0x0  }
0x19: {  	s7 =	sld [smem:$0x3F90]  }
0x1a: {  	s8 =	sadd.s32 $0xFFFFE003, lr  }
0x1b: {  	s9 =	sadd.s32 $0xFFFFFEF7, lr;
	s5 =	simm.s32 $0xFFFFFFFF;
	p2 =	slt.u32 s8, $0xFFFFF086  }
0x1c: {  	p1 =	slt.u32 s9, $0xF7A;
	s5 =	simm.s32 @!p2 $0x0  }
0x1d: {  	s5 =	simm.s32 @p1 $0x1;
	p0 =	seq.s32 s7, s2  }
0x1e: {  	s7 =	smul.u32 @!p0 $0xF7A, s2;
	p2 =	seq.s32 @!p0 s5, $0x0  }
0x1f: {  	s9 =	smul.u32 $0xF7A, s1;
	s8 =	simm.s32 @!p0 $0x1BF5;
	p2 =	por !p2, p0  }
0x20: {  	[sflag:s8] =	ssyncset.s32 @!p0 $0xFFFFF086;
	s6 =	sadd.s32 @!p0 s3, s7;
	s7 =	simm.s32 @!p0 $0x108  }
0x21: {  	s3 =	sadd.s32 s3, s9;
	s6 =	sadd.s32 @!p0 $0x88, s6;
	s7 =	simm.s32 @p2 $0x1082  }
0x22: {  	[simem:s7], [sflag:s8] =	dma.local @!p0 [hbm:s6], $0xF7A  }
0x23: {  	s9 =	sor.u32 $0xD0000000, s2;
	s6 =	simm.s32 $0x108;
	_ =	swait.ge @!p0 [sflag:s8], $0x0  }
0x24: {  	s3 =	sadd.s32 $0x88, s3;
	s6 =	simm.s32 @!p1 $0x1082;
	[sflag:s4] =	ssyncset.s32 $0xFFFFF086  }
0x25: {  	[simem:s6], [sflag:s4] =	dma.local [hbm:s3], $0xF7A  }
0x26: {  	[smem:$0x3F90] =	sst s1;
	(tag) =	ssettag s2;
	_ =	strace s9  }
0x27: {  	s1 =	sld [smem:$0x3FA0]  }
0x28: {  	s2 =	sld [smem:$0x3FA1]  }
0x29: {  	s4 =	sld [smem:$0x3FA3]  }
0x2a: {  	p0 =	seq.s32 s5, $0x0;
	s5 =	sld [smem:$0x3FA4]  }
0x2b: {  	s6 =	sld [smem:$0x3FA5]  }
0x2c: {  	s7 =	sld [smem:$0x3FA6]  }
0x2d: {  	s3 =	simm.s32 $0x108;
	s8 =	sld [smem:$0x3FA7]  }
0x2e: {  	s3 =	simm.s32 @!p0 $0x1082;
	s9 =	sld [smem:$0x3FA8]  }
0x2f: {  	lr =	sadd.s32 s0, s3;
	s0 =	sld [smem:$0x3F9F]  }
0x30: {  	s3 =	sld [smem:$0x3FA2]  }
0x31: {  	[smem:$0x3FAB] =	sst s10  }
0x32: {  	s10 =	sld [smem:$0x3FA9];
	_ =	sdelay $0x3  }
0x33: {  	p0 =	seq.s32 s10, $0x1;
	s10 =	sld [smem:$0x3FAB];
	_ =	sdelay $0x3  }
0x34: {  	[smem:$0x3FAB] =	sst s10  }
0x35: {  	s10 =	sld [smem:$0x3FAA];
	_ =	sdelay $0x3  }
0x36: {  	p1 =	seq.s32 s10, $0x1;
	s10 =	sld [smem:$0x3FAB];
	_ =	sdelay $0x3  }
0x37: {  	[smem:$0x3FAB] =	sst s10  }
0x38: {  	s10 =	sld [smem:$0x3FAC]  }
0x39: {  	_ = 	snop;
	(pc) =	sbr.ind lr, $3  }
0x3a: {  	_ = 	snop  }
0x3b: {  	_ = 	snop  }
0x3c: {  	p2 =	seq.s32 s10, $0x1;
	s10 =	sld [smem:$0x3FAB]  }
0x3d: {  	_ =	shalt  }
0x3e: {  	_ =	shalt  }
0x3f: {  	_ =	shalt  }
0x40: {  	_ =	shalt  }
0x41: {  	_ =	shalt  }
0x42: {  	_ =	shalt  }
0x43: {  	_ =	shalt  }
0x44: {  	_ =	shalt  }
0x45: {  	_ =	shalt  }
0x46: {  	_ =	shalt  }
0x47: {  	_ =	shalt  }
0x48: {  	_ =	shalt  }
0x49: {  	_ =	shalt  }
0x4a: {  	_ =	shalt  }
0x4b: {  	_ =	shalt  }
0x4c: {  	_ =	shalt  }
0x4d: {  	_ =	shalt  }
0x4e: {  	_ =	shalt  }
0x4f: {  	_ =	shalt  }
0x50: {  	_ =	shalt  }
0x51: {  	_ =	shalt  }
0x52: {  	_ =	shalt  }
0x53: {  	_ =	shalt  }
0x54: {  	_ =	shalt  }
0x55: {  	_ =	shalt  }
0x56: {  	_ =	shalt  }
0x57: {  	_ =	shalt  }
0x58: {  	_ =	shalt  }
0x59: {  	_ =	shalt  }
0x5a: {  	_ =	shalt  }
0x5b: {  	_ =	shalt  }
0x5c: {  	_ =	shalt  }
0x5d: {  	_ =	shalt  }
0x5e: {  	_ =	shalt  }
0x5f: {  	_ =	shalt  }
0x60: {  	_ =	shalt  }
0x61: {  	_ =	shalt  }
0x62: {  	_ =	shalt  }
0x63: {  	_ =	shalt  }
0x64: {  	_ =	shalt  }
0x65: {  	_ =	shalt  }
0x66: {  	_ =	shalt  }
0x67: {  	_ =	shalt  }
0x68: {  	_ =	shalt  }
0x69: {  	_ =	shalt  }
0x6a: {  	_ =	shalt  }
0x6b: {  	_ =	shalt  }
0x6c: {  	_ =	shalt  }
0x6d: {  	_ =	shalt  }
0x6e: {  	_ =	shalt  }
0x6f: {  	_ =	shalt  }
0x70: {  	_ =	shalt  }
0x71: {  	_ =	shalt  }
0x72: {  	_ =	shalt  }
0x73: {  	_ =	shalt  }
0x74: {  	_ =	shalt  }
0x75: {  	_ =	shalt  }
0x76: {  	_ =	shalt  }
0x77: {  	_ =	shalt  }
0x78: {  	_ =	shalt  }
0x79: {  	_ =	shalt  }
0x7a: {  	_ =	shalt  }
0x7b: {  	_ =	shalt  }
0x7c: {  	_ =	shalt  }
0x7d: {  	_ =	shalt  }
0x7e: {  	_ =	shalt  }
0x7f: {  	_ =	shalt  }
0x80: {  	_ =	shalt  }
0x81: {  	_ =	shalt  }
0x82: {  	_ =	shalt  }
0x83: {  	_ =	shalt  }
0x84: {  	_ =	shalt  }
0x85: {  	_ =	shalt  }
0x86: {  	_ =	shalt  }
0x87: {  	_ =	shalt  }
.Lfunc_end0:
.L_simem_size_0:
called_computation_lowered:
.L_overlay_start_0:
0x88: {  	s2 =	sld [smem:$0x3FD9]  }
0x89: {  	s3 =	sld [smem:$0x3FFE];
	_ =	sdelay $0x1  }
0x8a: {  	s1 =	srdreg.scid  }
0x8b: {  	s0 =	sand.u32 $0x1, s1  }
0x8c: {  	s16 =	sshll.u32 s0, $0xA;
	s2 =	sadd.s32 s3, s2  }
0x8d: {  	s2 =	sadd.s32 s2, s16  }
0x8e: {  	[smem:$0x3FB7] =	sst s2  }
0x8f: {  	_ = 	snop  }
0x90: {  	(tm) =	ssettm $0x1  }
0x91: {  	s17 =	sld [smem:$0x3FFB];
	_ =	sdelay $0x3  }
0x92: {  	_ =	strace s17  }
0x93: {  	s2 =	sld [smem:$0x3FFC];
	_ =	sdelay $0x3  }
0x94: {  	_ =	strace s2  }
0x95: {  	s2 =	sld [smem:$0x3FFD];
	_ =	sdelay $0x3  }
0x96: {  	_ =	strace s2  }
0x97: {  	_ =	strace $0x8FFFFFFF  }
0x98: {  	s18 =	sld [smem:$0x3FDB];
	_ =	sdelay $0x1  }
0x99: {  	s19 =	simm.s32 $_scs_section_size  }
0x9a: {  	s4 =	simm.s32 $_size__tile_overlayer_lowered;
	s5 =	simm.s32 $_tile_overlayer_lowered  }
0x9b: {  	s22 =	simm.s32 $0x1BFF;
	s21 =	sshll.u32 s5, $0x1;
	s2 =	sadd.s32 s19, s18  }
0x9c: {  	s6 =	simm.s32 $0x0;
	s20 =	sshll.u32 s4, $0x1;
	s4 =	sadd.s32 s21, s2  }
0x9d: {  	[timem:s6], [sflag:s22] =	dma.local [hbm:s4], s20  }
0x9e: {  	_ =	swait.ge [sflag:s22], s20  }
0x9f: {  	s3 =	ssub.s32 $0x0, s20;
	[sflag:s22] =	ssyncset.done $0x0  }
0xa0: {  	[sflag:s22] =	ssyncadd.s32 s3;
	_ =	sdelay $0x1  }
0xa1: {  	s23 =	simm.s32 $0x1B8B  }
0xa2: {  	_ =	swait.ge [sflag:s23], $0x1  }
0xa3: {  	[sflag:s23] =	ssyncset.done $0x0  }
0xa4: {  	s25 =	simm.s32 $0x1B8E;
	s24 =	sld [smem:$0x3FFE];
	[sflag:s23] =	ssyncadd.s32 $0xFFFFFFFF  }
0xa5: {  	s26 =	simm.s32 $execute0_lowered;
	[smem:$0x3FD2] =	sst s25  }
0xa6: {  	s4 =	sshll.u32 s26, $0x1;
	_ =	strace $0x80000046;
	[dreg:$0x1] =	wrdreg $0xFFFFFFFF  }
0xa7: {  	s28 =	simm.s32 $_size_execute0_lowered;
	s2 =	sadd.s32 s2, s4;
	[dreg:$0x0] =	wrdreg $0x0  }
0xa8: {  	s4 =	sshll.u32 s28, $0x1;
	[dreg:$0x2] =	wrdreg s2  }
0xa9: {  	[dreg:$0x3] =	wrdreg s4  }
0xaa: {  	[dreg:$0x4] =	wrdreg $0xC0  }
0xab: {  	_ =	task [dreg:s6], $0x5FFFF  }
0xac: {  	[dreg:$0x1] =	wrdreg $0xFFFFFFFF  }
0xad: {  	[dreg:$0x0] =	wrdreg $0x60  }
0xae: {  	[dreg:$0x2] =	wrdreg s24  }
0xaf: {  	[dreg:$0x3] =	wrdreg $0x94800  }
0xb0: {  	[dreg:$0x4] =	wrdreg $0xBC800  }
0xb1: {  	[dreg:$0x5] =	wrdreg $0x9  }
0xb2: {  	_ =	task.clear_ibuf [dreg:s6], $0x6FFFF;
	_ =	strace $0x90000046  }
0xb3: {  	s29 =	simm.s32 $0x9;
	_ =	strace $0x80000048  }
0xb4: {  	_ =	swait.ge [sflag:s29], $0x1  }
0xb5: {  	[sflag:s29] =	ssyncadd.s32 $0xFFFFFFFF  }
0xb6: {  	_ =	strace $0x90000048  }
0xb7: {  	_ =	sfence  }
0xb8: {  	s30 =	sld [smem:$0x0];
	_ =	sdelay $0x2  }
0xb9: {  	s31 =	sshll.u32 s1, $0xD;
	s1 =	sshrl.u32 s1, $0x2  }
0xba: {  	s3 =	sand.u32 $0x4000, s31;
	s1 =	sadd.s32 s1, s30  }
0xbb: {  	s0 =	sor.u32 s3, s0;
	s1 =	sshll.u32 s1, $0x11  }
0xbc: {  	s0 =	sor.u32 s1, s0  }
0xbd: {  	s0 =	sadd.s32 $0x8F2B, s0  }
0xbe: {  	[sflag:s0] =	ssyncadd.remote.s32 $0x1  }
0xbf: {  	_ =	sfence.sel $0xFFFF  }
0xc0: {  	[dreg:$0x0] =	wrdreg $0xFFFFFFFF;
	(pc) =	sbr.abs _section_cstart, $3  }
0xc1: {  	[dreg:$0x1] =	wrdreg $0xFFFFFFFF  }
0xc2: {  	_ =	task.clear_ibuf [dreg:s6], $0x2FFFF;
	_ =	strace $0x9FFFFFFF  }
0xc3: {  	(tm) =	ssettm $0x7FFFFFFF  }
tec
execute0_lowered:
.L_overlay_start_1:
0x0: {  	(tag) =	ssettag $0x1  }
0x1: {  	s0 =	rddreg [dreg:$0x0]  }
0x2: {  	s2 =	rddreg [dreg:$0x1]  }
0x3: {  	s1 =	rddreg [dreg:$0x2];
	s16 =	stileid.u32  }
0x4: {  	s3 =	simm.s32 $0x0;
	s5 =	srdreg.scid;
	s17 =	simm.s32 $0x100  }
0x5: {  	s18 =	simm.s32 $0x3A00;
	s19 =	simm.s32 $0x1;
	s4 =	smul.u32 $0x32, s16  }
0x6: {  	s20 =	simm.s32 $0x4200;
	s28 =	simm.s32 $0x2800;
	s6 =	smul.u32 $0x1E, s16  }
0x7: {  	s29 =	simm.s32 $0x6A00;
	s30 =	simm.s32 $0x9200;
	s21 =	smul.u32 $0x2800, s16  }
0x8: {  	[smem:$0x7FF] =	sst s3;
	s15 =	sand.u32 $0x1, s5;
	s10 =	smul.u32 $0x280, s16  }
0x9: {  	s12 =	smul.u32 $0xA000, s16;
	s26 =	sshll.u32 s16, $0x6;
	s16 =	simm.s32 $0x3200  }
0xa: {  	p0 =	seq.s32 s15, $0x0;
	s7 =	smul.u32 $0x28000, s15;
	_ =	strace $0x80000047  }
0xb: {  	s8 =	smul.u32 $0x2800, s15;
	s24 =	ssub.s32 $0x2, s15;
	s6 =	sadd.s32 $0x320, s6  }
0xc: {  	s22 =	sshrl.u32 s21, $0x3;
	s25 =	sshrl.u32 s24, $0x1;
	s14 =	sadd.s32 s21, s2  }
0xd: {  	s31 =	sshrl.u32 s12, $0x2;
	s6 =	smov.u32 @p0 s4;
	s4 =	sadd.s32 $0x2AE00, s0  }
0xe: {  	s7 =	sadd.s32 s21, s7;
	s8 =	sadd.s32 s10, s8;
	s13 =	ssub.s32 s24, s25  }
0xf: {  	s10 =	sadd.s32 s10, s1;
	p0 =	sne.s32 s15, $0x0;
	s15 =	simm.s32 $0x80  }
0x10: {  	s21 =	simm.s32 $0x3;
	s6 =	sshll.u32 s6, $0x5;
	s7 =	sshrl.u32 s7, $0x3  }
0x11: {  	s23 =	sshrl.u32 s8, $0x3;
	s8 =	sadd.s32 s31, s1;
	s12 =	smax.u32 s13, $0x1  }
0x12: {  	s13 =	sshrl.u32 s14, $0x3;
	s14 =	simm.s32 $0x5;
	s1 =	simm.s32 $0x0  }
0x13: {  	s9 =	sadd.s32 s6, s0;
	s6 =	sadd.s32 s22, s0;
	s11 =	sadd.s32 s7, s0  }
0x14: {  	s0 =	sadd.s32 s23, s0;
	s22 =	simm.s32 $0x2;
	s23 =	simm.s32 $0x4  }
0x15: {  	s5 =	sadd.s32 $0x3A600, s6;
	s6 =	sor.u32 $0x1C05, s26;
	s7 =	sadd.s32 $0x2FE00, s9  }
0x16: {  	v0 =	vimm.f32 $0.0e+00;
	v1 =	vimm.f32 $1.000000000e+00;
	s9 =	sadd.s32 $0x3F600, s11;
	s11 =	sadd.s32 $0x49600, s0;
	s26 =	simm.s32 $0x280  }
.LBB2_1:
0x17: {  	[spmem:s13], [sflag:s6] =	dma.local [hbm:s5], $0x500  }
0x18: {  	_ =	swait.ge [sflag:s14], $0x500  }
0x19: {  	[sflag:s14] =	ssyncset.done $0x0  }
0x1a: {  	[sflag:s14] =	ssyncadd.s32 $0xFFFFFB00  }
0x1b: {  	[tilespmem:s3], [sflag:$0x5] =	stream.linear.gather [hbm4b:s7+s3], $0x3200, $0x38;
	[tilespmem:$0xE480] =	vst v63  }
0x1c: {  	_ =	swait.ge [sflag:s14], $0x3200  }
0x1d: {  	[sflag:s14] =	ssyncset.done $0x0  }
0x1e: {  	s0 =	simm.s32 $0x40;
	s24 =	simm.s32 $0x0;
	[sflag:s14] =	ssyncadd.s32 $0xFFFFCE00  }
.LBB2_2:
0x1f: {  	p1 =	sne.s32 s0, $0x9FC0;
	[tilespmem:s24+$0x4200] =	vst v0;
	s24 =	smov.u32 s0;
	s0 =	sadd.s32 $0x40, s0  }
.Ltmp0:
0x20: {  	(pc) =	sbr.rel @p1 .LBB2_2-.Ltmp0, $2  }
0x21: {  	_ =	sdelay $0x2  }
0x22: {  	s24 =	sshra.s32 s24, $0x2  }
.Ltmp1:
0x23: {  	[tilespmem:s24+$0x4200] =	vst v0;
	(pc) =	sbr.rel @p0 .LBB2_6-.Ltmp1, $4  }
0x24: {  	s24 =	simm.s32 $0x0;
	[bflag:$0x0] =	sbarrier.arrive $0xFFFF  }
0x25: {  	[tilespmem:s16], [sflag:$0x1] =	stream.indirect.gather [hbm4b:s4+s15], $0x10, s24, s15, $0xb8;
	[tilespmem:$0xE480] =	vst v63  }
0x26: {  	_ = 	snop  }
0x27: {  	[tilespmem:s18], [sflag:$0x2] =	stream.indirect.gather [hbm4b:s4+s15], $0x10, s17, s15, $0xb8;
	[tilespmem:$0xE480] =	vst v63  }
.LBB2_4:
0x28: {  	_ =	swait.ge [sflag:s19], $0x800  }
0x29: {  	s0 =	sshra.s32 s24, $0x2;
	[sflag:s19] =	ssyncset.done $0x0  }
0x2a: {  	s25 =	sadd.s32 $0x80, s0;
	[sflag:s19] =	ssyncadd.s32 $0xFFFFF800  }
0x2b: {  	[spmem:s2] =	stream.indirect.scatter.add.f32 [tilespmem:s16], [sflag:$0x3], $0x10, s25, s15, $0xb8;
	[tilespmem:$0xE480] =	vst v63  }
0x2c: {  	v2 =	vld [tilespmem:s0+$0x80];
	_ =	sdelay $0x7  }
0x2d: {  	[tilespmem:v2+s20+$0x0] =	vst.idx.add.f32.msk $0xffff, v1  }
0x2e: {  	v2 =	vld [tilespmem:s0+$0x90];
	_ =	sdelay $0x7  }
0x2f: {  	[tilespmem:v2+s20+$0x0] =	vst.idx.add.f32.msk $0xffff, v1  }
0x30: {  	v2 =	vld [tilespmem:s0+$0xA0];
	_ =	sdelay $0x7  }
0x31: {  	[tilespmem:v2+s20+$0x0] =	vst.idx.add.f32.msk $0xffff, v1  }
0x32: {  	v2 =	vld [tilespmem:s0+$0xB0];
	_ =	sdelay $0x7  }
0x33: {  	[tilespmem:v2+s20+$0x0] =	vst.idx.add.f32.msk $0xffff, v1  }
0x34: {  	v2 =	vld [tilespmem:s0+$0xC0];
	_ =	sdelay $0x7  }
0x35: {  	[tilespmem:v2+s20+$0x0] =	vst.idx.add.f32.msk $0xffff, v1  }
0x36: {  	v2 =	vld [tilespmem:s0+$0xD0];
	_ =	sdelay $0x7  }
0x37: {  	[tilespmem:v2+s20+$0x0] =	vst.idx.add.f32.msk $0xffff, v1  }
0x38: {  	v2 =	vld [tilespmem:s0+$0xE0];
	_ =	sdelay $0x7  }
0x39: {  	[tilespmem:v2+s20+$0x0] =	vst.idx.add.f32.msk $0xffff, v1  }
0x3a: {  	v2 =	vld [tilespmem:s0+$0xF0];
	_ =	sdelay $0x7  }
0x3b: {  	[tilespmem:v2+s20+$0x0] =	vst.idx.add.f32.msk $0xffff, v1  }
0x3c: {  	_ =	swait.ge [sflag:s21], $0x800  }
0x3d: {  	[sflag:s21] =	ssyncset.done $0x0  }
0x3e: {  	s31 =	sadd.s32 $0x200, s0;
	[sflag:s21] =	ssyncadd.s32 $0xFFFFF800  }
0x3f: {  	[tilespmem:s16], [sflag:$0x1] =	stream.indirect.gather [hbm4b:s4+s15], $0x10, s31, s15, $0xb8;
	[tilespmem:$0xE480] =	vst v63  }
0x40: {  	_ =	swait.ge [sflag:s22], $0x800  }
0x41: {  	[sflag:s22] =	ssyncset.done $0x0  }
0x42: {  	s31 =	sadd.s32 $0x180, s0;
	[sflag:s22] =	ssyncadd.s32 $0xFFFFF800  }
0x43: {  	[spmem:s2] =	stream.indirect.scatter.add.f32 [tilespmem:s18], [sflag:$0x4], $0x10, s31, s15, $0xb8;
	[tilespmem:$0xE480] =	vst v63  }
0x44: {  	v2 =	vld [tilespmem:s0+$0x180];
	_ =	sdelay $0x7  }
0x45: {  	[tilespmem:v2+s20+$0x0] =	vst.idx.add.f32.msk $0xffff, v1  }
0x46: {  	v2 =	vld [tilespmem:s0+$0x190];
	_ =	sdelay $0x7  }
0x47: {  	[tilespmem:v2+s20+$0x0] =	vst.idx.add.f32.msk $0xffff, v1  }
0x48: {  	v2 =	vld [tilespmem:s0+$0x1A0];
	_ =	sdelay $0x7  }
0x49: {  	[tilespmem:v2+s20+$0x0] =	vst.idx.add.f32.msk $0xffff, v1  }
0x4a: {  	v2 =	vld [tilespmem:s0+$0x1B0];
	_ =	sdelay $0x7  }
0x4b: {  	[tilespmem:v2+s20+$0x0] =	vst.idx.add.f32.msk $0xffff, v1  }
0x4c: {  	v2 =	vld [tilespmem:s0+$0x1C0];
	_ =	sdelay $0x7  }
0x4d: {  	[tilespmem:v2+s20+$0x0] =	vst.idx.add.f32.msk $0xffff, v1  }
0x4e: {  	v2 =	vld [tilespmem:s0+$0x1D0];
	_ =	sdelay $0x7  }
0x4f: {  	[tilespmem:v2+s20+$0x0] =	vst.idx.add.f32.msk $0xffff, v1  }
0x50: {  	v2 =	vld [tilespmem:s0+$0x1E0];
	_ =	sdelay $0x7  }
0x51: {  	[tilespmem:v2+s20+$0x0] =	vst.idx.add.f32.msk $0xffff, v1  }
0x52: {  	v2 =	vld [tilespmem:s0+$0x1F0];
	_ =	sdelay $0x6  }
0x53: {  	p1 =	seq.s32 s24, $0xB800  }
.Ltmp2:
0x54: {  	[tilespmem:v2+s20+$0x0] =	vst.idx.add.f32.msk $0xffff, v1;
	(pc) =	sbr.rel @!p1 .LBB2_4-.Ltmp2, $4  }
0x55: {  	_ =	swait.ge [sflag:s23], $0x800  }
0x56: {  	[sflag:s23] =	ssyncset.done $0x0  }
0x57: {  	s24 =	sadd.s32 $0x800, s24;
	s0 =	sadd.s32 $0x300, s0;
	[sflag:s23] =	ssyncadd.s32 $0xFFFFF800  }
0x58: {  	[tilespmem:s18], [sflag:$0x2] =	stream.indirect.gather [hbm4b:s4+s15], $0x10, s0, s15, $0xb8;
	[tilespmem:$0xE480] =	vst v63  }
0x59: {  	_ =	swait.ge [sflag:s19], $0x800  }
0x5a: {  	[sflag:s19] =	ssyncset.done $0x0  }
0x5b: {  	s0 =	simm.s32 $0x3080;
	[sflag:s19] =	ssyncadd.s32 $0xFFFFF800  }
0x5c: {  	[spmem:s2] =	stream.indirect.scatter.add.f32 [tilespmem:s16], [sflag:$0x3], $0x10, s0, s15, $0xb8;
	[tilespmem:$0xE480] =	vst v63  }
0x5d: {  	v2 =	vld [tilespmem:$0x3080];
	_ =	sdelay $0x7  }
0x5e: {  	[tilespmem:v2+s20+$0x0] =	vst.idx.add.f32.msk $0xffff, v1  }
0x5f: {  	v2 =	vld [tilespmem:$0x3090];
	_ =	sdelay $0x7  }
0x60: {  	[tilespmem:v2+s20+$0x0] =	vst.idx.add.f32.msk $0xffff, v1  }
0x61: {  	v2 =	vld [tilespmem:$0x30A0];
	_ =	sdelay $0x7  }
0x62: {  	[tilespmem:v2+s20+$0x0] =	vst.idx.add.f32.msk $0xffff, v1  }
0x63: {  	v2 =	vld [tilespmem:$0x30B0];
	_ =	sdelay $0x7  }
0x64: {  	[tilespmem:v2+s20+$0x0] =	vst.idx.add.f32.msk $0xffff, v1  }
0x65: {  	v2 =	vld [tilespmem:$0x30C0];
	_ =	sdelay $0x7  }
0x66: {  	[tilespmem:v2+s20+$0x0] =	vst.idx.add.f32.msk $0xffff, v1  }
0x67: {  	v2 =	vld [tilespmem:$0x30D0];
	_ =	sdelay $0x7  }
0x68: {  	[tilespmem:v2+s20+$0x0] =	vst.idx.add.f32.msk $0xffff, v1  }
0x69: {  	v2 =	vld [tilespmem:$0x30E0];
	_ =	sdelay $0x7  }
0x6a: {  	[tilespmem:v2+s20+$0x0] =	vst.idx.add.f32.msk $0xffff, v1  }
0x6b: {  	v2 =	vld [tilespmem:$0x30F0];
	_ =	sdelay $0x7  }
0x6c: {  	[tilespmem:v2+s20+$0x0] =	vst.idx.add.f32.msk $0xffff, v1  }
0x6d: {  	_ =	swait.ge [sflag:s22], $0x800  }
0x6e: {  	[sflag:s22] =	ssyncset.done $0x0  }
0x6f: {  	s31 =	simm.s32 $0x3180;
	[sflag:s22] =	ssyncadd.s32 $0xFFFFF800  }
0x70: {  	[spmem:s2] =	stream.indirect.scatter.add.f32 [tilespmem:s18], [sflag:$0x4], $0x10, s31, s15, $0xb8;
	[tilespmem:$0xE480] =	vst v63  }
0x71: {  	v2 =	vld [tilespmem:$0x3180];
	_ =	sdelay $0x7  }
0x72: {  	[tilespmem:v2+s20+$0x0] =	vst.idx.add.f32.msk $0xffff, v1  }
0x73: {  	v2 =	vld [tilespmem:$0x3190];
	_ =	sdelay $0x7  }
0x74: {  	[tilespmem:v2+s20+$0x0] =	vst.idx.add.f32.msk $0xffff, v1  }
0x75: {  	v2 =	vld [tilespmem:$0x31A0];
	_ =	sdelay $0x7  }
0x76: {  	[tilespmem:v2+s20+$0x0] =	vst.idx.add.f32.msk $0xffff, v1  }
0x77: {  	v2 =	vld [tilespmem:$0x31B0];
	_ =	sdelay $0x7  }
0x78: {  	[tilespmem:v2+s20+$0x0] =	vst.idx.add.f32.msk $0xffff, v1  }
0x79: {  	v2 =	vld [tilespmem:$0x31C0];
	_ =	sdelay $0x7  }
0x7a: {  	[tilespmem:v2+s20+$0x0] =	vst.idx.add.f32.msk $0xffff, v1  }
0x7b: {  	v2 =	vld [tilespmem:$0x31D0];
	_ =	sdelay $0x3  }
.Ltmp3:
0x7c: {  	_ = 	snop;
	(pc) =	sbr.rel .LBB2_8-.Ltmp3, $2  }
0x7d: {  	_ =	sdelay $0x2  }
0x7e: {  	s24 =	simm.s32 $0x31E0;
	s0 =	simm.s32 $0x31F0;
	[tilespmem:v2+s20+$0x0] =	vst.idx.add.f32.msk $0xffff, v1  }
.LBB2_6:
0x7f: {  	_ =	swait.ge [sflag:s19], $0x800  }
0x80: {  	s0 =	sshra.s32 s24, $0x2;
	[sflag:s19] =	ssyncset.done $0x0  }
0x81: {  	s25 =	sadd.s32 $0x80, s0;
	[sflag:s19] =	ssyncadd.s32 $0xFFFFF800  }
0x82: {  	[spmem:s2] =	stream.indirect.scatter.add.f32 [tilespmem:s16], [sflag:$0x3], $0x10, s25, s15, $0xb8;
	[tilespmem:$0xE480] =	vst v63  }
0x83: {  	v2 =	vld [tilespmem:s0+$0x80];
	_ =	sdelay $0x7  }
0x84: {  	[tilespmem:v2+s20+$0x0] =	vst.idx.add.f32.msk $0xffff, v1  }
0x85: {  	v2 =	vld [tilespmem:s0+$0x90];
	_ =	sdelay $0x7  }
0x86: {  	[tilespmem:v2+s20+$0x0] =	vst.idx.add.f32.msk $0xffff, v1  }
0x87: {  	v2 =	vld [tilespmem:s0+$0xA0];
	_ =	sdelay $0x7  }
0x88: {  	[tilespmem:v2+s20+$0x0] =	vst.idx.add.f32.msk $0xffff, v1  }
0x89: {  	v2 =	vld [tilespmem:s0+$0xB0];
	_ =	sdelay $0x7  }
0x8a: {  	[tilespmem:v2+s20+$0x0] =	vst.idx.add.f32.msk $0xffff, v1  }
0x8b: {  	v2 =	vld [tilespmem:s0+$0xC0];
	_ =	sdelay $0x7  }
0x8c: {  	[tilespmem:v2+s20+$0x0] =	vst.idx.add.f32.msk $0xffff, v1  }
0x8d: {  	v2 =	vld [tilespmem:s0+$0xD0];
	_ =	sdelay $0x7  }
0x8e: {  	[tilespmem:v2+s20+$0x0] =	vst.idx.add.f32.msk $0xffff, v1  }
0x8f: {  	v2 =	vld [tilespmem:s0+$0xE0];
	_ =	sdelay $0x7  }
0x90: {  	[tilespmem:v2+s20+$0x0] =	vst.idx.add.f32.msk $0xffff, v1  }
0x91: {  	v2 =	vld [tilespmem:s0+$0xF0];
	_ =	sdelay $0x7  }
0x92: {  	[tilespmem:v2+s20+$0x0] =	vst.idx.add.f32.msk $0xffff, v1  }
0x93: {  	_ =	swait.ge [sflag:s21], $0x800  }
0x94: {  	[sflag:s21] =	ssyncset.done $0x0  }
0x95: {  	s31 =	sadd.s32 $0x200, s0;
	[sflag:s21] =	ssyncadd.s32 $0xFFFFF800  }
0x96: {  	[tilespmem:s16], [sflag:$0x1] =	stream.indirect.gather [hbm4b:s4+s15], $0x10, s31, s15, $0xb8;
	[tilespmem:$0xE480] =	vst v63  }
0x97: {  	_ =	swait.ge [sflag:s22], $0x800  }
0x98: {  	[sflag:s22] =	ssyncset.done $0x0  }
0x99: {  	s31 =	sadd.s32 $0x180, s0;
	[sflag:s22] =	ssyncadd.s32 $0xFFFFF800  }
0x9a: {  	[spmem:s2] =	stream.indirect.scatter.add.f32 [tilespmem:s18], [sflag:$0x4], $0x10, s31, s15, $0xb8;
	[tilespmem:$0xE480] =	vst v63  }
0x9b: {  	v2 =	vld [tilespmem:s0+$0x180];
	_ =	sdelay $0x7  }
0x9c: {  	[tilespmem:v2+s20+$0x0] =	vst.idx.add.f32.msk $0xffff, v1  }
0x9d: {  	v2 =	vld [tilespmem:s0+$0x190];
	_ =	sdelay $0x7  }
0x9e: {  	[tilespmem:v2+s20+$0x0] =	vst.idx.add.f32.msk $0xffff, v1  }
0x9f: {  	v2 =	vld [tilespmem:s0+$0x1A0];
	_ =	sdelay $0x7  }
0xa0: {  	[tilespmem:v2+s20+$0x0] =	vst.idx.add.f32.msk $0xffff, v1  }
0xa1: {  	v2 =	vld [tilespmem:s0+$0x1B0];
	_ =	sdelay $0x7  }
0xa2: {  	[tilespmem:v2+s20+$0x0] =	vst.idx.add.f32.msk $0xffff, v1  }
0xa3: {  	v2 =	vld [tilespmem:s0+$0x1C0];
	_ =	sdelay $0x7  }
0xa4: {  	[tilespmem:v2+s20+$0x0] =	vst.idx.add.f32.msk $0xffff, v1  }
0xa5: {  	v2 =	vld [tilespmem:s0+$0x1D0];
	_ =	sdelay $0x7  }
0xa6: {  	[tilespmem:v2+s20+$0x0] =	vst.idx.add.f32.msk $0xffff, v1  }
0xa7: {  	v2 =	vld [tilespmem:s0+$0x1E0];
	_ =	sdelay $0x7  }
0xa8: {  	[tilespmem:v2+s20+$0x0] =	vst.idx.add.f32.msk $0xffff, v1  }
0xa9: {  	v2 =	vld [tilespmem:s0+$0x1F0];
	_ =	sdelay $0x6  }
0xaa: {  	p1 =	seq.s32 s24, $0x6800  }
.Ltmp4:
0xab: {  	[tilespmem:v2+s20+$0x0] =	vst.idx.add.f32.msk $0xffff, v1;
	(pc) =	sbr.rel @!p1 .LBB2_6-.Ltmp4, $4  }
0xac: {  	_ =	swait.ge [sflag:s23], $0x800  }
0xad: {  	[sflag:s23] =	ssyncset.done $0x0  }
0xae: {  	s24 =	sadd.s32 $0x800, s24;
	s0 =	sadd.s32 $0x300, s0;
	[sflag:s23] =	ssyncadd.s32 $0xFFFFF800  }
0xaf: {  	[tilespmem:s18], [sflag:$0x2] =	stream.indirect.gather [hbm4b:s4+s15], $0x10, s0, s15, $0xb8;
	[tilespmem:$0xE480] =	vst v63  }
0xb0: {  	_ =	swait.ge [sflag:s19], $0x800  }
0xb1: {  	[sflag:s19] =	ssyncset.done $0x0  }
0xb2: {  	s0 =	simm.s32 $0x1C80;
	[sflag:s19] =	ssyncadd.s32 $0xFFFFF800  }
0xb3: {  	[spmem:s2] =	stream.indirect.scatter.add.f32 [tilespmem:s16], [sflag:$0x3], $0x10, s0, s15, $0xb8;
	[tilespmem:$0xE480] =	vst v63  }
0xb4: {  	v2 =	vld [tilespmem:$0x1C80];
	_ =	sdelay $0x7  }
0xb5: {  	[tilespmem:v2+s20+$0x0] =	vst.idx.add.f32.msk $0xffff, v1  }
0xb6: {  	v2 =	vld [tilespmem:$0x1C90];
	_ =	sdelay $0x7  }
0xb7: {  	[tilespmem:v2+s20+$0x0] =	vst.idx.add.f32.msk $0xffff, v1  }
0xb8: {  	v2 =	vld [tilespmem:$0x1CA0];
	_ =	sdelay $0x7  }
0xb9: {  	[tilespmem:v2+s20+$0x0] =	vst.idx.add.f32.msk $0xffff, v1  }
0xba: {  	v2 =	vld [tilespmem:$0x1CB0];
	_ =	sdelay $0x7  }
0xbb: {  	[tilespmem:v2+s20+$0x0] =	vst.idx.add.f32.msk $0xffff, v1  }
0xbc: {  	v2 =	vld [tilespmem:$0x1CC0];
	_ =	sdelay $0x7  }
0xbd: {  	[tilespmem:v2+s20+$0x0] =	vst.idx.add.f32.msk $0xffff, v1  }
0xbe: {  	v2 =	vld [tilespmem:$0x1CD0];
	_ =	sdelay $0x7  }
0xbf: {  	[tilespmem:v2+s20+$0x0] =	vst.idx.add.f32.msk $0xffff, v1  }
0xc0: {  	v2 =	vld [tilespmem:$0x1CE0];
	_ =	sdelay $0x7  }
0xc1: {  	[tilespmem:v2+s20+$0x0] =	vst.idx.add.f32.msk $0xffff, v1  }
0xc2: {  	v2 =	vld [tilespmem:$0x1CF0];
	_ =	sdelay $0x7  }
0xc3: {  	[tilespmem:v2+s20+$0x0] =	vst.idx.add.f32.msk $0xffff, v1  }
0xc4: {  	_ =	swait.ge [sflag:s22], $0x800  }
0xc5: {  	[sflag:s22] =	ssyncset.done $0x0  }
0xc6: {  	s31 =	simm.s32 $0x1D80;
	[sflag:s22] =	ssyncadd.s32 $0xFFFFF800  }
0xc7: {  	[spmem:s2] =	stream.indirect.scatter.add.f32 [tilespmem:s18], [sflag:$0x4], $0x10, s31, s15, $0xb8;
	[tilespmem:$0xE480] =	vst v63  }
0xc8: {  	v2 =	vld [tilespmem:$0x1D80];
	_ =	sdelay $0x7  }
0xc9: {  	[tilespmem:v2+s20+$0x0] =	vst.idx.add.f32.msk $0xffff, v1  }
0xca: {  	v2 =	vld [tilespmem:$0x1D90];
	_ =	sdelay $0x7  }
0xcb: {  	[tilespmem:v2+s20+$0x0] =	vst.idx.add.f32.msk $0xffff, v1  }
0xcc: {  	v2 =	vld [tilespmem:$0x1DA0];
	_ =	sdelay $0x7  }
0xcd: {  	[tilespmem:v2+s20+$0x0] =	vst.idx.add.f32.msk $0xffff, v1  }
0xce: {  	v2 =	vld [tilespmem:$0x1DB0];
	_ =	sdelay $0x7  }
0xcf: {  	[tilespmem:v2+s20+$0x0] =	vst.idx.add.f32.msk $0xffff, v1  }
0xd0: {  	v2 =	vld [tilespmem:$0x1DC0];
	_ =	sdelay $0x7  }
0xd1: {  	[tilespmem:v2+s20+$0x0] =	vst.idx.add.f32.msk $0xffff, v1  }
0xd2: {  	v2 =	vld [tilespmem:$0x1DD0];
	_ =	sdelay $0x7  }
0xd3: {  	s24 =	simm.s32 $0x1DE0;
	s0 =	simm.s32 $0x1DF0;
	[tilespmem:v2+s20+$0x0] =	vst.idx.add.f32.msk $0xffff, v1  }
.LBB2_8:
0xd4: {  	v2 =	vld [tilespmem:s24+$0x0];
	_ =	sdelay $0x7  }
0xd5: {  	[tilespmem:v2+s20+$0x0] =	vst.idx.add.f32.msk $0xffff, v1  }
0xd6: {  	v2 =	vld [tilespmem:s0+$0x0];
	_ =	sdelay $0x7  }
0xd7: {  	[tilespmem:v2+s20+$0x0] =	vst.idx.add.f32.msk $0xffff, v1  }
0xd8: {  	_ =	swait.ge [sflag:s21], $0x800  }
0xd9: {  	[sflag:s21] =	ssyncset.done $0x0  }
0xda: {  	[sflag:s21] =	ssyncadd.s32 $0xFFFFF800  }
0xdb: {  	_ =	swait.ge [sflag:s23], $0x800  }
0xdc: {  	[sflag:s23] =	ssyncset.done $0x0  }
0xdd: {  	[sflag:s23] =	ssyncadd.s32 $0xFFFFF800  }
0xde: {  	[spmem:s8] =	stream.linear.scatter [tilespmem:s20], [sflag:$0x5], $0x2800, $0x38;
	[tilespmem:$0xE480] =	vst v63  }
0xdf: {  	_ =	swait.ge [sflag:s14], $0x2800  }
0xe0: {  	[sflag:s14] =	ssyncset.done $0x0  }
0xe1: {  	[sflag:s14] =	ssyncadd.s32 $0xFFFFD800  }
0xe2: {  	[bflag:$0x0] =	sbarrier.arrive $0xFFFF  }
0xe3: {  	[hbm:s9], [sflag:s6] =	dma.local [spmem:s13], $0x500  }
0xe4: {  	_ =	swait.ge [sflag:s14], $0x500  }
0xe5: {  	[sflag:s14] =	ssyncset.done $0x0  }
0xe6: {  	[sflag:s14] =	ssyncadd.s32 $0xFFFFFB00  }
0xe7: {  	[tilespmem:s29], [sflag:$0x5] =	stream.strided.gather [spmem:s10], $0x2800, s28, s26, $0x38;
	[tilespmem:$0xE480] =	vst v63  }
0xe8: {  	_ =	swait.ge [sflag:s14], $0x2800  }
0xe9: {  	[sflag:s14] =	ssyncset.done $0x0  }
0xea: {  	s25 =	simm.s32 $0x0;
	[sflag:s14] =	ssyncadd.s32 $0xFFFFD800  }
0xeb: {  	v2 =	vld [tilespmem:s25+$0x6A00]  }
0xec: {  	v3 =	vld [tilespmem:s25+$0x6C80];
	_ =	sdelay $0x1  }
0xed: {  	v4 =	vld [tilespmem:s25+$0x6F00];
	_ =	sdelay $0x1  }
0xee: {  	v5 =	vld [tilespmem:s25+$0x7180]  }
0xef: {  	v2 =	vadd.f32 v3, v2  }
0xf0: {  	v3 =	vld [tilespmem:s25+$0x7400]  }
0xf1: {  	v2 =	vadd.f32 v4, v2  }
0xf2: {  	v4 =	vld [tilespmem:s25+$0x7680]  }
0xf3: {  	v2 =	vadd.f32 v5, v2  }
0xf4: {  	v5 =	vld [tilespmem:s25+$0x7900]  }
0xf5: {  	v2 =	vadd.f32 v3, v2  }
0xf6: {  	v3 =	vld [tilespmem:s25+$0x7B80]  }
0xf7: {  	s24 =	simm.s32 $0x10;
	v6 =	vld [tilespmem:s25+$0x7E00];
	v2 =	vadd.f32 v4, v2  }
0xf8: {  	v7 =	vld [tilespmem:s24+$0x6A00]  }
0xf9: {  	v4 =	vld [tilespmem:s25+$0x8080];
	v2 =	vadd.f32 v5, v2  }
0xfa: {  	v5 =	vld [tilespmem:s24+$0x6C80]  }
0xfb: {  	v8 =	vld [tilespmem:s24+$0x6F00];
	v2 =	vadd.f32 v3, v2  }
0xfc: {  	v3 =	vld [tilespmem:s25+$0x8300]  }
0xfd: {  	v9 =	vld [tilespmem:s24+$0x7180];
	v2 =	vadd.f32 v6, v2  }
0xfe: {  	v6 =	vld [tilespmem:s25+$0x8580]  }
0xff: {  	v5 =	vadd.f32 v5, v7;
	v7 =	vld [tilespmem:s24+$0x7400];
	v2 =	vadd.f32 v4, v2  }
0x100: {  	v4 =	vld [tilespmem:s25+$0x8800]  }
0x101: {  	v5 =	vadd.f32 v8, v5;
	v8 =	vld [tilespmem:s24+$0x7680];
	v2 =	vadd.f32 v3, v2  }
0x102: {  	v3 =	vld [tilespmem:s25+$0x8A80]  }
0x103: {  	v10 =	vld [tilespmem:s24+$0x7900];
	v5 =	vadd.f32 v9, v5;
	v2 =	vadd.f32 v6, v2  }
0x104: {  	v9 =	vld [tilespmem:s25+$0x8D00]  }
0x105: {  	v6 =	vadd.f32 v7, v5;
	v5 =	vld [tilespmem:s24+$0x7B80];
	v7 =	vadd.f32 v4, v2  }
0x106: {  	v4 =	vld [tilespmem:s25+$0x8F80]  }
0x107: {  	v2 =	vld [tilespmem:s24+$0x8080];
	v8 =	vadd.f32 v8, v6;
	v11 =	vadd.f32 v3, v7  }
0x108: {  	s31 =	simm.s32 $0x20;
	v6 =	vld [tilespmem:s24+$0x7E00]  }
0x109: {  	s0 =	simm.s32 $0xC0;
	v3 =	vld [tilespmem:s31+$0x6A00];
	v7 =	vadd.f32 v10, v8;
	v8 =	vadd.f32 v9, v11  }
.LBB2_9:
0x10a: {  	p1 =	sne.s32 s0, $0x9C0;
	v9 =	vld [tilespmem:s31+$0x6C80]  }
0x10b: {  	v5 =	vadd.f32 v5, v7;
	v7 =	vld [tilespmem:s24+$0x8300];
	v4 =	vadd.f32 v4, v8  }
0x10c: {  	v8 =	vld [tilespmem:s31+$0x6F00]  }
0x10d: {  	v5 =	vadd.f32 v6, v5;
	v6 =	vld [tilespmem:s24+$0x8580];
	[tilespmem:s25+$0x9200] =	vst v4;
	s25 =	smov.u32 s24;
	s24 =	smov.u32 s31  }
0x10e: {  	v4 =	vld [tilespmem:s24+$0x7180]  }
0x10f: {  	v3 =	vadd.f32 v9, v3;
	v2 =	vadd.f32 v2, v5;
	v5 =	vld [tilespmem:s25+$0x8800]  }
0x110: {  	v9 =	vld [tilespmem:s24+$0x7400]  }
0x111: {  	v3 =	vadd.f32 v8, v3;
	v2 =	vadd.f32 v7, v2;
	v7 =	vld [tilespmem:s25+$0x8A80]  }
0x112: {  	v8 =	vld [tilespmem:s24+$0x7680]  }
0x113: {  	v3 =	vadd.f32 v4, v3;
	v2 =	vadd.f32 v6, v2;
	v10 =	vld [tilespmem:s25+$0x8D00]  }
0x114: {  	v11 =	vld [tilespmem:s24+$0x7900]  }
.Ltmp5:
0x115: {  	v3 =	vadd.f32 v9, v3;
	v6 =	vadd.f32 v5, v2;
	v4 =	vld [tilespmem:s25+$0x8F80];
	(pc) =	sbr.rel @p1 .LBB2_9-.Ltmp5, $4  }
0x116: {  	v5 =	vld [tilespmem:s24+$0x7B80]  }
0x117: {  	v8 =	vadd.f32 v8, v3;
	v2 =	vld [tilespmem:s24+$0x8080];
	v9 =	vadd.f32 v7, v6  }
0x118: {  	s31 =	sshra.s32 s0, $0x2;
	v6 =	vld [tilespmem:s24+$0x7E00]  }
0x119: {  	s0 =	sadd.s32 $0x40, s0;
	v3 =	vld [tilespmem:s31+$0x6A00];
	v7 =	vadd.f32 v11, v8;
	v8 =	vadd.f32 v10, v9  }
0x11a: {  	v9 =	vld [tilespmem:s31+$0x6C80]  }
0x11b: {  	v10 =	vld [tilespmem:s24+$0x8300];
	v4 =	vadd.f32 v4, v8  }
0x11c: {  	v49 =	vld [tilespmem:s31+$0x6F00]  }
0x11d: {  	v11 =	vld [tilespmem:s24+$0x8580];
	v5 =	vadd.f32 v5, v7;
	[tilespmem:s25+$0x9200] =	vst v4  }
0x11e: {  	v4 =	vld [tilespmem:s31+$0x7180]  }
0x11f: {  	v5 =	vadd.f32 v6, v5;
	v3 =	vadd.f32 v9, v3  }
0x120: {  	v50 =	vld [tilespmem:s31+$0x7400]  }
0x121: {  	v51 =	vld [tilespmem:s24+$0x8800];
	v2 =	vadd.f32 v2, v5;
	v3 =	vadd.f32 v49, v3  }
0x122: {  	v52 =	vld [tilespmem:s31+$0x7680]  }
0x123: {  	v53 =	vld [tilespmem:s24+$0x8A80];
	v2 =	vadd.f32 v10, v2;
	v3 =	vadd.f32 v4, v3  }
0x124: {  	v54 =	vld [tilespmem:s31+$0x7900]  }
0x125: {  	v55 =	vld [tilespmem:s24+$0x8D00];
	v2 =	vadd.f32 v11, v2;
	v3 =	vadd.f32 v50, v3  }
0x126: {  	v56 =	vld [tilespmem:s31+$0x7B80]  }
0x127: {  	v57 =	vld [tilespmem:s24+$0x8F80];
	v2 =	vadd.f32 v51, v2;
	v3 =	vadd.f32 v52, v3  }
0x128: {  	v58 =	vld [tilespmem:s31+$0x7E00]  }
0x129: {  	v2 =	vadd.f32 v53, v2;
	v3 =	vadd.f32 v54, v3  }
0x12a: {  	v59 =	vld [tilespmem:s31+$0x8080]  }
0x12b: {  	v2 =	vadd.f32 v55, v2;
	v3 =	vadd.f32 v56, v3  }
0x12c: {  	v60 =	vld [tilespmem:s31+$0x8300]  }
0x12d: {  	v2 =	vadd.f32 v57, v2;
	v3 =	vadd.f32 v58, v3  }
0x12e: {  	v61 =	vld [tilespmem:s31+$0x8580]  }
0x12f: {  	[tilespmem:s24+$0x9200] =	vst v2;
	v2 =	vadd.f32 v59, v3  }
0x130: {  	v3 =	vld [tilespmem:s31+$0x8800]  }
0x131: {  	v2 =	vadd.f32 v60, v2  }
0x132: {  	v62 =	vld [tilespmem:s31+$0x8A80]  }
0x133: {  	v2 =	vadd.f32 v61, v2  }
0x134: {  	v63 =	vld [tilespmem:s31+$0x8D00]  }
0x135: {  	v2 =	vadd.f32 v3, v2  }
0x136: {  	v3 =	vld [tilespmem:s31+$0x8F80]  }
0x137: {  	v2 =	vadd.f32 v62, v2;
	_ =	sdelay $0x1  }
0x138: {  	v2 =	vadd.f32 v63, v2;
	_ =	sdelay $0x1  }
0x139: {  	s1 =	sadd.s32 $0x1, s1;
	v2 =	vadd.f32 v3, v2  }
0x13a: {  	p1 =	sne.s32 s1, s12  }
.Ltmp6:
0x13b: {  	[tilespmem:s31+$0x9200] =	vst v2;
	(pc) =	sbr.rel @p1 .LBB2_1-.Ltmp6, $4  }
0x13c: {  	[hbm4b:s11+s3] =	stream.linear.scatter [tilespmem:s30], [sflag:$0x5], $0x280, $0x38;
	[tilespmem:$0xE480] =	vst v63  }
0x13d: {  	_ =	swait.ge [sflag:s14], $0x280  }
0x13e: {  	[sflag:s14] =	ssyncset.done $0x0  }
0x13f: {  	[sflag:s14] =	ssyncadd.s32 $0xFFFFFD80  }
0x140: {  	_ =	sfence.sel $0x180000  }
0x141: {  	[bflag:$0x0] =	sbarrier.arrive $0xFFFF  }
0x142: {  	_ =	strace $0x90000047  }
0x143: {  	s0 =	stileid.u32;
	[bflag:$0x2] =	sbarrier.arrive $0xFFFF  }
0x144: {  	p0 =	sne.s32 s0, $0x0;
	s0 =	rddreg [dreg:$0x3]  }
0x145: {  	s0 =	sadd.s32 @!p0 $0x100000, s0  }
0x146: {  	[sflag:s0] =	ssyncadd.tile.s32 @!p0 $0x1;
	_ =	shalt  }
.Lfunc_end2:
_tile_overlayer_lowered:
.L_overlay_start_2:
0x147: {  	(tag) =	ssettag $0x2  }
0x148: {  	s0 =	rddreg [dreg:$0x0];
	s2 =	stileid.u32  }
0x149: {  	s1 =	rddreg [dreg:$0x1];
	p0 =	sne.s32 s2, $0x0  }
0x14a: {  	s3 =	rddreg [dreg:$0x2];
	[bflag:$0x3] =	sbarrier.arrive $0xFFFF;
	s2 =	simm.s32 @!p0 $0x1C05  }
0x14b: {  	[timem:s3], [sflag:s2] =	dma.local @!p0 [hbm:s0], s1  }
0x14c: {  	s0 =	simm.s32 @!p0 $0x5  }
0x14d: {  	_ =	swait.ge @!p0 [sflag:s0], s1  }
0x14e: {  	s1 =	ssub.s32 @!p0 $0x0, s1;
	[sflag:s0] =	ssyncset.done @!p0 $0x0  }
0x14f: {  	[sflag:s0] =	ssyncadd.s32 @!p0 s1  }
0x150: {  	[bflag:$0x3] =	sbarrier.arrive $0xFFFF  }
0x151: {  	_ =	shalt  }

</sc_bundles>
